<compile_context>
chip_gen: v7x
topology: tpu7x:2x2x1
jax: 0.10.2.dev20260603
libtpu: 0.0.44.dev20260713+nightly
codegen_flags: <defaults>
</compile_context>

<pallas_src>
import functools

import jax
import jax.numpy as jnp
from jax import lax
from jax.experimental import pallas as pl
from jax.experimental.pallas import tpu as pltpu
from jax.experimental.pallas import tpu_sc as plsc

N = 10000
E = 320000
H = 128
NIN = 16
SCALE = 30.0
EPS = 1e-5

NUM_SC = 2
NUM_TILES = 16
NCHUNK = 2
ECHUNK = E // NCHUNK
EDGES_PER_TILE = ECHUNK // (NUM_SC * NUM_TILES)
CHUNK = 120
NRING = 3
NFULL = EDGES_PER_TILE // CHUNK
TAIL = EDGES_PER_TILE - NFULL * CHUNK
N_PAD = 10240
ROWS_PER_TILE = N_PAD // NUM_TILES


_EBLK = 6400

_SQRT_HALF = 0.7071067811865476


def _gelu(x):
    return 0.5 * x * (1.0 + lax.erf(x * _SQRT_HALF))


def _msg_body(het_ref, w_ref, b_ref, out_ref):
    m = lax.dot_general(het_ref[...].astype(jnp.bfloat16),
                        w_ref[...].astype(jnp.bfloat16),
                        ((( 0,), (0,)), ((), ())),
                        preferred_element_type=jnp.float32)
    out_ref[...] = _gelu(m + b_ref[...])


def _edge_messages(h_E_T, W_msg, b_msg, chunk):
    blk0 = chunk * (ECHUNK // _EBLK)
    return pl.pallas_call(
        _msg_body,
        grid=(ECHUNK // _EBLK,),
        in_specs=[
            pl.BlockSpec((H + NIN, _EBLK), lambda i: (0, i + blk0)),
            pl.BlockSpec((H + NIN, H), lambda i: (0, 0)),
            pl.BlockSpec((1, H), lambda i: (0, 0)),
        ],
        out_specs=pl.BlockSpec((_EBLK, H), lambda i: (i, 0)),
        out_shape=jax.ShapeDtypeStruct((ECHUNK, H), jnp.float32),
    )(h_E_T, W_msg, b_msg.reshape(1, H))




def _scatter_body(msg_hbm, idx_hbm, out_hbm, rows_v, idx_v, tidx_v,
                  acc_sh, lr, li, *, eoff):
    cid = lax.axis_index("c")
    sid = lax.axis_index("s")

    def _zrow(i, carry):
        for j in range(H // 16):
            rows_v[0, i, pl.ds(j * 16, 16)] = jnp.zeros((16,), jnp.float32)
        return carry

    lax.fori_loop(0, CHUNK, _zrow, 0)
    zbase = sid * ROWS_PER_TILE

    def _zcopy(k, carry):
        pltpu.sync_copy(rows_v.at[0], acc_sh.at[pl.ds(zbase + k * CHUNK, CHUNK)])
        return carry

    nz = ROWS_PER_TILE // CHUNK
    lax.fori_loop(0, nz, _zcopy, 0)
    rem = ROWS_PER_TILE - nz * CHUNK
    if rem:
        pltpu.sync_copy(rows_v.at[0, pl.ds(0, rem)],
                        acc_sh.at[pl.ds(zbase + nz * CHUNK, rem)])
    plsc.subcore_barrier()

    base = cid * (NUM_TILES * EDGES_PER_TILE) + sid * EDGES_PER_TILE

    def _start_load(c, b):
        off = base + c * CHUNK
        pltpu.async_copy(idx_hbm.at[pl.ds(eoff + off, CHUNK)], idx_v.at[b], li[b])
        pltpu.async_copy(msg_hbm.at[pl.ds(off, CHUNK)], rows_v.at[b], lr[b])

    def _wait_load(c, b):
        off = base + c * CHUNK
        pltpu.make_async_copy(idx_hbm.at[pl.ds(eoff + off, CHUNK)], idx_v.at[b], li[b]).wait()
        pltpu.make_async_copy(msg_hbm.at[pl.ds(off, CHUNK)], rows_v.at[b], lr[b]).wait()

    def _scatter(b):
        pltpu.sync_copy(rows_v.at[b], acc_sh.at[idx_v.at[b]], add=True)

    _start_load(0, 0)
    _start_load(1, 1)

    def _steady(c, carry, b):
        _wait_load(c, b)
        _start_load(c + 2, (b + 2) % 3)
        _scatter(b)
        return carry

    def _ring(k, carry):
        c0 = 3 * k
        for d in range(3):
            carry = _steady(c0 + d, carry, d)
        return carry

    nring = (NFULL - 2) // 3
    lax.fori_loop(0, nring, _ring, 0)
    for c in range(3 * nring, NFULL - 2):
        _steady(c, 0, c % 3)
    for c in (NFULL - 2, NFULL - 1):
        b = c % 3
        _wait_load(c, b)
        _scatter(b)
    if TAIL:
        off = base + NFULL * CHUNK
        pltpu.sync_copy(idx_hbm.at[pl.ds(eoff + off, TAIL)], tidx_v)
        pltpu.sync_copy(msg_hbm.at[pl.ds(off, TAIL)], rows_v.at[2, pl.ds(0, TAIL)])
        pltpu.sync_copy(rows_v.at[2, pl.ds(0, TAIL)], acc_sh.at[tidx_v], add=True)

    plsc.subcore_barrier()
    pltpu.sync_copy(acc_sh.at[pl.ds(sid * ROWS_PER_TILE, ROWS_PER_TILE)],
                    out_hbm.at[cid, pl.ds(sid * ROWS_PER_TILE, ROWS_PER_TILE)])


def _segment_sum(h_msg, src_idx, chunk):
    mesh = plsc.VectorSubcoreMesh(core_axis_name="c", subcore_axis_name="s")
    kern = functools.partial(
        pl.kernel,
        out_type=jax.ShapeDtypeStruct((NUM_SC, N_PAD, H), jnp.float32),
        mesh=mesh,
        scratch_types=[
            pltpu.VMEM((NRING, CHUNK, H), jnp.float32),
            pltpu.VMEM((NRING, CHUNK), jnp.int32),
            pltpu.VMEM((TAIL,), jnp.int32),
            pltpu.VMEM_SHARED((N_PAD, H), jnp.float32),
            [pltpu.SemaphoreType.DMA] * NRING,
            [pltpu.SemaphoreType.DMA] * NRING,
        ],
    )(functools.partial(_scatter_body, eoff=chunk * ECHUNK))
    return kern(h_msg, src_idx)



_NBLK = 2000


def _ln(x, g, b):
    mu = jnp.mean(x, axis=-1, keepdims=True)
    var = jnp.mean((x - mu) ** 2, axis=-1, keepdims=True)
    return (x - mu) * lax.rsqrt(var + EPS) * g + b


def _node_body(hv_ref, *refs):
    p_refs = refs[:NCHUNK]
    (wd_ref, bd_ref, wo_ref, bo_ref,
     g1_ref, be1_ref, g2_ref, be2_ref, out_ref) = refs[NCHUNK:]
    dh = p_refs[0][0] + p_refs[0][1]
    for p in p_refs[1:]:
        dh = dh + (p[0] + p[1])
    dh = dh * (1.0 / SCALE)
    h1 = _ln(hv_ref[...] + dh, g1_ref[...], be1_ref[...])
    d = jnp.dot(h1, wd_ref[...], preferred_element_type=jnp.float32) + bd_ref[...]
    d = _gelu(d)
    d = jnp.dot(d, wo_ref[...], preferred_element_type=jnp.float32) + bo_ref[...]
    out_ref[...] = _ln(h1 + d, g2_ref[...], be2_ref[...])


def _node_update(h_V, partials, W_d, b_d, W_out, b_out, g1, be1, g2, be2):
    row = lambda v: v.reshape(1, H)
    return pl.pallas_call(
        _node_body,
        grid=(N // _NBLK,),
        in_specs=[
            pl.BlockSpec((_NBLK, H), lambda i: (i, 0)),
        ] + [
            pl.BlockSpec((NUM_SC, _NBLK, H), lambda i: (0, i, 0))
            for _ in range(NCHUNK)
        ] + [
            pl.BlockSpec((H, H), lambda i: (0, 0)),
            pl.BlockSpec((1, H), lambda i: (0, 0)),
            pl.BlockSpec((H, H), lambda i: (0, 0)),
            pl.BlockSpec((1, H), lambda i: (0, 0)),
            pl.BlockSpec((1, H), lambda i: (0, 0)),
            pl.BlockSpec((1, H), lambda i: (0, 0)),
            pl.BlockSpec((1, H), lambda i: (0, 0)),
            pl.BlockSpec((1, H), lambda i: (0, 0)),
        ],
        out_specs=pl.BlockSpec((_NBLK, H), lambda i: (i, 0)),
        out_shape=jax.ShapeDtypeStruct((N, H), jnp.float32),
    )(h_V, *partials, W_d, row(b_d), W_out, row(b_out),
      row(g1), row(be1), row(g2), row(be2))




def kernel(h_V, h_E, edge_idx, W_msg, b_msg, W_d, b_d, W_out, b_out,
           g1, be1, g2, be2):
    src_idx = edge_idx[0].astype(jnp.int32)
    h_E_T = h_E.T
    partials = []
    for chunk in range(NCHUNK):
        h_msg = _edge_messages(h_E_T, W_msg, b_msg, chunk)
        partials.append(_segment_sum(h_msg, src_idx, chunk))
    return _node_update(h_V, partials,
                        W_d, b_d, W_out, b_out, g1, be1, g2, be2)

# --- scband reference (transcript-rebuilt; emitter-appended) ---
"""Pipeline reference for scband-mpnnlayer-41429254537630 (READ-ONLY COPY).

The authoritative reference and input builder live on the scoring server;
editing this copy changes nothing except your own understanding.
"""

import jax, jax.numpy as jnp
import numpy as np

N = 10000
E = 320000
H = 128
NIN = 16
SCALE = 30.0


def _layer_norm(x, g, b, eps=1e-5):
    mu = jnp.mean(x, axis=-1, keepdims=True)
    var = jnp.mean((x - mu) ** 2, axis=-1, keepdims=True)
    return (x - mu) / jnp.sqrt(var + eps) * g + b


def setup_inputs(seed: int = 0) -> dict:
    key = jax.random.key(seed)
    ks = jax.random.split(key, 12)
    h_V = jax.random.normal(ks[0], (N, H), dtype=jnp.float32)
    h_E = jax.random.normal(ks[1], (E, H + NIN), dtype=jnp.float32)
    edge_idx = jax.random.randint(ks[2], (2, E), 0, N)
    # message layer: Linear(H+NIN -> H)
    W_msg = jax.random.normal(ks[3], (H + NIN, H), dtype=jnp.float32) / np.sqrt(H + NIN)
    b_msg = jnp.zeros((H,), dtype=jnp.float32)
    # dense: Linear(H -> H), GELU, then output Linear(H -> H)
    W_d = jax.random.normal(ks[4], (H, H), dtype=jnp.float32) / np.sqrt(H)
    b_d = jnp.zeros((H,), dtype=jnp.float32)
    W_out = jax.random.normal(ks[5], (H, H), dtype=jnp.float32) / np.sqrt(H)
    b_out = jnp.zeros((H,), dtype=jnp.float32)
    g1 = jnp.ones((H,), dtype=jnp.float32)
    be1 = jnp.zeros((H,), dtype=jnp.float32)
    g2 = jnp.ones((H,), dtype=jnp.float32)
    be2 = jnp.zeros((H,), dtype=jnp.float32)
    return {"h_V": h_V, "h_E": h_E, "edge_idx": edge_idx,
            "W_msg": W_msg, "b_msg": b_msg,
            "W_d": W_d, "b_d": b_d, "W_out": W_out, "b_out": b_out,
            "g1": g1, "be1": be1, "g2": g2, "be2": be2}


def reference(h_V, h_E, edge_idx, W_msg, b_msg, W_d, b_d, W_out, b_out, g1, be1, g2, be2):
    src_idx = edge_idx[0]
    # message_layers: Linear -> GELU -> Dropout(eval: identity)
    h_message = jax.nn.gelu(h_E @ W_msg + b_msg, approximate=False)
    # scatter_sum over source nodes, divided by scale
    dh = jax.ops.segment_sum(h_message, src_idx, num_segments=h_V.shape[0]) / SCALE
    h_V = _layer_norm(h_V + dh, g1, be1)
    # dense: Linear -> GELU -> Dropout(identity) -> Linear
    d = jax.nn.gelu(h_V @ W_d + b_d, approximate=False)
    d = d @ W_out + b_out
    h_V = _layer_norm(h_V + d, g2, be2)
    return h_V

if __name__ == "__main__":
    import jax
    _d = setup_inputs()
    print(jax.jit(kernel)(*tuple(_d.values())))

</pallas_src>

<mosaic_0001>
#map = affine_map<(d0, d1) -> (0, 0)>
#map1 = affine_map<(d0, d1) -> (0)>
#map2 = affine_map<(d0, d1) -> (0, 0, 0)>
module attributes {stable_mosaic.version = 14 : i64} {
  func.func @_scatter_body(%arg0: i32, %arg1: i32, %arg2: memref<160000x128xf32, #tpu.memory_space<hbm>>, %arg3: memref<320000xi32, #tpu.memory_space<hbm>>, %arg4: memref<2x10240x128xf32, #tpu.memory_space<hbm>>, %arg5: memref<3x120x128xf32, #tpu.memory_space<vmem>>, %arg6: memref<3x120xi32, #tpu.memory_space<vmem>>, %arg7: memref<80xi32, #tpu.memory_space<vmem>>, %arg8: memref<10240x128xf32, #tpu.memory_space<vmem_shared>>, %arg9: memref<!tpu.dma_semaphore, #tpu.memory_space<semaphore_mem>>, %arg10: memref<!tpu.dma_semaphore, #tpu.memory_space<semaphore_mem>>, %arg11: memref<!tpu.dma_semaphore, #tpu.memory_space<semaphore_mem>>, %arg12: memref<!tpu.dma_semaphore, #tpu.memory_space<semaphore_mem>>, %arg13: memref<!tpu.dma_semaphore, #tpu.memory_space<semaphore_mem>>, %arg14: memref<!tpu.dma_semaphore, #tpu.memory_space<semaphore_mem>>) attributes {dimension_semantics = [#tpu.dimension_semantics<core_parallel>, #tpu.dimension_semantics<subcore_parallel>], iteration_bounds = array<i64: 2, 16>, scalar_prefetch = 0 : i64, scratch_operands = 10 : i64, tpu.core_type = #tpu.core_type<sc_vector_subcore>, window_params = [{transform_indices = #map}, {transform_indices = #map1}, {transform_indices = #map2}]} {
    %scan3A = arith.constant 0 : i32
    %scan3A_0 = arith.constant 0 : i32
    %scan3A_1 = arith.constant 120 : i32
    %scan3A_2 = arith.addi %scan3A_0, %scan3A_1 : i32
    %scan3A_3 = arith.constant 1 : i32
    scf.for %scan3A_141 = %scan3A_0 to %scan3A_2 step %scan3A_3  : i32 {
      %broadcast_in_dim3A = arith.constant 0.000000e+00 : f32
      %broadcast_in_dim3A_142 = vector.broadcast %broadcast_in_dim3A : f32 to vector<16xf32>
      %swap3A = arith.constant 0 : i32
      %swap3A_143 = arith.index_cast %swap3A : i32 to index
      %swap3A_144 = arith.index_cast %scan3A_141 : i32 to index
      %swap3A_145 = arith.constant 0 : index
      %swap3A_146 = tpu.vector_load %arg5[%swap3A_143, %swap3A_144, %swap3A_145] {strides = array<i32>} : memref<3x120x128xf32, #tpu.memory_space<vmem>>, vector<1x1x16xf32>,
      %swap3A_147 = vector.shape_cast %swap3A_146 : vector<1x1x16xf32> to vector<16xf32>
      %swap3A_148 = vector.shape_cast %broadcast_in_dim3A_142 : vector<16xf32> to vector<1x1x16xf32>
      tpu.vector_store %arg5[%swap3A_143, %swap3A_144, %swap3A_145], %swap3A_148 {strides = array<i32>} : memref<3x120x128xf32, #tpu.memory_space<vmem>>, vector<1x1x16xf32>,
      %broadcast_in_dim3A_149 = arith.constant 0.000000e+00 : f32
      %broadcast_in_dim3A_150 = vector.broadcast %broadcast_in_dim3A_149 : f32 to vector<16xf32>
      %swap3A_151 = arith.constant 0 : i32
      %swap3A_152 = arith.index_cast %swap3A_151 : i32 to index
      %swap3A_153 = arith.index_cast %scan3A_141 : i32 to index
      %swap3A_154 = arith.constant 16 : index
      %swap3A_155 = tpu.vector_load %arg5[%swap3A_152, %swap3A_153, %swap3A_154] {strides = array<i32>} : memref<3x120x128xf32, #tpu.memory_space<vmem>>, vector<1x1x16xf32>,
      %swap3A_156 = vector.shape_cast %swap3A_155 : vector<1x1x16xf32> to vector<16xf32>
      %swap3A_157 = vector.shape_cast %broadcast_in_dim3A_150 : vector<16xf32> to vector<1x1x16xf32>
      tpu.vector_store %arg5[%swap3A_152, %swap3A_153, %swap3A_154], %swap3A_157 {strides = array<i32>} : memref<3x120x128xf32, #tpu.memory_space<vmem>>, vector<1x1x16xf32>,
      %broadcast_in_dim3A_158 = arith.constant 0.000000e+00 : f32
      %broadcast_in_dim3A_159 = vector.broadcast %broadcast_in_dim3A_158 : f32 to vector<16xf32>
      %swap3A_160 = arith.constant 0 : i32
      %swap3A_161 = arith.index_cast %swap3A_160 : i32 to index
      %swap3A_162 = arith.index_cast %scan3A_141 : i32 to index
      %swap3A_163 = arith.constant 32 : index
      %swap3A_164 = tpu.vector_load %arg5[%swap3A_161, %swap3A_162, %swap3A_163] {strides = array<i32>} : memref<3x120x128xf32, #tpu.memory_space<vmem>>, vector<1x1x16xf32>,
      %swap3A_165 = vector.shape_cast %swap3A_164 : vector<1x1x16xf32> to vector<16xf32>
      %swap3A_166 = vector.shape_cast %broadcast_in_dim3A_159 : vector<16xf32> to vector<1x1x16xf32>
      tpu.vector_store %arg5[%swap3A_161, %swap3A_162, %swap3A_163], %swap3A_166 {strides = array<i32>} : memref<3x120x128xf32, #tpu.memory_space<vmem>>, vector<1x1x16xf32>,
      %broadcast_in_dim3A_167 = arith.constant 0.000000e+00 : f32
      %broadcast_in_dim3A_168 = vector.broadcast %broadcast_in_dim3A_167 : f32 to vector<16xf32>
      %swap3A_169 = arith.constant 0 : i32
      %swap3A_170 = arith.index_cast %swap3A_169 : i32 to index
      %swap3A_171 = arith.index_cast %scan3A_141 : i32 to index
      %swap3A_172 = arith.constant 48 : index
      %swap3A_173 = tpu.vector_load %arg5[%swap3A_170, %swap3A_171, %swap3A_172] {strides = array<i32>} : memref<3x120x128xf32, #tpu.memory_space<vmem>>, vector<1x1x16xf32>,
      %swap3A_174 = vector.shape_cast %swap3A_173 : vector<1x1x16xf32> to vector<16xf32>
      %swap3A_175 = vector.shape_cast %broadcast_in_dim3A_168 : vector<16xf32> to vector<1x1x16xf32>
      tpu.vector_store %arg5[%swap3A_170, %swap3A_171, %swap3A_172], %swap3A_175 {strides = array<i32>} : memref<3x120x128xf32, #tpu.memory_space<vmem>>, vector<1x1x16xf32>,
      %broadcast_in_dim3A_176 = arith.constant 0.000000e+00 : f32
      %broadcast_in_dim3A_177 = vector.broadcast %broadcast_in_dim3A_176 : f32 to vector<16xf32>
      %swap3A_178 = arith.constant 0 : i32
      %swap3A_179 = arith.index_cast %swap3A_178 : i32 to index
      %swap3A_180 = arith.index_cast %scan3A_141 : i32 to index
      %swap3A_181 = arith.constant 64 : index
      %swap3A_182 = tpu.vector_load %arg5[%swap3A_179, %swap3A_180, %swap3A_181] {strides = array<i32>} : memref<3x120x128xf32, #tpu.memory_space<vmem>>, vector<1x1x16xf32>,
      %swap3A_183 = vector.shape_cast %swap3A_182 : vector<1x1x16xf32> to vector<16xf32>
      %swap3A_184 = vector.shape_cast %broadcast_in_dim3A_177 : vector<16xf32> to vector<1x1x16xf32>
      tpu.vector_store %arg5[%swap3A_179, %swap3A_180, %swap3A_181], %swap3A_184 {strides = array<i32>} : memref<3x120x128xf32, #tpu.memory_space<vmem>>, vector<1x1x16xf32>,
      %broadcast_in_dim3A_185 = arith.constant 0.000000e+00 : f32
      %broadcast_in_dim3A_186 = vector.broadcast %broadcast_in_dim3A_185 : f32 to vector<16xf32>
      %swap3A_187 = arith.constant 0 : i32
      %swap3A_188 = arith.index_cast %swap3A_187 : i32 to index
      %swap3A_189 = arith.index_cast %scan3A_141 : i32 to index
      %swap3A_190 = arith.constant 80 : index
      %swap3A_191 = tpu.vector_load %arg5[%swap3A_188, %swap3A_189, %swap3A_190] {strides = array<i32>} : memref<3x120x128xf32, #tpu.memory_space<vmem>>, vector<1x1x16xf32>,
      %swap3A_192 = vector.shape_cast %swap3A_191 : vector<1x1x16xf32> to vector<16xf32>
      %swap3A_193 = vector.shape_cast %broadcast_in_dim3A_186 : vector<16xf32> to vector<1x1x16xf32>
      tpu.vector_store %arg5[%swap3A_188, %swap3A_189, %swap3A_190], %swap3A_193 {strides = array<i32>} : memref<3x120x128xf32, #tpu.memory_space<vmem>>, vector<1x1x16xf32>,
      %broadcast_in_dim3A_194 = arith.constant 0.000000e+00 : f32
      %broadcast_in_dim3A_195 = vector.broadcast %broadcast_in_dim3A_194 : f32 to vector<16xf32>
      %swap3A_196 = arith.constant 0 : i32
      %swap3A_197 = arith.index_cast %swap3A_196 : i32 to index
      %swap3A_198 = arith.index_cast %scan3A_141 : i32 to index
      %swap3A_199 = arith.constant 96 : index
      %swap3A_200 = tpu.vector_load %arg5[%swap3A_197, %swap3A_198, %swap3A_199] {strides = array<i32>} : memref<3x120x128xf32, #tpu.memory_space<vmem>>, vector<1x1x16xf32>,
      %swap3A_201 = vector.shape_cast %swap3A_200 : vector<1x1x16xf32> to vector<16xf32>
      %swap3A_202 = vector.shape_cast %broadcast_in_dim3A_195 : vector<16xf32> to vector<1x1x16xf32>
      tpu.vector_store %arg5[%swap3A_197, %swap3A_198, %swap3A_199], %swap3A_202 {strides = array<i32>} : memref<3x120x128xf32, #tpu.memory_space<vmem>>, vector<1x1x16xf32>,
      %broadcast_in_dim3A_203 = arith.constant 0.000000e+00 : f32
      %broadcast_in_dim3A_204 = vector.broadcast %broadcast_in_dim3A_203 : f32 to vector<16xf32>
      %swap3A_205 = arith.constant 0 : i32
      %swap3A_206 = arith.index_cast %swap3A_205 : i32 to index
      %swap3A_207 = arith.index_cast %scan3A_141 : i32 to index
      %swap3A_208 = arith.constant 112 : index
      %swap3A_209 = tpu.vector_load %arg5[%swap3A_206, %swap3A_207, %swap3A_208] {strides = array<i32>} : memref<3x120x128xf32, #tpu.memory_space<vmem>>, vector<1x1x16xf32>,
      %swap3A_210 = vector.shape_cast %swap3A_209 : vector<1x1x16xf32> to vector<16xf32>
      %swap3A_211 = vector.shape_cast %broadcast_in_dim3A_204 : vector<16xf32> to vector<1x1x16xf32>
      tpu.vector_store %arg5[%swap3A_206, %swap3A_207, %swap3A_208], %swap3A_211 {strides = array<i32>} : memref<3x120x128xf32, #tpu.memory_space<vmem>>, vector<1x1x16xf32>,
    }
    %scan3A_4 = arith.constant 120 : i32
    %mul3A = arith.constant 640 : i32
    %mul3A_5 = arith.muli %arg1, %mul3A : i32
    %scan3A_6 = arith.constant 0 : i32
    %scan3A_7 = arith.constant 0 : i32
    %scan3A_8 = arith.constant 5 : i32
    %scan3A_9 = arith.addi %scan3A_7, %scan3A_8 : i32
    %scan3A_10 = arith.constant 1 : i32
    scf.for %scan3A_141 = %scan3A_7 to %scan3A_9 step %scan3A_10  : i32 {
      %mul3A_142 = arith.constant 120 : i32
      %mul3A_143 = arith.muli %scan3A_141, %mul3A_142 : i32
      %add3A_144 = arith.addi %mul3A_5, %mul3A_143 : i32
      %run_scoped3A_145 = arith.constant 0 : i32
      "tpu.region"() ({
        %run_scoped3A_146 = tpu.sem_alloc : memref<!tpu.dma_semaphore, #tpu.memory_space<semaphore_mem>>
        %dma_start3A_147 = arith.constant 0 : i32
        %dma_start3A_148 = arith.constant 0 : i32
        %dma_start3A_149 = tpu.memref_slice %arg5[%run_scoped3A_145, %dma_start3A_147, %dma_start3A_148] : memref<3x120x128xf32, #tpu.memory_space<vmem>> -> memref<1x120x128xf32, #tpu.memory_space<vmem>>
        %dma_start3A_150 = tpu.memref_squeeze %dma_start3A_149 : memref<1x120x128xf32, #tpu.memory_space<vmem>> -> memref<120x128xf32, #tpu.memory_space<vmem>>
        %dma_start3A_151 = arith.constant 0 : i32
        %dma_start3A_152 = tpu.memref_slice %arg8[%add3A_144, %dma_start3A_151] : memref<10240x128xf32, #tpu.memory_space<vmem_shared>> -> memref<120x128xf32, #tpu.memory_space<vmem_shared>>
        %dma_start3A_153 = arith.constant 0 : i32
        %dma_start3A_154 = tpu.memref_slice %arg8[%add3A_144, %dma_start3A_153] : memref<10240x128xf32, #tpu.memory_space<vmem_shared>> -> memref<120x128xf32, #tpu.memory_space<vmem_shared>>
        %dma_start3A_155 = arith.constant 0 : i32
        %dma_start3A_156 = arith.constant 0 : i32
        %dma_start3A_157 = tpu.memref_slice %arg5[%run_scoped3A_145, %dma_start3A_155, %dma_start3A_156] : memref<3x120x128xf32, #tpu.memory_space<vmem>> -> memref<1x120x128xf32, #tpu.memory_space<vmem>>
        %dma_start3A_158 = tpu.memref_squeeze %dma_start3A_157 : memref<1x120x128xf32, #tpu.memory_space<vmem>> -> memref<120x128xf32, #tpu.memory_space<vmem>>
        tpu.enqueue_dma source(%dma_start3A_158 : memref<120x128xf32, #tpu.memory_space<vmem>>) target(%dma_start3A_154 : memref<120x128xf32, #tpu.memory_space<vmem_shared>>) target_semaphore(%run_scoped3A_146 : memref<!tpu.dma_semaphore, #tpu.memory_space<semaphore_mem>>)
        %dma_wait3A_159 = arith.constant 0 : i32
        %dma_wait3A_160 = arith.constant 0 : i32
        %dma_wait3A_161 = tpu.memref_slice %arg5[%run_scoped3A_145, %dma_wait3A_159, %dma_wait3A_160] : memref<3x120x128xf32, #tpu.memory_space<vmem>> -> memref<1x120x128xf32, #tpu.memory_space<vmem>>
        %dma_wait3A_162 = tpu.memref_squeeze %dma_wait3A_161 : memref<1x120x128xf32, #tpu.memory_space<vmem>> -> memref<120x128xf32, #tpu.memory_space<vmem>>
        %dma_wait3A_163 = arith.constant 0 : i32
        %dma_wait3A_164 = tpu.memref_slice %arg8[%add3A_144, %dma_wait3A_163] : memref<10240x128xf32, #tpu.memory_space<vmem_shared>> -> memref<120x128xf32, #tpu.memory_space<vmem_shared>>
        %dma_wait3A_165 = arith.constant 0 : i32
        %dma_wait3A_166 = tpu.memref_slice %arg8[%add3A_144, %dma_wait3A_165] : memref<10240x128xf32, #tpu.memory_space<vmem_shared>> -> memref<120x128xf32, #tpu.memory_space<vmem_shared>>
        %dma_wait3A_167 = arith.constant 0 : i32
        %dma_wait3A_168 = arith.constant 0 : i32
        %dma_wait3A_169 = tpu.memref_slice %arg5[%run_scoped3A_145, %dma_wait3A_167, %dma_wait3A_168] : memref<3x120x128xf32, #tpu.memory_space<vmem>> -> memref<1x120x128xf32, #tpu.memory_space<vmem>>
        %dma_wait3A_170 = tpu.memref_squeeze %dma_wait3A_169 : memref<1x120x128xf32, #tpu.memory_space<vmem>> -> memref<120x128xf32, #tpu.memory_space<vmem>>
        tpu.wait_dma2 semaphore(%run_scoped3A_146 : memref<!tpu.dma_semaphore, #tpu.memory_space<semaphore_mem>>) src(%dma_wait3A_170 : memref<120x128xf32, #tpu.memory_space<vmem>>) dst(%dma_wait3A_166 : memref<120x128xf32, #tpu.memory_space<vmem_shared>>)
        tpu.yield
      }) : () -> ()
    }
    %scan3A_11 = arith.constant 5 : i32
    %add3A = arith.constant 600 : i32
    %add3A_12 = arith.addi %mul3A_5, %add3A : i32
    %run_scoped3A = arith.constant 0 : i32
    "tpu.region"() ({
      %run_scoped3A_141 = tpu.sem_alloc : memref<!tpu.dma_semaphore, #tpu.memory_space<semaphore_mem>>
      %dma_start3A_142 = arith.constant 0 : i32
      %dma_start3A_143 = arith.constant 0 : i32
      %dma_start3A_144 = tpu.memref_slice %arg5[%run_scoped3A, %dma_start3A_142, %dma_start3A_143] : memref<3x120x128xf32, #tpu.memory_space<vmem>> -> memref<1x40x128xf32, #tpu.memory_space<vmem>>
      %dma_start3A_145 = tpu.memref_squeeze %dma_start3A_144 : memref<1x40x128xf32, #tpu.memory_space<vmem>> -> memref<40x128xf32, #tpu.memory_space<vmem>>
      %dma_start3A_146 = arith.constant 0 : i32
      %dma_start3A_147 = tpu.memref_slice %arg8[%add3A_12, %dma_start3A_146] : memref<10240x128xf32, #tpu.memory_space<vmem_shared>> -> memref<40x128xf32, #tpu.memory_space<vmem_shared>>
      %dma_start3A_148 = arith.constant 0 : i32
      %dma_start3A_149 = tpu.memref_slice %arg8[%add3A_12, %dma_start3A_148] : memref<10240x128xf32, #tpu.memory_space<vmem_shared>> -> memref<40x128xf32, #tpu.memory_space<vmem_shared>>
      %dma_start3A_150 = arith.constant 0 : i32
      %dma_start3A_151 = arith.constant 0 : i32
      %dma_start3A_152 = tpu.memref_slice %arg5[%run_scoped3A, %dma_start3A_150, %dma_start3A_151] : memref<3x120x128xf32, #tpu.memory_space<vmem>> -> memref<1x40x128xf32, #tpu.memory_space<vmem>>
      %dma_start3A_153 = tpu.memref_squeeze %dma_start3A_152 : memref<1x40x128xf32, #tpu.memory_space<vmem>> -> memref<40x128xf32, #tpu.memory_space<vmem>>
      tpu.enqueue_dma source(%dma_start3A_153 : memref<40x128xf32, #tpu.memory_space<vmem>>) target(%dma_start3A_149 : memref<40x128xf32, #tpu.memory_space<vmem_shared>>) target_semaphore(%run_scoped3A_141 : memref<!tpu.dma_semaphore, #tpu.memory_space<semaphore_mem>>)
      %dma_wait3A_154 = arith.constant 0 : i32
      %dma_wait3A_155 = arith.constant 0 : i32
      %dma_wait3A_156 = tpu.memref_slice %arg5[%run_scoped3A, %dma_wait3A_154, %dma_wait3A_155] : memref<3x120x128xf32, #tpu.memory_space<vmem>> -> memref<1x40x128xf32, #tpu.memory_space<vmem>>
      %dma_wait3A_157 = tpu.memref_squeeze %dma_wait3A_156 : memref<1x40x128xf32, #tpu.memory_space<vmem>> -> memref<40x128xf32, #tpu.memory_space<vmem>>
      %dma_wait3A_158 = arith.constant 0 : i32
      %dma_wait3A_159 = tpu.memref_slice %arg8[%add3A_12, %dma_wait3A_158] : memref<10240x128xf32, #tpu.memory_space<vmem_shared>> -> memref<40x128xf32, #tpu.memory_space<vmem_shared>>
      %dma_wait3A_160 = arith.constant 0 : i32
      %dma_wait3A_161 = tpu.memref_slice %arg8[%add3A_12, %dma_wait3A_160] : memref<10240x128xf32, #tpu.memory_space<vmem_shared>> -> memref<40x128xf32, #tpu.memory_space<vmem_shared>>
      %dma_wait3A_162 = arith.constant 0 : i32
      %dma_wait3A_163 = arith.constant 0 : i32
      %dma_wait3A_164 = tpu.memref_slice %arg5[%run_scoped3A, %dma_wait3A_162, %dma_wait3A_163] : memref<3x120x128xf32, #tpu.memory_space<vmem>> -> memref<1x40x128xf32, #tpu.memory_space<vmem>>
      %dma_wait3A_165 = tpu.memref_squeeze %dma_wait3A_164 : memref<1x40x128xf32, #tpu.memory_space<vmem>> -> memref<40x128xf32, #tpu.memory_space<vmem>>
      tpu.wait_dma2 semaphore(%run_scoped3A_141 : memref<!tpu.dma_semaphore, #tpu.memory_space<semaphore_mem>>) src(%dma_wait3A_165 : memref<40x128xf32, #tpu.memory_space<vmem>>) dst(%dma_wait3A_161 : memref<40x128xf32, #tpu.memory_space<vmem_shared>>)
      tpu.yield
    }) : () -> ()
    %barrier3A = arith.constant 0 : index
    tpu.barrier barrier_id(%barrier3A)
    %mul3A_13 = arith.constant 80000 : i32
    %mul3A_14 = arith.muli %arg0, %mul3A_13 : i32
    %mul3A_15 = arith.constant 5000 : i32
    %mul3A_16 = arith.muli %arg1, %mul3A_15 : i32
    %add3A_17 = arith.addi %mul3A_14, %mul3A_16 : i32
    %add3A_18 = arith.constant 0 : i32
    %add3A_19 = arith.addi %add3A_17, %add3A_18 : i32
    %add3A_20 = arith.constant 160000 : i32
    %add3A_21 = arith.addi %add3A_20, %add3A_19 : i32
    %dma_start3A = arith.constant 0 : i32
    %dma_start3A_22 = arith.constant 0 : i32
    %dma_start3A_23 = tpu.memref_slice %arg6[%dma_start3A, %dma_start3A_22] : memref<3x120xi32, #tpu.memory_space<vmem>> -> memref<1x120xi32, #tpu.memory_space<vmem>>
    %dma_start3A_24 = tpu.memref_squeeze %dma_start3A_23 : memref<1x120xi32, #tpu.memory_space<vmem>> -> memref<120xi32, #tpu.memory_space<vmem>>
    %dma_start3A_25 = tpu.memref_slice %arg3[%add3A_21] : memref<320000xi32, #tpu.memory_space<hbm>> -> memref<120xi32, #tpu.memory_space<hbm>>
    %dma_start3A_26 = arith.constant 0 : i32
    %dma_start3A_27 = tpu.memref_slice %arg6[%dma_start3A, %dma_start3A_26] : memref<3x120xi32, #tpu.memory_space<vmem>> -> memref<1x120xi32, #tpu.memory_space<vmem>>
    %dma_start3A_28 = tpu.memref_squeeze %dma_start3A_27 : memref<1x120xi32, #tpu.memory_space<vmem>> -> memref<120xi32, #tpu.memory_space<vmem>>
    %dma_start3A_29 = tpu.memref_slice %arg3[%add3A_21] : memref<320000xi32, #tpu.memory_space<hbm>> -> memref<120xi32, #tpu.memory_space<hbm>>
    tpu.enqueue_dma source(%dma_start3A_29 : memref<120xi32, #tpu.memory_space<hbm>>) target(%dma_start3A_28 : memref<120xi32, #tpu.memory_space<vmem>>) target_semaphore(%arg12 : memref<!tpu.dma_semaphore, #tpu.memory_space<semaphore_mem>>)
    %dma_start3A_30 = arith.constant 0 : i32
    %dma_start3A_31 = arith.constant 0 : i32
    %dma_start3A_32 = arith.constant 0 : i32
    %dma_start3A_33 = tpu.memref_slice %arg5[%dma_start3A_30, %dma_start3A_31, %dma_start3A_32] : memref<3x120x128xf32, #tpu.memory_space<vmem>> -> memref<1x120x128xf32, #tpu.memory_space<vmem>>
    %dma_start3A_34 = tpu.memref_squeeze %dma_start3A_33 : memref<1x120x128xf32, #tpu.memory_space<vmem>> -> memref<120x128xf32, #tpu.memory_space<vmem>>
    %dma_start3A_35 = arith.constant 0 : i32
    %dma_start3A_36 = tpu.memref_slice %arg2[%add3A_19, %dma_start3A_35] : memref<160000x128xf32, #tpu.memory_space<hbm>> -> memref<120x128xf32, #tpu.memory_space<hbm>>
    %dma_start3A_37 = arith.constant 0 : i32
    %dma_start3A_38 = arith.constant 0 : i32
    %dma_start3A_39 = tpu.memref_slice %arg5[%dma_start3A_30, %dma_start3A_37, %dma_start3A_38] : memref<3x120x128xf32, #tpu.memory_space<vmem>> -> memref<1x120x128xf32, #tpu.memory_space<vmem>>
    %dma_start3A_40 = tpu.memref_squeeze %dma_start3A_39 : memref<1x120x128xf32, #tpu.memory_space<vmem>> -> memref<120x128xf32, #tpu.memory_space<vmem>>
    %dma_start3A_41 = arith.constant 0 : i32
    %dma_start3A_42 = tpu.memref_slice %arg2[%add3A_19, %dma_start3A_41] : memref<160000x128xf32, #tpu.memory_space<hbm>> -> memref<120x128xf32, #tpu.memory_space<hbm>>
    tpu.enqueue_dma source(%dma_start3A_42 : memref<120x128xf32, #tpu.memory_space<hbm>>) target(%dma_start3A_40 : memref<120x128xf32, #tpu.memory_space<vmem>>) target_semaphore(%arg9 : memref<!tpu.dma_semaphore, #tpu.memory_space<semaphore_mem>>)
    %add3A_43 = arith.constant 120 : i32
    %add3A_44 = arith.addi %add3A_17, %add3A_43 : i32
    %add3A_45 = arith.constant 160000 : i32
    %add3A_46 = arith.addi %add3A_45, %add3A_44 : i32
    %dma_start3A_47 = arith.constant 1 : i32
    %dma_start3A_48 = arith.constant 0 : i32
    %dma_start3A_49 = tpu.memref_slice %arg6[%dma_start3A_47, %dma_start3A_48] : memref<3x120xi32, #tpu.memory_space<vmem>> -> memref<1x120xi32, #tpu.memory_space<vmem>>
    %dma_start3A_50 = tpu.memref_squeeze %dma_start3A_49 : memref<1x120xi32, #tpu.memory_space<vmem>> -> memref<120xi32, #tpu.memory_space<vmem>>
    %dma_start3A_51 = tpu.memref_slice %arg3[%add3A_46] : memref<320000xi32, #tpu.memory_space<hbm>> -> memref<120xi32, #tpu.memory_space<hbm>>
    %dma_start3A_52 = arith.constant 0 : i32
    %dma_start3A_53 = tpu.memref_slice %arg6[%dma_start3A_47, %dma_start3A_52] : memref<3x120xi32, #tpu.memory_space<vmem>> -> memref<1x120xi32, #tpu.memory_space<vmem>>
    %dma_start3A_54 = tpu.memref_squeeze %dma_start3A_53 : memref<1x120xi32, #tpu.memory_space<vmem>> -> memref<120xi32, #tpu.memory_space<vmem>>
    %dma_start3A_55 = tpu.memref_slice %arg3[%add3A_46] : memref<320000xi32, #tpu.memory_space<hbm>> -> memref<120xi32, #tpu.memory_space<hbm>>
    tpu.enqueue_dma source(%dma_start3A_55 : memref<120xi32, #tpu.memory_space<hbm>>) target(%dma_start3A_54 : memref<120xi32, #tpu.memory_space<vmem>>) target_semaphore(%arg13 : memref<!tpu.dma_semaphore, #tpu.memory_space<semaphore_mem>>)
    %dma_start3A_56 = arith.constant 1 : i32
    %dma_start3A_57 = arith.constant 0 : i32
    %dma_start3A_58 = arith.constant 0 : i32
    %dma_start3A_59 = tpu.memref_slice %arg5[%dma_start3A_56, %dma_start3A_57, %dma_start3A_58] : memref<3x120x128xf32, #tpu.memory_space<vmem>> -> memref<1x120x128xf32, #tpu.memory_space<vmem>>
    %dma_start3A_60 = tpu.memref_squeeze %dma_start3A_59 : memref<1x120x128xf32, #tpu.memory_space<vmem>> -> memref<120x128xf32, #tpu.memory_space<vmem>>
    %dma_start3A_61 = arith.constant 0 : i32
    %dma_start3A_62 = tpu.memref_slice %arg2[%add3A_44, %dma_start3A_61] : memref<160000x128xf32, #tpu.memory_space<hbm>> -> memref<120x128xf32, #tpu.memory_space<hbm>>
    %dma_start3A_63 = arith.constant 0 : i32
    %dma_start3A_64 = arith.constant 0 : i32
    %dma_start3A_65 = tpu.memref_slice %arg5[%dma_start3A_56, %dma_start3A_63, %dma_start3A_64] : memref<3x120x128xf32, #tpu.memory_space<vmem>> -> memref<1x120x128xf32, #tpu.memory_space<vmem>>
    %dma_start3A_66 = tpu.memref_squeeze %dma_start3A_65 : memref<1x120x128xf32, #tpu.memory_space<vmem>> -> memref<120x128xf32, #tpu.memory_space<vmem>>
    %dma_start3A_67 = arith.constant 0 : i32
    %dma_start3A_68 = tpu.memref_slice %arg2[%add3A_44, %dma_start3A_67] : memref<160000x128xf32, #tpu.memory_space<hbm>> -> memref<120x128xf32, #tpu.memory_space<hbm>>
    tpu.enqueue_dma source(%dma_start3A_68 : memref<120x128xf32, #tpu.memory_space<hbm>>) target(%dma_start3A_66 : memref<120x128xf32, #tpu.memory_space<vmem>>) target_semaphore(%arg10 : memref<!tpu.dma_semaphore, #tpu.memory_space<semaphore_mem>>)
    %scan3A_69 = arith.constant 0 : i32
    %scan3A_70 = arith.constant 0 : i32
    %scan3A_71 = arith.constant 13 : i32
    %scan3A_72 = arith.addi %scan3A_70, %scan3A_71 : i32
    %scan3A_73 = arith.constant 1 : i32
    scf.for %scan3A_141 = %scan3A_70 to %scan3A_72 step %scan3A_73  : i32 {
      %mul3A_142 = arith.constant 3 : i32
      %mul3A_143 = arith.muli %mul3A_142, %scan3A_141 : i32
      %add3A_144 = arith.constant 0 : i32
      %add3A_145 = arith.addi %mul3A_143, %add3A_144 : i32
      %mul3A_146 = arith.constant 120 : i32
      %mul3A_147 = arith.muli %add3A_145, %mul3A_146 : i32
      %add3A_148 = arith.addi %add3A_17, %mul3A_147 : i32
      %add3A_149 = arith.constant 160000 : i32
      %add3A_150 = arith.addi %add3A_149, %add3A_148 : i32
      %dma_wait3A_151 = arith.constant 0 : i32
      %dma_wait3A_152 = arith.constant 0 : i32
      %dma_wait3A_153 = tpu.memref_slice %arg6[%dma_wait3A_151, %dma_wait3A_152] : memref<3x120xi32, #tpu.memory_space<vmem>> -> memref<1x120xi32, #tpu.memory_space<vmem>>
      %dma_wait3A_154 = tpu.memref_squeeze %dma_wait3A_153 : memref<1x120xi32, #tpu.memory_space<vmem>> -> memref<120xi32, #tpu.memory_space<vmem>>
      %dma_wait3A_155 = tpu.memref_slice %arg3[%add3A_150] : memref<320000xi32, #tpu.memory_space<hbm>> -> memref<120xi32, #tpu.memory_space<hbm>>
      %dma_wait3A_156 = arith.constant 0 : i32
      %dma_wait3A_157 = tpu.memref_slice %arg6[%dma_wait3A_151, %dma_wait3A_156] : memref<3x120xi32, #tpu.memory_space<vmem>> -> memref<1x120xi32, #tpu.memory_space<vmem>>
      %dma_wait3A_158 = tpu.memref_squeeze %dma_wait3A_157 : memref<1x120xi32, #tpu.memory_space<vmem>> -> memref<120xi32, #tpu.memory_space<vmem>>
      %dma_wait3A_159 = tpu.memref_slice %arg3[%add3A_150] : memref<320000xi32, #tpu.memory_space<hbm>> -> memref<120xi32, #tpu.memory_space<hbm>>
      tpu.wait_dma2 semaphore(%arg12 : memref<!tpu.dma_semaphore, #tpu.memory_space<semaphore_mem>>) src(%dma_wait3A_159 : memref<120xi32, #tpu.memory_space<hbm>>) dst(%dma_wait3A_158 : memref<120xi32, #tpu.memory_space<vmem>>)
      %dma_wait3A_160 = arith.constant 0 : i32
      %dma_wait3A_161 = arith.constant 0 : i32
      %dma_wait3A_162 = arith.constant 0 : i32
      %dma_wait3A_163 = tpu.memref_slice %arg5[%dma_wait3A_160, %dma_wait3A_161, %dma_wait3A_162] : memref<3x120x128xf32, #tpu.memory_space<vmem>> -> memref<1x120x128xf32, #tpu.memory_space<vmem>>
      %dma_wait3A_164 = tpu.memref_squeeze %dma_wait3A_163 : memref<1x120x128xf32, #tpu.memory_space<vmem>> -> memref<120x128xf32, #tpu.memory_space<vmem>>
      %dma_wait3A_165 = arith.constant 0 : i32
      %dma_wait3A_166 = tpu.memref_slice %arg2[%add3A_148, %dma_wait3A_165] : memref<160000x128xf32, #tpu.memory_space<hbm>> -> memref<120x128xf32, #tpu.memory_space<hbm>>
      %dma_wait3A_167 = arith.constant 0 : i32
      %dma_wait3A_168 = arith.constant 0 : i32
      %dma_wait3A_169 = tpu.memref_slice %arg5[%dma_wait3A_160, %dma_wait3A_167, %dma_wait3A_168] : memref<3x120x128xf32, #tpu.memory_space<vmem>> -> memref<1x120x128xf32, #tpu.memory_space<vmem>>
      %dma_wait3A_170 = tpu.memref_squeeze %dma_wait3A_169 : memref<1x120x128xf32, #tpu.memory_space<vmem>> -> memref<120x128xf32, #tpu.memory_space<vmem>>
      %dma_wait3A_171 = arith.constant 0 : i32
      %dma_wait3A_172 = tpu.memref_slice %arg2[%add3A_148, %dma_wait3A_171] : memref<160000x128xf32, #tpu.memory_space<hbm>> -> memref<120x128xf32, #tpu.memory_space<hbm>>
      tpu.wait_dma2 semaphore(%arg9 : memref<!tpu.dma_semaphore, #tpu.memory_space<semaphore_mem>>) src(%dma_wait3A_172 : memref<120x128xf32, #tpu.memory_space<hbm>>) dst(%dma_wait3A_170 : memref<120x128xf32, #tpu.memory_space<vmem>>)
      %add3A_173 = arith.constant 2 : i32
      %add3A_174 = arith.addi %add3A_145, %add3A_173 : i32
      %mul3A_175 = arith.constant 120 : i32
      %mul3A_176 = arith.muli %add3A_174, %mul3A_175 : i32
      %add3A_177 = arith.addi %add3A_17, %mul3A_176 : i32
      %add3A_178 = arith.constant 160000 : i32
      %add3A_179 = arith.addi %add3A_178, %add3A_177 : i32
      %dma_start3A_180 = arith.constant 2 : i32
      %dma_start3A_181 = arith.constant 0 : i32
      %dma_start3A_182 = tpu.memref_slice %arg6[%dma_start3A_180, %dma_start3A_181] : memref<3x120xi32, #tpu.memory_space<vmem>> -> memref<1x120xi32, #tpu.memory_space<vmem>>
      %dma_start3A_183 = tpu.memref_squeeze %dma_start3A_182 : memref<1x120xi32, #tpu.memory_space<vmem>> -> memref<120xi32, #tpu.memory_space<vmem>>
      %dma_start3A_184 = tpu.memref_slice %arg3[%add3A_179] : memref<320000xi32, #tpu.memory_space<hbm>> -> memref<120xi32, #tpu.memory_space<hbm>>
      %dma_start3A_185 = arith.constant 0 : i32
      %dma_start3A_186 = tpu.memref_slice %arg6[%dma_start3A_180, %dma_start3A_185] : memref<3x120xi32, #tpu.memory_space<vmem>> -> memref<1x120xi32, #tpu.memory_space<vmem>>
      %dma_start3A_187 = tpu.memref_squeeze %dma_start3A_186 : memref<1x120xi32, #tpu.memory_space<vmem>> -> memref<120xi32, #tpu.memory_space<vmem>>
      %dma_start3A_188 = tpu.memref_slice %arg3[%add3A_179] : memref<320000xi32, #tpu.memory_space<hbm>> -> memref<120xi32, #tpu.memory_space<hbm>>
      tpu.enqueue_dma source(%dma_start3A_188 : memref<120xi32, #tpu.memory_space<hbm>>) target(%dma_start3A_187 : memref<120xi32, #tpu.memory_space<vmem>>) target_semaphore(%arg14 : memref<!tpu.dma_semaphore, #tpu.memory_space<semaphore_mem>>)
      %dma_start3A_189 = arith.constant 2 : i32
      %dma_start3A_190 = arith.constant 0 : i32
      %dma_start3A_191 = arith.constant 0 : i32
      %dma_start3A_192 = tpu.memref_slice %arg5[%dma_start3A_189, %dma_start3A_190, %dma_start3A_191] : memref<3x120x128xf32, #tpu.memory_space<vmem>> -> memref<1x120x128xf32, #tpu.memory_space<vmem>>
      %dma_start3A_193 = tpu.memref_squeeze %dma_start3A_192 : memref<1x120x128xf32, #tpu.memory_space<vmem>> -> memref<120x128xf32, #tpu.memory_space<vmem>>
      %dma_start3A_194 = arith.constant 0 : i32
      %dma_start3A_195 = tpu.memref_slice %arg2[%add3A_177, %dma_start3A_194] : memref<160000x128xf32, #tpu.memory_space<hbm>> -> memref<120x128xf32, #tpu.memory_space<hbm>>
      %dma_start3A_196 = arith.constant 0 : i32
      %dma_start3A_197 = arith.constant 0 : i32
      %dma_start3A_198 = tpu.memref_slice %arg5[%dma_start3A_189, %dma_start3A_196, %dma_start3A_197] : memref<3x120x128xf32, #tpu.memory_space<vmem>> -> memref<1x120x128xf32, #tpu.memory_space<vmem>>
      %dma_start3A_199 = tpu.memref_squeeze %dma_start3A_198 : memref<1x120x128xf32, #tpu.memory_space<vmem>> -> memref<120x128xf32, #tpu.memory_space<vmem>>
      %dma_start3A_200 = arith.constant 0 : i32
      %dma_start3A_201 = tpu.memref_slice %arg2[%add3A_177, %dma_start3A_200] : memref<160000x128xf32, #tpu.memory_space<hbm>> -> memref<120x128xf32, #tpu.memory_space<hbm>>
      tpu.enqueue_dma source(%dma_start3A_201 : memref<120x128xf32, #tpu.memory_space<hbm>>) target(%dma_start3A_199 : memref<120x128xf32, #tpu.memory_space<vmem>>) target_semaphore(%arg11 : memref<!tpu.dma_semaphore, #tpu.memory_space<semaphore_mem>>)
      %run_scoped3A_202 = arith.constant 0 : i32
      %run_scoped3A_203 = arith.constant 0 : i32
      "tpu.region"() ({
        %run_scoped3A_324 = tpu.sem_alloc : memref<!tpu.dma_semaphore, #tpu.memory_space<semaphore_mem>>
        %dma_start3A_325 = arith.constant 0 : i32
        %dma_start3A_326 = arith.constant 0 : i32
        %dma_start3A_327 = tpu.memref_slice %arg5[%run_scoped3A_202, %dma_start3A_325, %dma_start3A_326] : memref<3x120x128xf32, #tpu.memory_space<vmem>> -> memref<1x120x128xf32, #tpu.memory_space<vmem>>
        %dma_start3A_328 = tpu.memref_squeeze %dma_start3A_327 : memref<1x120x128xf32, #tpu.memory_space<vmem>> -> memref<120x128xf32, #tpu.memory_space<vmem>>
        %dma_start3A_329 = arith.constant 0 : i32
        %dma_start3A_330 = tpu.memref_slice %arg6[%run_scoped3A_203, %dma_start3A_329] : memref<3x120xi32, #tpu.memory_space<vmem>> -> memref<1x120xi32, #tpu.memory_space<vmem>>
        %dma_start3A_331 = tpu.memref_squeeze %dma_start3A_330 : memref<1x120xi32, #tpu.memory_space<vmem>> -> memref<120xi32, #tpu.memory_space<vmem>>
        %dma_start3A_332 = arith.constant 0 : i32
        %dma_start3A_333 = arith.constant 0 : i32
        %dma_start3A_334 = tpu.memref_slice %arg8[%dma_start3A_332, %dma_start3A_333] : memref<10240x128xf32, #tpu.memory_space<vmem_shared>> -> memref<10240x128xf32, #tpu.memory_space<vmem_shared>>
        tpu.enqueue_indirect_dma source(%dma_start3A_328 : memref<120x128xf32, #tpu.memory_space<vmem>>) target(%dma_start3A_334 : memref<10240x128xf32, #tpu.memory_space<vmem_shared>>) offsets(%dma_start3A_331 : memref<120xi32, #tpu.memory_space<vmem>>) semaphore(%run_scoped3A_324 : memref<!tpu.dma_semaphore, #tpu.memory_space<semaphore_mem>>) {add = true}
        %dma_wait3A_335 = arith.constant 0 : i32
        %dma_wait3A_336 = arith.constant 0 : i32
        %dma_wait3A_337 = tpu.memref_slice %arg5[%run_scoped3A_202, %dma_wait3A_335, %dma_wait3A_336] : memref<3x120x128xf32, #tpu.memory_space<vmem>> -> memref<1x120x128xf32, #tpu.memory_space<vmem>>
        %dma_wait3A_338 = tpu.memref_squeeze %dma_wait3A_337 : memref<1x120x128xf32, #tpu.memory_space<vmem>> -> memref<120x128xf32, #tpu.memory_space<vmem>>
        %dma_wait3A_339 = arith.constant 0 : i32
        %dma_wait3A_340 = tpu.memref_slice %arg6[%run_scoped3A_203, %dma_wait3A_339] : memref<3x120xi32, #tpu.memory_space<vmem>> -> memref<1x120xi32, #tpu.memory_space<vmem>>
        %dma_wait3A_341 = tpu.memref_squeeze %dma_wait3A_340 : memref<1x120xi32, #tpu.memory_space<vmem>> -> memref<120xi32, #tpu.memory_space<vmem>>
        %dma_wait3A_342 = arith.constant 0 : i32
        %dma_wait3A_343 = arith.constant 0 : i32
        %dma_wait3A_344 = tpu.memref_slice %arg8[%dma_wait3A_342, %dma_wait3A_343] : memref<10240x128xf32, #tpu.memory_space<vmem_shared>> -> memref<10240x128xf32, #tpu.memory_space<vmem_shared>>
        tpu.wait_indirect_dma semaphore(%run_scoped3A_324 : memref<!tpu.dma_semaphore, #tpu.memory_space<semaphore_mem>>) src(%dma_wait3A_338 : memref<120x128xf32, #tpu.memory_space<vmem>>) dst(%dma_wait3A_344 : memref<10240x128xf32, #tpu.memory_space<vmem_shared>>)
        tpu.yield
      }) : () -> ()
      %add3A_204 = arith.constant 1 : i32
      %add3A_205 = arith.addi %mul3A_143, %add3A_204 : i32
      %mul3A_206 = arith.constant 120 : i32
      %mul3A_207 = arith.muli %add3A_205, %mul3A_206 : i32
      %add3A_208 = arith.addi %add3A_17, %mul3A_207 : i32
      %add3A_209 = arith.constant 160000 : i32
      %add3A_210 = arith.addi %add3A_209, %add3A_208 : i32
      %dma_wait3A_211 = arith.constant 1 : i32
      %dma_wait3A_212 = arith.constant 0 : i32
      %dma_wait3A_213 = tpu.memref_slice %arg6[%dma_wait3A_211, %dma_wait3A_212] : memref<3x120xi32, #tpu.memory_space<vmem>> -> memref<1x120xi32, #tpu.memory_space<vmem>>
      %dma_wait3A_214 = tpu.memref_squeeze %dma_wait3A_213 : memref<1x120xi32, #tpu.memory_space<vmem>> -> memref<120xi32, #tpu.memory_space<vmem>>
      %dma_wait3A_215 = tpu.memref_slice %arg3[%add3A_210] : memref<320000xi32, #tpu.memory_space<hbm>> -> memref<120xi32, #tpu.memory_space<hbm>>
      %dma_wait3A_216 = arith.constant 0 : i32
      %dma_wait3A_217 = tpu.memref_slice %arg6[%dma_wait3A_211, %dma_wait3A_216] : memref<3x120xi32, #tpu.memory_space<vmem>> -> memref<1x120xi32, #tpu.memory_space<vmem>>
      %dma_wait3A_218 = tpu.memref_squeeze %dma_wait3A_217 : memref<1x120xi32, #tpu.memory_space<vmem>> -> memref<120xi32, #tpu.memory_space<vmem>>
      %dma_wait3A_219 = tpu.memref_slice %arg3[%add3A_210] : memref<320000xi32, #tpu.memory_space<hbm>> -> memref<120xi32, #tpu.memory_space<hbm>>
      tpu.wait_dma2 semaphore(%arg13 : memref<!tpu.dma_semaphore, #tpu.memory_space<semaphore_mem>>) src(%dma_wait3A_219 : memref<120xi32, #tpu.memory_space<hbm>>) dst(%dma_wait3A_218 : memref<120xi32, #tpu.memory_space<vmem>>)
      %dma_wait3A_220 = arith.constant 1 : i32
      %dma_wait3A_221 = arith.constant 0 : i32
      %dma_wait3A_222 = arith.constant 0 : i32
      %dma_wait3A_223 = tpu.memref_slice %arg5[%dma_wait3A_220, %dma_wait3A_221, %dma_wait3A_222] : memref<3x120x128xf32, #tpu.memory_space<vmem>> -> memref<1x120x128xf32, #tpu.memory_space<vmem>>
      %dma_wait3A_224 = tpu.memref_squeeze %dma_wait3A_223 : memref<1x120x128xf32, #tpu.memory_space<vmem>> -> memref<120x128xf32, #tpu.memory_space<vmem>>
      %dma_wait3A_225 = arith.constant 0 : i32
      %dma_wait3A_226 = tpu.memref_slice %arg2[%add3A_208, %dma_wait3A_225] : memref<160000x128xf32, #tpu.memory_space<hbm>> -> memref<120x128xf32, #tpu.memory_space<hbm>>
      %dma_wait3A_227 = arith.constant 0 : i32
      %dma_wait3A_228 = arith.constant 0 : i32
      %dma_wait3A_229 = tpu.memref_slice %arg5[%dma_wait3A_220, %dma_wait3A_227, %dma_wait3A_228] : memref<3x120x128xf32, #tpu.memory_space<vmem>> -> memref<1x120x128xf32, #tpu.memory_space<vmem>>
      %dma_wait3A_230 = tpu.memref_squeeze %dma_wait3A_229 : memref<1x120x128xf32, #tpu.memory_space<vmem>> -> memref<120x128xf32, #tpu.memory_space<vmem>>
      %dma_wait3A_231 = arith.constant 0 : i32
      %dma_wait3A_232 = tpu.memref_slice %arg2[%add3A_208, %dma_wait3A_231] : memref<160000x128xf32, #tpu.memory_space<hbm>> -> memref<120x128xf32, #tpu.memory_space<hbm>>
      tpu.wait_dma2 semaphore(%arg10 : memref<!tpu.dma_semaphore, #tpu.memory_space<semaphore_mem>>) src(%dma_wait3A_232 : memref<120x128xf32, #tpu.memory_space<hbm>>) dst(%dma_wait3A_230 : memref<120x128xf32, #tpu.memory_space<vmem>>)
      %add3A_233 = arith.constant 2 : i32
      %add3A_234 = arith.addi %add3A_205, %add3A_233 : i32
      %mul3A_235 = arith.constant 120 : i32
      %mul3A_236 = arith.muli %add3A_234, %mul3A_235 : i32
      %add3A_237 = arith.addi %add3A_17, %mul3A_236 : i32
      %add3A_238 = arith.constant 160000 : i32
      %add3A_239 = arith.addi %add3A_238, %add3A_237 : i32
      %dma_start3A_240 = arith.constant 0 : i32
      %dma_start3A_241 = arith.constant 0 : i32
      %dma_start3A_242 = tpu.memref_slice %arg6[%dma_start3A_240, %dma_start3A_241] : memref<3x120xi32, #tpu.memory_space<vmem>> -> memref<1x120xi32, #tpu.memory_space<vmem>>
      %dma_start3A_243 = tpu.memref_squeeze %dma_start3A_242 : memref<1x120xi32, #tpu.memory_space<vmem>> -> memref<120xi32, #tpu.memory_space<vmem>>
      %dma_start3A_244 = tpu.memref_slice %arg3[%add3A_239] : memref<320000xi32, #tpu.memory_space<hbm>> -> memref<120xi32, #tpu.memory_space<hbm>>
      %dma_start3A_245 = arith.constant 0 : i32
      %dma_start3A_246 = tpu.memref_slice %arg6[%dma_start3A_240, %dma_start3A_245] : memref<3x120xi32, #tpu.memory_space<vmem>> -> memref<1x120xi32, #tpu.memory_space<vmem>>
      %dma_start3A_247 = tpu.memref_squeeze %dma_start3A_246 : memref<1x120xi32, #tpu.memory_space<vmem>> -> memref<120xi32, #tpu.memory_space<vmem>>
      %dma_start3A_248 = tpu.memref_slice %arg3[%add3A_239] : memref<320000xi32, #tpu.memory_space<hbm>> -> memref<120xi32, #tpu.memory_space<hbm>>
      tpu.enqueue_dma source(%dma_start3A_248 : memref<120xi32, #tpu.memory_space<hbm>>) target(%dma_start3A_247 : memref<120xi32, #tpu.memory_space<vmem>>) target_semaphore(%arg12 : memref<!tpu.dma_semaphore, #tpu.memory_space<semaphore_mem>>)
      %dma_start3A_249 = arith.constant 0 : i32
      %dma_start3A_250 = arith.constant 0 : i32
      %dma_start3A_251 = arith.constant 0 : i32
      %dma_start3A_252 = tpu.memref_slice %arg5[%dma_start3A_249, %dma_start3A_250, %dma_start3A_251] : memref<3x120x128xf32, #tpu.memory_space<vmem>> -> memref<1x120x128xf32, #tpu.memory_space<vmem>>
      %dma_start3A_253 = tpu.memref_squeeze %dma_start3A_252 : memref<1x120x128xf32, #tpu.memory_space<vmem>> -> memref<120x128xf32, #tpu.memory_space<vmem>>
      %dma_start3A_254 = arith.constant 0 : i32
      %dma_start3A_255 = tpu.memref_slice %arg2[%add3A_237, %dma_start3A_254] : memref<160000x128xf32, #tpu.memory_space<hbm>> -> memref<120x128xf32, #tpu.memory_space<hbm>>
      %dma_start3A_256 = arith.constant 0 : i32
      %dma_start3A_257 = arith.constant 0 : i32
      %dma_start3A_258 = tpu.memref_slice %arg5[%dma_start3A_249, %dma_start3A_256, %dma_start3A_257] : memref<3x120x128xf32, #tpu.memory_space<vmem>> -> memref<1x120x128xf32, #tpu.memory_space<vmem>>
      %dma_start3A_259 = tpu.memref_squeeze %dma_start3A_258 : memref<1x120x128xf32, #tpu.memory_space<vmem>> -> memref<120x128xf32, #tpu.memory_space<vmem>>
      %dma_start3A_260 = arith.constant 0 : i32
      %dma_start3A_261 = tpu.memref_slice %arg2[%add3A_237, %dma_start3A_260] : memref<160000x128xf32, #tpu.memory_space<hbm>> -> memref<120x128xf32, #tpu.memory_space<hbm>>
      tpu.enqueue_dma source(%dma_start3A_261 : memref<120x128xf32, #tpu.memory_space<hbm>>) target(%dma_start3A_259 : memref<120x128xf32, #tpu.memory_space<vmem>>) target_semaphore(%arg9 : memref<!tpu.dma_semaphore, #tpu.memory_space<semaphore_mem>>)
      %run_scoped3A_262 = arith.constant 1 : i32
      %run_scoped3A_263 = arith.constant 1 : i32
      "tpu.region"() ({
        %run_scoped3A_324 = tpu.sem_alloc : memref<!tpu.dma_semaphore, #tpu.memory_space<semaphore_mem>>
        %dma_start3A_325 = arith.constant 0 : i32
        %dma_start3A_326 = arith.constant 0 : i32
        %dma_start3A_327 = tpu.memref_slice %arg5[%run_scoped3A_262, %dma_start3A_325, %dma_start3A_326] : memref<3x120x128xf32, #tpu.memory_space<vmem>> -> memref<1x120x128xf32, #tpu.memory_space<vmem>>
        %dma_start3A_328 = tpu.memref_squeeze %dma_start3A_327 : memref<1x120x128xf32, #tpu.memory_space<vmem>> -> memref<120x128xf32, #tpu.memory_space<vmem>>
        %dma_start3A_329 = arith.constant 0 : i32
        %dma_start3A_330 = tpu.memref_slice %arg6[%run_scoped3A_263, %dma_start3A_329] : memref<3x120xi32, #tpu.memory_space<vmem>> -> memref<1x120xi32, #tpu.memory_space<vmem>>
        %dma_start3A_331 = tpu.memref_squeeze %dma_start3A_330 : memref<1x120xi32, #tpu.memory_space<vmem>> -> memref<120xi32, #tpu.memory_space<vmem>>
        %dma_start3A_332 = arith.constant 0 : i32
        %dma_start3A_333 = arith.constant 0 : i32
        %dma_start3A_334 = tpu.memref_slice %arg8[%dma_start3A_332, %dma_start3A_333] : memref<10240x128xf32, #tpu.memory_space<vmem_shared>> -> memref<10240x128xf32, #tpu.memory_space<vmem_shared>>
        tpu.enqueue_indirect_dma source(%dma_start3A_328 : memref<120x128xf32, #tpu.memory_space<vmem>>) target(%dma_start3A_334 : memref<10240x128xf32, #tpu.memory_space<vmem_shared>>) offsets(%dma_start3A_331 : memref<120xi32, #tpu.memory_space<vmem>>) semaphore(%run_scoped3A_324 : memref<!tpu.dma_semaphore, #tpu.memory_space<semaphore_mem>>) {add = true}
        %dma_wait3A_335 = arith.constant 0 : i32
        %dma_wait3A_336 = arith.constant 0 : i32
        %dma_wait3A_337 = tpu.memref_slice %arg5[%run_scoped3A_262, %dma_wait3A_335, %dma_wait3A_336] : memref<3x120x128xf32, #tpu.memory_space<vmem>> -> memref<1x120x128xf32, #tpu.memory_space<vmem>>
        %dma_wait3A_338 = tpu.memref_squeeze %dma_wait3A_337 : memref<1x120x128xf32, #tpu.memory_space<vmem>> -> memref<120x128xf32, #tpu.memory_space<vmem>>
        %dma_wait3A_339 = arith.constant 0 : i32
        %dma_wait3A_340 = tpu.memref_slice %arg6[%run_scoped3A_263, %dma_wait3A_339] : memref<3x120xi32, #tpu.memory_space<vmem>> -> memref<1x120xi32, #tpu.memory_space<vmem>>
        %dma_wait3A_341 = tpu.memref_squeeze %dma_wait3A_340 : memref<1x120xi32, #tpu.memory_space<vmem>> -> memref<120xi32, #tpu.memory_space<vmem>>
        %dma_wait3A_342 = arith.constant 0 : i32
        %dma_wait3A_343 = arith.constant 0 : i32
        %dma_wait3A_344 = tpu.memref_slice %arg8[%dma_wait3A_342, %dma_wait3A_343] : memref<10240x128xf32, #tpu.memory_space<vmem_shared>> -> memref<10240x128xf32, #tpu.memory_space<vmem_shared>>
        tpu.wait_indirect_dma semaphore(%run_scoped3A_324 : memref<!tpu.dma_semaphore, #tpu.memory_space<semaphore_mem>>) src(%dma_wait3A_338 : memref<120x128xf32, #tpu.memory_space<vmem>>) dst(%dma_wait3A_344 : memref<10240x128xf32, #tpu.memory_space<vmem_shared>>)
        tpu.yield
      }) : () -> ()
      %add3A_264 = arith.constant 2 : i32
      %add3A_265 = arith.addi %mul3A_143, %add3A_264 : i32
      %mul3A_266 = arith.constant 120 : i32
      %mul3A_267 = arith.muli %add3A_265, %mul3A_266 : i32
      %add3A_268 = arith.addi %add3A_17, %mul3A_267 : i32
      %add3A_269 = arith.constant 160000 : i32
      %add3A_270 = arith.addi %add3A_269, %add3A_268 : i32
      %dma_wait3A_271 = arith.constant 2 : i32
      %dma_wait3A_272 = arith.constant 0 : i32
      %dma_wait3A_273 = tpu.memref_slice %arg6[%dma_wait3A_271, %dma_wait3A_272] : memref<3x120xi32, #tpu.memory_space<vmem>> -> memref<1x120xi32, #tpu.memory_space<vmem>>
      %dma_wait3A_274 = tpu.memref_squeeze %dma_wait3A_273 : memref<1x120xi32, #tpu.memory_space<vmem>> -> memref<120xi32, #tpu.memory_space<vmem>>
      %dma_wait3A_275 = tpu.memref_slice %arg3[%add3A_270] : memref<320000xi32, #tpu.memory_space<hbm>> -> memref<120xi32, #tpu.memory_space<hbm>>
      %dma_wait3A_276 = arith.constant 0 : i32
      %dma_wait3A_277 = tpu.memref_slice %arg6[%dma_wait3A_271, %dma_wait3A_276] : memref<3x120xi32, #tpu.memory_space<vmem>> -> memref<1x120xi32, #tpu.memory_space<vmem>>
      %dma_wait3A_278 = tpu.memref_squeeze %dma_wait3A_277 : memref<1x120xi32, #tpu.memory_space<vmem>> -> memref<120xi32, #tpu.memory_space<vmem>>
      %dma_wait3A_279 = tpu.memref_slice %arg3[%add3A_270] : memref<320000xi32, #tpu.memory_space<hbm>> -> memref<120xi32, #tpu.memory_space<hbm>>
      tpu.wait_dma2 semaphore(%arg14 : memref<!tpu.dma_semaphore, #tpu.memory_space<semaphore_mem>>) src(%dma_wait3A_279 : memref<120xi32, #tpu.memory_space<hbm>>) dst(%dma_wait3A_278 : memref<120xi32, #tpu.memory_space<vmem>>)
      %dma_wait3A_280 = arith.constant 2 : i32
      %dma_wait3A_281 = arith.constant 0 : i32
      %dma_wait3A_282 = arith.constant 0 : i32
      %dma_wait3A_283 = tpu.memref_slice %arg5[%dma_wait3A_280, %dma_wait3A_281, %dma_wait3A_282] : memref<3x120x128xf32, #tpu.memory_space<vmem>> -> memref<1x120x128xf32, #tpu.memory_space<vmem>>
      %dma_wait3A_284 = tpu.memref_squeeze %dma_wait3A_283 : memref<1x120x128xf32, #tpu.memory_space<vmem>> -> memref<120x128xf32, #tpu.memory_space<vmem>>
      %dma_wait3A_285 = arith.constant 0 : i32
      %dma_wait3A_286 = tpu.memref_slice %arg2[%add3A_268, %dma_wait3A_285] : memref<160000x128xf32, #tpu.memory_space<hbm>> -> memref<120x128xf32, #tpu.memory_space<hbm>>
      %dma_wait3A_287 = arith.constant 0 : i32
      %dma_wait3A_288 = arith.constant 0 : i32
      %dma_wait3A_289 = tpu.memref_slice %arg5[%dma_wait3A_280, %dma_wait3A_287, %dma_wait3A_288] : memref<3x120x128xf32, #tpu.memory_space<vmem>> -> memref<1x120x128xf32, #tpu.memory_space<vmem>>
      %dma_wait3A_290 = tpu.memref_squeeze %dma_wait3A_289 : memref<1x120x128xf32, #tpu.memory_space<vmem>> -> memref<120x128xf32, #tpu.memory_space<vmem>>
      %dma_wait3A_291 = arith.constant 0 : i32
      %dma_wait3A_292 = tpu.memref_slice %arg2[%add3A_268, %dma_wait3A_291] : memref<160000x128xf32, #tpu.memory_space<hbm>> -> memref<120x128xf32, #tpu.memory_space<hbm>>
      tpu.wait_dma2 semaphore(%arg11 : memref<!tpu.dma_semaphore, #tpu.memory_space<semaphore_mem>>) src(%dma_wait3A_292 : memref<120x128xf32, #tpu.memory_space<hbm>>) dst(%dma_wait3A_290 : memref<120x128xf32, #tpu.memory_space<vmem>>)
      %add3A_293 = arith.constant 2 : i32
      %add3A_294 = arith.addi %add3A_265, %add3A_293 : i32
      %mul3A_295 = arith.constant 120 : i32
      %mul3A_296 = arith.muli %add3A_294, %mul3A_295 : i32
      %add3A_297 = arith.addi %add3A_17, %mul3A_296 : i32
      %add3A_298 = arith.constant 160000 : i32
      %add3A_299 = arith.addi %add3A_298, %add3A_297 : i32
      %dma_start3A_300 = arith.constant 1 : i32
      %dma_start3A_301 = arith.constant 0 : i32
      %dma_start3A_302 = tpu.memref_slice %arg6[%dma_start3A_300, %dma_start3A_301] : memref<3x120xi32, #tpu.memory_space<vmem>> -> memref<1x120xi32, #tpu.memory_space<vmem>>
      %dma_start3A_303 = tpu.memref_squeeze %dma_start3A_302 : memref<1x120xi32, #tpu.memory_space<vmem>> -> memref<120xi32, #tpu.memory_space<vmem>>
      %dma_start3A_304 = tpu.memref_slice %arg3[%add3A_299] : memref<320000xi32, #tpu.memory_space<hbm>> -> memref<120xi32, #tpu.memory_space<hbm>>
      %dma_start3A_305 = arith.constant 0 : i32
      %dma_start3A_306 = tpu.memref_slice %arg6[%dma_start3A_300, %dma_start3A_305] : memref<3x120xi32, #tpu.memory_space<vmem>> -> memref<1x120xi32, #tpu.memory_space<vmem>>
      %dma_start3A_307 = tpu.memref_squeeze %dma_start3A_306 : memref<1x120xi32, #tpu.memory_space<vmem>> -> memref<120xi32, #tpu.memory_space<vmem>>
      %dma_start3A_308 = tpu.memref_slice %arg3[%add3A_299] : memref<320000xi32, #tpu.memory_space<hbm>> -> memref<120xi32, #tpu.memory_space<hbm>>
      tpu.enqueue_dma source(%dma_start3A_308 : memref<120xi32, #tpu.memory_space<hbm>>) target(%dma_start3A_307 : memref<120xi32, #tpu.memory_space<vmem>>) target_semaphore(%arg13 : memref<!tpu.dma_semaphore, #tpu.memory_space<semaphore_mem>>)
      %dma_start3A_309 = arith.constant 1 : i32
      %dma_start3A_310 = arith.constant 0 : i32
      %dma_start3A_311 = arith.constant 0 : i32
      %dma_start3A_312 = tpu.memref_slice %arg5[%dma_start3A_309, %dma_start3A_310, %dma_start3A_311] : memref<3x120x128xf32, #tpu.memory_space<vmem>> -> memref<1x120x128xf32, #tpu.memory_space<vmem>>
      %dma_start3A_313 = tpu.memref_squeeze %dma_start3A_312 : memref<1x120x128xf32, #tpu.memory_space<vmem>> -> memref<120x128xf32, #tpu.memory_space<vmem>>
      %dma_start3A_314 = arith.constant 0 : i32
      %dma_start3A_315 = tpu.memref_slice %arg2[%add3A_297, %dma_start3A_314] : memref<160000x128xf32, #tpu.memory_space<hbm>> -> memref<120x128xf32, #tpu.memory_space<hbm>>
      %dma_start3A_316 = arith.constant 0 : i32
      %dma_start3A_317 = arith.constant 0 : i32
      %dma_start3A_318 = tpu.memref_slice %arg5[%dma_start3A_309, %dma_start3A_316, %dma_start3A_317] : memref<3x120x128xf32, #tpu.memory_space<vmem>> -> memref<1x120x128xf32, #tpu.memory_space<vmem>>
      %dma_start3A_319 = tpu.memref_squeeze %dma_start3A_318 : memref<1x120x128xf32, #tpu.memory_space<vmem>> -> memref<120x128xf32, #tpu.memory_space<vmem>>
      %dma_start3A_320 = arith.constant 0 : i32
      %dma_start3A_321 = tpu.memref_slice %arg2[%add3A_297, %dma_start3A_320] : memref<160000x128xf32, #tpu.memory_space<hbm>> -> memref<120x128xf32, #tpu.memory_space<hbm>>
      tpu.enqueue_dma source(%dma_start3A_321 : memref<120x128xf32, #tpu.memory_space<hbm>>) target(%dma_start3A_319 : memref<120x128xf32, #tpu.memory_space<vmem>>) target_semaphore(%arg10 : memref<!tpu.dma_semaphore, #tpu.memory_space<semaphore_mem>>)
      %run_scoped3A_322 = arith.constant 2 : i32
      %run_scoped3A_323 = arith.constant 2 : i32
      "tpu.region"() ({
        %run_scoped3A_324 = tpu.sem_alloc : memref<!tpu.dma_semaphore, #tpu.memory_space<semaphore_mem>>
        %dma_start3A_325 = arith.constant 0 : i32
        %dma_start3A_326 = arith.constant 0 : i32
        %dma_start3A_327 = tpu.memref_slice %arg5[%run_scoped3A_322, %dma_start3A_325, %dma_start3A_326] : memref<3x120x128xf32, #tpu.memory_space<vmem>> -> memref<1x120x128xf32, #tpu.memory_space<vmem>>
        %dma_start3A_328 = tpu.memref_squeeze %dma_start3A_327 : memref<1x120x128xf32, #tpu.memory_space<vmem>> -> memref<120x128xf32, #tpu.memory_space<vmem>>
        %dma_start3A_329 = arith.constant 0 : i32
        %dma_start3A_330 = tpu.memref_slice %arg6[%run_scoped3A_323, %dma_start3A_329] : memref<3x120xi32, #tpu.memory_space<vmem>> -> memref<1x120xi32, #tpu.memory_space<vmem>>
        %dma_start3A_331 = tpu.memref_squeeze %dma_start3A_330 : memref<1x120xi32, #tpu.memory_space<vmem>> -> memref<120xi32, #tpu.memory_space<vmem>>
        %dma_start3A_332 = arith.constant 0 : i32
        %dma_start3A_333 = arith.constant 0 : i32
        %dma_start3A_334 = tpu.memref_slice %arg8[%dma_start3A_332, %dma_start3A_333] : memref<10240x128xf32, #tpu.memory_space<vmem_shared>> -> memref<10240x128xf32, #tpu.memory_space<vmem_shared>>
        tpu.enqueue_indirect_dma source(%dma_start3A_328 : memref<120x128xf32, #tpu.memory_space<vmem>>) target(%dma_start3A_334 : memref<10240x128xf32, #tpu.memory_space<vmem_shared>>) offsets(%dma_start3A_331 : memref<120xi32, #tpu.memory_space<vmem>>) semaphore(%run_scoped3A_324 : memref<!tpu.dma_semaphore, #tpu.memory_space<semaphore_mem>>) {add = true}
        %dma_wait3A_335 = arith.constant 0 : i32
        %dma_wait3A_336 = arith.constant 0 : i32
        %dma_wait3A_337 = tpu.memref_slice %arg5[%run_scoped3A_322, %dma_wait3A_335, %dma_wait3A_336] : memref<3x120x128xf32, #tpu.memory_space<vmem>> -> memref<1x120x128xf32, #tpu.memory_space<vmem>>
        %dma_wait3A_338 = tpu.memref_squeeze %dma_wait3A_337 : memref<1x120x128xf32, #tpu.memory_space<vmem>> -> memref<120x128xf32, #tpu.memory_space<vmem>>
        %dma_wait3A_339 = arith.constant 0 : i32
        %dma_wait3A_340 = tpu.memref_slice %arg6[%run_scoped3A_323, %dma_wait3A_339] : memref<3x120xi32, #tpu.memory_space<vmem>> -> memref<1x120xi32, #tpu.memory_space<vmem>>
        %dma_wait3A_341 = tpu.memref_squeeze %dma_wait3A_340 : memref<1x120xi32, #tpu.memory_space<vmem>> -> memref<120xi32, #tpu.memory_space<vmem>>
        %dma_wait3A_342 = arith.constant 0 : i32
        %dma_wait3A_343 = arith.constant 0 : i32
        %dma_wait3A_344 = tpu.memref_slice %arg8[%dma_wait3A_342, %dma_wait3A_343] : memref<10240x128xf32, #tpu.memory_space<vmem_shared>> -> memref<10240x128xf32, #tpu.memory_space<vmem_shared>>
        tpu.wait_indirect_dma semaphore(%run_scoped3A_324 : memref<!tpu.dma_semaphore, #tpu.memory_space<semaphore_mem>>) src(%dma_wait3A_338 : memref<120x128xf32, #tpu.memory_space<vmem>>) dst(%dma_wait3A_344 : memref<10240x128xf32, #tpu.memory_space<vmem_shared>>)
        tpu.yield
      }) : () -> ()
    }
    %scan3A_74 = arith.constant 13 : i32
    %add3A_75 = arith.constant 4680 : i32
    %add3A_76 = arith.addi %add3A_17, %add3A_75 : i32
    %add3A_77 = arith.constant 160000 : i32
    %add3A_78 = arith.addi %add3A_77, %add3A_76 : i32
    %dma_wait3A = arith.constant 0 : i32
    %dma_wait3A_79 = arith.constant 0 : i32
    %dma_wait3A_80 = tpu.memref_slice %arg6[%dma_wait3A, %dma_wait3A_79] : memref<3x120xi32, #tpu.memory_space<vmem>> -> memref<1x120xi32, #tpu.memory_space<vmem>>
    %dma_wait3A_81 = tpu.memref_squeeze %dma_wait3A_80 : memref<1x120xi32, #tpu.memory_space<vmem>> -> memref<120xi32, #tpu.memory_space<vmem>>
    %dma_wait3A_82 = tpu.memref_slice %arg3[%add3A_78] : memref<320000xi32, #tpu.memory_space<hbm>> -> memref<120xi32, #tpu.memory_space<hbm>>
    %dma_wait3A_83 = arith.constant 0 : i32
    %dma_wait3A_84 = tpu.memref_slice %arg6[%dma_wait3A, %dma_wait3A_83] : memref<3x120xi32, #tpu.memory_space<vmem>> -> memref<1x120xi32, #tpu.memory_space<vmem>>
    %dma_wait3A_85 = tpu.memref_squeeze %dma_wait3A_84 : memref<1x120xi32, #tpu.memory_space<vmem>> -> memref<120xi32, #tpu.memory_space<vmem>>
    %dma_wait3A_86 = tpu.memref_slice %arg3[%add3A_78] : memref<320000xi32, #tpu.memory_space<hbm>> -> memref<120xi32, #tpu.memory_space<hbm>>
    tpu.wait_dma2 semaphore(%arg12 : memref<!tpu.dma_semaphore, #tpu.memory_space<semaphore_mem>>) src(%dma_wait3A_86 : memref<120xi32, #tpu.memory_space<hbm>>) dst(%dma_wait3A_85 : memref<120xi32, #tpu.memory_space<vmem>>)
    %dma_wait3A_87 = arith.constant 0 : i32
    %dma_wait3A_88 = arith.constant 0 : i32
    %dma_wait3A_89 = arith.constant 0 : i32
    %dma_wait3A_90 = tpu.memref_slice %arg5[%dma_wait3A_87, %dma_wait3A_88, %dma_wait3A_89] : memref<3x120x128xf32, #tpu.memory_space<vmem>> -> memref<1x120x128xf32, #tpu.memory_space<vmem>>
    %dma_wait3A_91 = tpu.memref_squeeze %dma_wait3A_90 : memref<1x120x128xf32, #tpu.memory_space<vmem>> -> memref<120x128xf32, #tpu.memory_space<vmem>>
    %dma_wait3A_92 = arith.constant 0 : i32
    %dma_wait3A_93 = tpu.memref_slice %arg2[%add3A_76, %dma_wait3A_92] : memref<160000x128xf32, #tpu.memory_space<hbm>> -> memref<120x128xf32, #tpu.memory_space<hbm>>
    %dma_wait3A_94 = arith.constant 0 : i32
    %dma_wait3A_95 = arith.constant 0 : i32
    %dma_wait3A_96 = tpu.memref_slice %arg5[%dma_wait3A_87, %dma_wait3A_94, %dma_wait3A_95] : memref<3x120x128xf32, #tpu.memory_space<vmem>> -> memref<1x120x128xf32, #tpu.memory_space<vmem>>
    %dma_wait3A_97 = tpu.memref_squeeze %dma_wait3A_96 : memref<1x120x128xf32, #tpu.memory_space<vmem>> -> memref<120x128xf32, #tpu.memory_space<vmem>>
    %dma_wait3A_98 = arith.constant 0 : i32
    %dma_wait3A_99 = tpu.memref_slice %arg2[%add3A_76, %dma_wait3A_98] : memref<160000x128xf32, #tpu.memory_space<hbm>> -> memref<120x128xf32, #tpu.memory_space<hbm>>
    tpu.wait_dma2 semaphore(%arg9 : memref<!tpu.dma_semaphore, #tpu.memory_space<semaphore_mem>>) src(%dma_wait3A_99 : memref<120x128xf32, #tpu.memory_space<hbm>>) dst(%dma_wait3A_97 : memref<120x128xf32, #tpu.memory_space<vmem>>)
    %run_scoped3A_100 = arith.constant 0 : i32
    %run_scoped3A_101 = arith.constant 0 : i32
    "tpu.region"() ({
      %run_scoped3A_141 = tpu.sem_alloc : memref<!tpu.dma_semaphore, #tpu.memory_space<semaphore_mem>>
      %dma_start3A_142 = arith.constant 0 : i32
      %dma_start3A_143 = arith.constant 0 : i32
      %dma_start3A_144 = tpu.memref_slice %arg5[%run_scoped3A_100, %dma_start3A_142, %dma_start3A_143] : memref<3x120x128xf32, #tpu.memory_space<vmem>> -> memref<1x120x128xf32, #tpu.memory_space<vmem>>
      %dma_start3A_145 = tpu.memref_squeeze %dma_start3A_144 : memref<1x120x128xf32, #tpu.memory_space<vmem>> -> memref<120x128xf32, #tpu.memory_space<vmem>>
      %dma_start3A_146 = arith.constant 0 : i32
      %dma_start3A_147 = tpu.memref_slice %arg6[%run_scoped3A_101, %dma_start3A_146] : memref<3x120xi32, #tpu.memory_space<vmem>> -> memref<1x120xi32, #tpu.memory_space<vmem>>
      %dma_start3A_148 = tpu.memref_squeeze %dma_start3A_147 : memref<1x120xi32, #tpu.memory_space<vmem>> -> memref<120xi32, #tpu.memory_space<vmem>>
      %dma_start3A_149 = arith.constant 0 : i32
      %dma_start3A_150 = arith.constant 0 : i32
      %dma_start3A_151 = tpu.memref_slice %arg8[%dma_start3A_149, %dma_start3A_150] : memref<10240x128xf32, #tpu.memory_space<vmem_shared>> -> memref<10240x128xf32, #tpu.memory_space<vmem_shared>>
      tpu.enqueue_indirect_dma source(%dma_start3A_145 : memref<120x128xf32, #tpu.memory_space<vmem>>) target(%dma_start3A_151 : memref<10240x128xf32, #tpu.memory_space<vmem_shared>>) offsets(%dma_start3A_148 : memref<120xi32, #tpu.memory_space<vmem>>) semaphore(%run_scoped3A_141 : memref<!tpu.dma_semaphore, #tpu.memory_space<semaphore_mem>>) {add = true}
      %dma_wait3A_152 = arith.constant 0 : i32
      %dma_wait3A_153 = arith.constant 0 : i32
      %dma_wait3A_154 = tpu.memref_slice %arg5[%run_scoped3A_100, %dma_wait3A_152, %dma_wait3A_153] : memref<3x120x128xf32, #tpu.memory_space<vmem>> -> memref<1x120x128xf32, #tpu.memory_space<vmem>>
      %dma_wait3A_155 = tpu.memref_squeeze %dma_wait3A_154 : memref<1x120x128xf32, #tpu.memory_space<vmem>> -> memref<120x128xf32, #tpu.memory_space<vmem>>
      %dma_wait3A_156 = arith.constant 0 : i32
      %dma_wait3A_157 = tpu.memref_slice %arg6[%run_scoped3A_101, %dma_wait3A_156] : memref<3x120xi32, #tpu.memory_space<vmem>> -> memref<1x120xi32, #tpu.memory_space<vmem>>
      %dma_wait3A_158 = tpu.memref_squeeze %dma_wait3A_157 : memref<1x120xi32, #tpu.memory_space<vmem>> -> memref<120xi32, #tpu.memory_space<vmem>>
      %dma_wait3A_159 = arith.constant 0 : i32
      %dma_wait3A_160 = arith.constant 0 : i32
      %dma_wait3A_161 = tpu.memref_slice %arg8[%dma_wait3A_159, %dma_wait3A_160] : memref<10240x128xf32, #tpu.memory_space<vmem_shared>> -> memref<10240x128xf32, #tpu.memory_space<vmem_shared>>
      tpu.wait_indirect_dma semaphore(%run_scoped3A_141 : memref<!tpu.dma_semaphore, #tpu.memory_space<semaphore_mem>>) src(%dma_wait3A_155 : memref<120x128xf32, #tpu.memory_space<vmem>>) dst(%dma_wait3A_161 : memref<10240x128xf32, #tpu.memory_space<vmem_shared>>)
      tpu.yield
    }) : () -> ()
    %add3A_102 = arith.constant 4800 : i32
    %add3A_103 = arith.addi %add3A_17, %add3A_102 : i32
    %add3A_104 = arith.constant 160000 : i32
    %add3A_105 = arith.addi %add3A_104, %add3A_103 : i32
    %dma_wait3A_106 = arith.constant 1 : i32
    %dma_wait3A_107 = arith.constant 0 : i32
    %dma_wait3A_108 = tpu.memref_slice %arg6[%dma_wait3A_106, %dma_wait3A_107] : memref<3x120xi32, #tpu.memory_space<vmem>> -> memref<1x120xi32, #tpu.memory_space<vmem>>
    %dma_wait3A_109 = tpu.memref_squeeze %dma_wait3A_108 : memref<1x120xi32, #tpu.memory_space<vmem>> -> memref<120xi32, #tpu.memory_space<vmem>>
    %dma_wait3A_110 = tpu.memref_slice %arg3[%add3A_105] : memref<320000xi32, #tpu.memory_space<hbm>> -> memref<120xi32, #tpu.memory_space<hbm>>
    %dma_wait3A_111 = arith.constant 0 : i32
    %dma_wait3A_112 = tpu.memref_slice %arg6[%dma_wait3A_106, %dma_wait3A_111] : memref<3x120xi32, #tpu.memory_space<vmem>> -> memref<1x120xi32, #tpu.memory_space<vmem>>
    %dma_wait3A_113 = tpu.memref_squeeze %dma_wait3A_112 : memref<1x120xi32, #tpu.memory_space<vmem>> -> memref<120xi32, #tpu.memory_space<vmem>>
    %dma_wait3A_114 = tpu.memref_slice %arg3[%add3A_105] : memref<320000xi32, #tpu.memory_space<hbm>> -> memref<120xi32, #tpu.memory_space<hbm>>
    tpu.wait_dma2 semaphore(%arg13 : memref<!tpu.dma_semaphore, #tpu.memory_space<semaphore_mem>>) src(%dma_wait3A_114 : memref<120xi32, #tpu.memory_space<hbm>>) dst(%dma_wait3A_113 : memref<120xi32, #tpu.memory_space<vmem>>)
    %dma_wait3A_115 = arith.constant 1 : i32
    %dma_wait3A_116 = arith.constant 0 : i32
    %dma_wait3A_117 = arith.constant 0 : i32
    %dma_wait3A_118 = tpu.memref_slice %arg5[%dma_wait3A_115, %dma_wait3A_116, %dma_wait3A_117] : memref<3x120x128xf32, #tpu.memory_space<vmem>> -> memref<1x120x128xf32, #tpu.memory_space<vmem>>
    %dma_wait3A_119 = tpu.memref_squeeze %dma_wait3A_118 : memref<1x120x128xf32, #tpu.memory_space<vmem>> -> memref<120x128xf32, #tpu.memory_space<vmem>>
    %dma_wait3A_120 = arith.constant 0 : i32
    %dma_wait3A_121 = tpu.memref_slice %arg2[%add3A_103, %dma_wait3A_120] : memref<160000x128xf32, #tpu.memory_space<hbm>> -> memref<120x128xf32, #tpu.memory_space<hbm>>
    %dma_wait3A_122 = arith.constant 0 : i32
    %dma_wait3A_123 = arith.constant 0 : i32
    %dma_wait3A_124 = tpu.memref_slice %arg5[%dma_wait3A_115, %dma_wait3A_122, %dma_wait3A_123] : memref<3x120x128xf32, #tpu.memory_space<vmem>> -> memref<1x120x128xf32, #tpu.memory_space<vmem>>
    %dma_wait3A_125 = tpu.memref_squeeze %dma_wait3A_124 : memref<1x120x128xf32, #tpu.memory_space<vmem>> -> memref<120x128xf32, #tpu.memory_space<vmem>>
    %dma_wait3A_126 = arith.constant 0 : i32
    %dma_wait3A_127 = tpu.memref_slice %arg2[%add3A_103, %dma_wait3A_126] : memref<160000x128xf32, #tpu.memory_space<hbm>> -> memref<120x128xf32, #tpu.memory_space<hbm>>
    tpu.wait_dma2 semaphore(%arg10 : memref<!tpu.dma_semaphore, #tpu.memory_space<semaphore_mem>>) src(%dma_wait3A_127 : memref<120x128xf32, #tpu.memory_space<hbm>>) dst(%dma_wait3A_125 : memref<120x128xf32, #tpu.memory_space<vmem>>)
    %run_scoped3A_128 = arith.constant 1 : i32
    %run_scoped3A_129 = arith.constant 1 : i32
    "tpu.region"() ({
      %run_scoped3A_141 = tpu.sem_alloc : memref<!tpu.dma_semaphore, #tpu.memory_space<semaphore_mem>>
      %dma_start3A_142 = arith.constant 0 : i32
      %dma_start3A_143 = arith.constant 0 : i32
      %dma_start3A_144 = tpu.memref_slice %arg5[%run_scoped3A_128, %dma_start3A_142, %dma_start3A_143] : memref<3x120x128xf32, #tpu.memory_space<vmem>> -> memref<1x120x128xf32, #tpu.memory_space<vmem>>
      %dma_start3A_145 = tpu.memref_squeeze %dma_start3A_144 : memref<1x120x128xf32, #tpu.memory_space<vmem>> -> memref<120x128xf32, #tpu.memory_space<vmem>>
      %dma_start3A_146 = arith.constant 0 : i32
      %dma_start3A_147 = tpu.memref_slice %arg6[%run_scoped3A_129, %dma_start3A_146] : memref<3x120xi32, #tpu.memory_space<vmem>> -> memref<1x120xi32, #tpu.memory_space<vmem>>
      %dma_start3A_148 = tpu.memref_squeeze %dma_start3A_147 : memref<1x120xi32, #tpu.memory_space<vmem>> -> memref<120xi32, #tpu.memory_space<vmem>>
      %dma_start3A_149 = arith.constant 0 : i32
      %dma_start3A_150 = arith.constant 0 : i32
      %dma_start3A_151 = tpu.memref_slice %arg8[%dma_start3A_149, %dma_start3A_150] : memref<10240x128xf32, #tpu.memory_space<vmem_shared>> -> memref<10240x128xf32, #tpu.memory_space<vmem_shared>>
      tpu.enqueue_indirect_dma source(%dma_start3A_145 : memref<120x128xf32, #tpu.memory_space<vmem>>) target(%dma_start3A_151 : memref<10240x128xf32, #tpu.memory_space<vmem_shared>>) offsets(%dma_start3A_148 : memref<120xi32, #tpu.memory_space<vmem>>) semaphore(%run_scoped3A_141 : memref<!tpu.dma_semaphore, #tpu.memory_space<semaphore_mem>>) {add = true}
      %dma_wait3A_152 = arith.constant 0 : i32
      %dma_wait3A_153 = arith.constant 0 : i32
      %dma_wait3A_154 = tpu.memref_slice %arg5[%run_scoped3A_128, %dma_wait3A_152, %dma_wait3A_153] : memref<3x120x128xf32, #tpu.memory_space<vmem>> -> memref<1x120x128xf32, #tpu.memory_space<vmem>>
      %dma_wait3A_155 = tpu.memref_squeeze %dma_wait3A_154 : memref<1x120x128xf32, #tpu.memory_space<vmem>> -> memref<120x128xf32, #tpu.memory_space<vmem>>
      %dma_wait3A_156 = arith.constant 0 : i32
      %dma_wait3A_157 = tpu.memref_slice %arg6[%run_scoped3A_129, %dma_wait3A_156] : memref<3x120xi32, #tpu.memory_space<vmem>> -> memref<1x120xi32, #tpu.memory_space<vmem>>
      %dma_wait3A_158 = tpu.memref_squeeze %dma_wait3A_157 : memref<1x120xi32, #tpu.memory_space<vmem>> -> memref<120xi32, #tpu.memory_space<vmem>>
      %dma_wait3A_159 = arith.constant 0 : i32
      %dma_wait3A_160 = arith.constant 0 : i32
      %dma_wait3A_161 = tpu.memref_slice %arg8[%dma_wait3A_159, %dma_wait3A_160] : memref<10240x128xf32, #tpu.memory_space<vmem_shared>> -> memref<10240x128xf32, #tpu.memory_space<vmem_shared>>
      tpu.wait_indirect_dma semaphore(%run_scoped3A_141 : memref<!tpu.dma_semaphore, #tpu.memory_space<semaphore_mem>>) src(%dma_wait3A_155 : memref<120x128xf32, #tpu.memory_space<vmem>>) dst(%dma_wait3A_161 : memref<10240x128xf32, #tpu.memory_space<vmem_shared>>)
      tpu.yield
    }) : () -> ()
    %add3A_130 = arith.constant 4920 : i32
    %add3A_131 = arith.addi %add3A_17, %add3A_130 : i32
    %add3A_132 = arith.constant 160000 : i32
    %add3A_133 = arith.addi %add3A_132, %add3A_131 : i32
    "tpu.region"() ({
      %run_scoped3A_141 = tpu.sem_alloc : memref<!tpu.dma_semaphore, #tpu.memory_space<semaphore_mem>>
      %dma_start3A_142 = tpu.memref_slice %arg3[%add3A_133] : memref<320000xi32, #tpu.memory_space<hbm>> -> memref<80xi32, #tpu.memory_space<hbm>>
      %dma_start3A_143 = tpu.memref_slice %arg3[%add3A_133] : memref<320000xi32, #tpu.memory_space<hbm>> -> memref<80xi32, #tpu.memory_space<hbm>>
      tpu.enqueue_dma source(%dma_start3A_143 : memref<80xi32, #tpu.memory_space<hbm>>) target(%arg7 : memref<80xi32, #tpu.memory_space<vmem>>) target_semaphore(%run_scoped3A_141 : memref<!tpu.dma_semaphore, #tpu.memory_space<semaphore_mem>>)
      %dma_wait3A_144 = tpu.memref_slice %arg3[%add3A_133] : memref<320000xi32, #tpu.memory_space<hbm>> -> memref<80xi32, #tpu.memory_space<hbm>>
      %dma_wait3A_145 = tpu.memref_slice %arg3[%add3A_133] : memref<320000xi32, #tpu.memory_space<hbm>> -> memref<80xi32, #tpu.memory_space<hbm>>
      tpu.wait_dma2 semaphore(%run_scoped3A_141 : memref<!tpu.dma_semaphore, #tpu.memory_space<semaphore_mem>>) src(%dma_wait3A_145 : memref<80xi32, #tpu.memory_space<hbm>>) dst(%arg7 : memref<80xi32, #tpu.memory_space<vmem>>)
      tpu.yield
    }) : () -> ()
    %run_scoped3A_134 = arith.constant 2 : i32
    "tpu.region"() ({
      %run_scoped3A_141 = tpu.sem_alloc : memref<!tpu.dma_semaphore, #tpu.memory_space<semaphore_mem>>
      %dma_start3A_142 = arith.constant 0 : i32
      %dma_start3A_143 = arith.constant 0 : i32
      %dma_start3A_144 = tpu.memref_slice %arg5[%run_scoped3A_134, %dma_start3A_142, %dma_start3A_143] : memref<3x120x128xf32, #tpu.memory_space<vmem>> -> memref<1x80x128xf32, #tpu.memory_space<vmem>>
      %dma_start3A_145 = tpu.memref_squeeze %dma_start3A_144 : memref<1x80x128xf32, #tpu.memory_space<vmem>> -> memref<80x128xf32, #tpu.memory_space<vmem>>
      %dma_start3A_146 = arith.constant 0 : i32
      %dma_start3A_147 = tpu.memref_slice %arg2[%add3A_131, %dma_start3A_146] : memref<160000x128xf32, #tpu.memory_space<hbm>> -> memref<80x128xf32, #tpu.memory_space<hbm>>
      %dma_start3A_148 = arith.constant 0 : i32
      %dma_start3A_149 = arith.constant 0 : i32
      %dma_start3A_150 = tpu.memref_slice %arg5[%run_scoped3A_134, %dma_start3A_148, %dma_start3A_149] : memref<3x120x128xf32, #tpu.memory_space<vmem>> -> memref<1x80x128xf32, #tpu.memory_space<vmem>>
      %dma_start3A_151 = tpu.memref_squeeze %dma_start3A_150 : memref<1x80x128xf32, #tpu.memory_space<vmem>> -> memref<80x128xf32, #tpu.memory_space<vmem>>
      %dma_start3A_152 = arith.constant 0 : i32
      %dma_start3A_153 = tpu.memref_slice %arg2[%add3A_131, %dma_start3A_152] : memref<160000x128xf32, #tpu.memory_space<hbm>> -> memref<80x128xf32, #tpu.memory_space<hbm>>
      tpu.enqueue_dma source(%dma_start3A_153 : memref<80x128xf32, #tpu.memory_space<hbm>>) target(%dma_start3A_151 : memref<80x128xf32, #tpu.memory_space<vmem>>) target_semaphore(%run_scoped3A_141 : memref<!tpu.dma_semaphore, #tpu.memory_space<semaphore_mem>>)
      %dma_wait3A_154 = arith.constant 0 : i32
      %dma_wait3A_155 = arith.constant 0 : i32
      %dma_wait3A_156 = tpu.memref_slice %arg5[%run_scoped3A_134, %dma_wait3A_154, %dma_wait3A_155] : memref<3x120x128xf32, #tpu.memory_space<vmem>> -> memref<1x80x128xf32, #tpu.memory_space<vmem>>
      %dma_wait3A_157 = tpu.memref_squeeze %dma_wait3A_156 : memref<1x80x128xf32, #tpu.memory_space<vmem>> -> memref<80x128xf32, #tpu.memory_space<vmem>>
      %dma_wait3A_158 = arith.constant 0 : i32
      %dma_wait3A_159 = tpu.memref_slice %arg2[%add3A_131, %dma_wait3A_158] : memref<160000x128xf32, #tpu.memory_space<hbm>> -> memref<80x128xf32, #tpu.memory_space<hbm>>
      %dma_wait3A_160 = arith.constant 0 : i32
      %dma_wait3A_161 = arith.constant 0 : i32
      %dma_wait3A_162 = tpu.memref_slice %arg5[%run_scoped3A_134, %dma_wait3A_160, %dma_wait3A_161] : memref<3x120x128xf32, #tpu.memory_space<vmem>> -> memref<1x80x128xf32, #tpu.memory_space<vmem>>
      %dma_wait3A_163 = tpu.memref_squeeze %dma_wait3A_162 : memref<1x80x128xf32, #tpu.memory_space<vmem>> -> memref<80x128xf32, #tpu.memory_space<vmem>>
      %dma_wait3A_164 = arith.constant 0 : i32
      %dma_wait3A_165 = tpu.memref_slice %arg2[%add3A_131, %dma_wait3A_164] : memref<160000x128xf32, #tpu.memory_space<hbm>> -> memref<80x128xf32, #tpu.memory_space<hbm>>
      tpu.wait_dma2 semaphore(%run_scoped3A_141 : memref<!tpu.dma_semaphore, #tpu.memory_space<semaphore_mem>>) src(%dma_wait3A_165 : memref<80x128xf32, #tpu.memory_space<hbm>>) dst(%dma_wait3A_163 : memref<80x128xf32, #tpu.memory_space<vmem>>)
      tpu.yield
    }) : () -> ()
    %run_scoped3A_135 = arith.constant 2 : i32
    "tpu.region"() ({
      %run_scoped3A_141 = tpu.sem_alloc : memref<!tpu.dma_semaphore, #tpu.memory_space<semaphore_mem>>
      %dma_start3A_142 = arith.constant 0 : i32
      %dma_start3A_143 = arith.constant 0 : i32
      %dma_start3A_144 = tpu.memref_slice %arg5[%run_scoped3A_135, %dma_start3A_142, %dma_start3A_143] : memref<3x120x128xf32, #tpu.memory_space<vmem>> -> memref<1x80x128xf32, #tpu.memory_space<vmem>>
      %dma_start3A_145 = tpu.memref_squeeze %dma_start3A_144 : memref<1x80x128xf32, #tpu.memory_space<vmem>> -> memref<80x128xf32, #tpu.memory_space<vmem>>
      %dma_start3A_146 = arith.constant 0 : i32
      %dma_start3A_147 = arith.constant 0 : i32
      %dma_start3A_148 = tpu.memref_slice %arg8[%dma_start3A_146, %dma_start3A_147] : memref<10240x128xf32, #tpu.memory_space<vmem_shared>> -> memref<10240x128xf32, #tpu.memory_space<vmem_shared>>
      tpu.enqueue_indirect_dma source(%dma_start3A_145 : memref<80x128xf32, #tpu.memory_space<vmem>>) target(%dma_start3A_148 : memref<10240x128xf32, #tpu.memory_space<vmem_shared>>) offsets(%arg7 : memref<80xi32, #tpu.memory_space<vmem>>) semaphore(%run_scoped3A_141 : memref<!tpu.dma_semaphore, #tpu.memory_space<semaphore_mem>>) {add = true}
      %dma_wait3A_149 = arith.constant 0 : i32
      %dma_wait3A_150 = arith.constant 0 : i32
      %dma_wait3A_151 = tpu.memref_slice %arg5[%run_scoped3A_135, %dma_wait3A_149, %dma_wait3A_150] : memref<3x120x128xf32, #tpu.memory_space<vmem>> -> memref<1x80x128xf32, #tpu.memory_space<vmem>>
      %dma_wait3A_152 = tpu.memref_squeeze %dma_wait3A_151 : memref<1x80x128xf32, #tpu.memory_space<vmem>> -> memref<80x128xf32, #tpu.memory_space<vmem>>
      %dma_wait3A_153 = arith.constant 0 : i32
      %dma_wait3A_154 = arith.constant 0 : i32
      %dma_wait3A_155 = tpu.memref_slice %arg8[%dma_wait3A_153, %dma_wait3A_154] : memref<10240x128xf32, #tpu.memory_space<vmem_shared>> -> memref<10240x128xf32, #tpu.memory_space<vmem_shared>>
      tpu.wait_indirect_dma semaphore(%run_scoped3A_141 : memref<!tpu.dma_semaphore, #tpu.memory_space<semaphore_mem>>) src(%dma_wait3A_152 : memref<80x128xf32, #tpu.memory_space<vmem>>) dst(%dma_wait3A_155 : memref<10240x128xf32, #tpu.memory_space<vmem_shared>>)
      tpu.yield
    }) : () -> ()
    %barrier3A_136 = arith.constant 0 : index
    tpu.barrier barrier_id(%barrier3A_136)
    %mul3A_137 = arith.constant 640 : i32
    %mul3A_138 = arith.muli %arg1, %mul3A_137 : i32
    %mul3A_139 = arith.constant 640 : i32
    %mul3A_140 = arith.muli %arg1, %mul3A_139 : i32
    "tpu.region"() ({
      %run_scoped3A_141 = tpu.sem_alloc : memref<!tpu.dma_semaphore, #tpu.memory_space<semaphore_mem>>
      %dma_start3A_142 = arith.constant 0 : i32
      %dma_start3A_143 = tpu.memref_slice %arg4[%arg0, %mul3A_140, %dma_start3A_142] : memref<2x10240x128xf32, #tpu.memory_space<hbm>> -> memref<1x640x128xf32, #tpu.memory_space<hbm>>
      %dma_start3A_144 = tpu.memref_squeeze %dma_start3A_143 : memref<1x640x128xf32, #tpu.memory_space<hbm>> -> memref<640x128xf32, #tpu.memory_space<hbm>>
      %dma_start3A_145 = arith.constant 0 : i32
      %dma_start3A_146 = tpu.memref_slice %arg8[%mul3A_138, %dma_start3A_145] : memref<10240x128xf32, #tpu.memory_space<vmem_shared>> -> memref<640x128xf32, #tpu.memory_space<vmem_shared>>
      tpu.enqueue_dma source(%dma_start3A_146 : memref<640x128xf32, #tpu.memory_space<vmem_shared>>) target(%dma_start3A_144 : memref<640x128xf32, #tpu.memory_space<hbm>>) target_semaphore(%run_scoped3A_141 : memref<!tpu.dma_semaphore, #tpu.memory_space<semaphore_mem>>)
      %dma_wait3A_147 = arith.constant 0 : i32
      %dma_wait3A_148 = tpu.memref_slice %arg4[%arg0, %mul3A_140, %dma_wait3A_147] : memref<2x10240x128xf32, #tpu.memory_space<hbm>> -> memref<1x640x128xf32, #tpu.memory_space<hbm>>
      %dma_wait3A_149 = tpu.memref_squeeze %dma_wait3A_148 : memref<1x640x128xf32, #tpu.memory_space<hbm>> -> memref<640x128xf32, #tpu.memory_space<hbm>>
      %dma_wait3A_150 = arith.constant 0 : i32
      %dma_wait3A_151 = tpu.memref_slice %arg8[%mul3A_138, %dma_wait3A_150] : memref<10240x128xf32, #tpu.memory_space<vmem_shared>> -> memref<640x128xf32, #tpu.memory_space<vmem_shared>>
      tpu.wait_dma2 semaphore(%run_scoped3A_141 : memref<!tpu.dma_semaphore, #tpu.memory_space<semaphore_mem>>) src(%dma_wait3A_151 : memref<640x128xf32, #tpu.memory_space<vmem_shared>>) dst(%dma_wait3A_149 : memref<640x128xf32, #tpu.memory_space<hbm>>)
      tpu.yield
    }) : () -> ()
    return
  }
}

#map = affine_map<(d0, d1) -> (0, 0)>
#map1 = affine_map<(d0, d1) -> (0)>
#map2 = affine_map<(d0, d1) -> (0, 0, 0)>
module attributes {stable_mosaic.version = 14 : i64} {
  func.func @_scatter_body(%arg0: i32, %arg1: i32, %arg2: memref<160000x128xf32, #tpu.memory_space<hbm>>, %arg3: memref<320000xi32, #tpu.memory_space<hbm>>, %arg4: memref<2x10240x128xf32, #tpu.memory_space<hbm>>, %arg5: memref<3x120x128xf32, #tpu.memory_space<vmem>>, %arg6: memref<3x120xi32, #tpu.memory_space<vmem>>, %arg7: memref<80xi32, #tpu.memory_space<vmem>>, %arg8: memref<10240x128xf32, #tpu.memory_space<vmem_shared>>, %arg9: memref<!tpu.dma_semaphore, #tpu.memory_space<semaphore_mem>>, %arg10: memref<!tpu.dma_semaphore, #tpu.memory_space<semaphore_mem>>, %arg11: memref<!tpu.dma_semaphore, #tpu.memory_space<semaphore_mem>>, %arg12: memref<!tpu.dma_semaphore, #tpu.memory_space<semaphore_mem>>, %arg13: memref<!tpu.dma_semaphore, #tpu.memory_space<semaphore_mem>>, %arg14: memref<!tpu.dma_semaphore, #tpu.memory_space<semaphore_mem>>) attributes {dimension_semantics = [#tpu.dimension_semantics<core_parallel>, #tpu.dimension_semantics<subcore_parallel>], iteration_bounds = array<i64: 2, 16>, scalar_prefetch = 0 : i64, scratch_operands = 10 : i64, tpu.core_type = #tpu.core_type<sc_vector_subcore>, window_params = [{transform_indices = #map}, {transform_indices = #map1}, {transform_indices = #map2}]} {
    %scan3A = arith.constant 0 : i32
    %scan3A_0 = arith.constant 0 : i32
    %scan3A_1 = arith.constant 120 : i32
    %scan3A_2 = arith.addi %scan3A_0, %scan3A_1 : i32
    %scan3A_3 = arith.constant 1 : i32
    scf.for %scan3A_141 = %scan3A_0 to %scan3A_2 step %scan3A_3  : i32 {
      %broadcast_in_dim3A = arith.constant 0.000000e+00 : f32
      %broadcast_in_dim3A_142 = vector.broadcast %broadcast_in_dim3A : f32 to vector<16xf32>
      %swap3A = arith.constant 0 : i32
      %swap3A_143 = arith.index_cast %swap3A : i32 to index
      %swap3A_144 = arith.index_cast %scan3A_141 : i32 to index
      %swap3A_145 = arith.constant 0 : index
      %swap3A_146 = tpu.vector_load %arg5[%swap3A_143, %swap3A_144, %swap3A_145] {strides = array<i32>} : memref<3x120x128xf32, #tpu.memory_space<vmem>>, vector<1x1x16xf32>,
      %swap3A_147 = vector.shape_cast %swap3A_146 : vector<1x1x16xf32> to vector<16xf32>
      %swap3A_148 = vector.shape_cast %broadcast_in_dim3A_142 : vector<16xf32> to vector<1x1x16xf32>
      tpu.vector_store %arg5[%swap3A_143, %swap3A_144, %swap3A_145], %swap3A_148 {strides = array<i32>} : memref<3x120x128xf32, #tpu.memory_space<vmem>>, vector<1x1x16xf32>,
      %broadcast_in_dim3A_149 = arith.constant 0.000000e+00 : f32
      %broadcast_in_dim3A_150 = vector.broadcast %broadcast_in_dim3A_149 : f32 to vector<16xf32>
      %swap3A_151 = arith.constant 0 : i32
      %swap3A_152 = arith.index_cast %swap3A_151 : i32 to index
      %swap3A_153 = arith.index_cast %scan3A_141 : i32 to index
      %swap3A_154 = arith.constant 16 : index
      %swap3A_155 = tpu.vector_load %arg5[%swap3A_152, %swap3A_153, %swap3A_154] {strides = array<i32>} : memref<3x120x128xf32, #tpu.memory_space<vmem>>, vector<1x1x16xf32>,
      %swap3A_156 = vector.shape_cast %swap3A_155 : vector<1x1x16xf32> to vector<16xf32>
      %swap3A_157 = vector.shape_cast %broadcast_in_dim3A_150 : vector<16xf32> to vector<1x1x16xf32>
      tpu.vector_store %arg5[%swap3A_152, %swap3A_153, %swap3A_154], %swap3A_157 {strides = array<i32>} : memref<3x120x128xf32, #tpu.memory_space<vmem>>, vector<1x1x16xf32>,
      %broadcast_in_dim3A_158 = arith.constant 0.000000e+00 : f32
      %broadcast_in_dim3A_159 = vector.broadcast %broadcast_in_dim3A_158 : f32 to vector<16xf32>
      %swap3A_160 = arith.constant 0 : i32
      %swap3A_161 = arith.index_cast %swap3A_160 : i32 to index
      %swap3A_162 = arith.index_cast %scan3A_141 : i32 to index
      %swap3A_163 = arith.constant 32 : index
      %swap3A_164 = tpu.vector_load %arg5[%swap3A_161, %swap3A_162, %swap3A_163] {strides = array<i32>} : memref<3x120x128xf32, #tpu.memory_space<vmem>>, vector<1x1x16xf32>,
      %swap3A_165 = vector.shape_cast %swap3A_164 : vector<1x1x16xf32> to vector<16xf32>
      %swap3A_166 = vector.shape_cast %broadcast_in_dim3A_159 : vector<16xf32> to vector<1x1x16xf32>
      tpu.vector_store %arg5[%swap3A_161, %swap3A_162, %swap3A_163], %swap3A_166 {strides = array<i32>} : memref<3x120x128xf32, #tpu.memory_space<vmem>>, vector<1x1x16xf32>,
      %broadcast_in_dim3A_167 = arith.constant 0.000000e+00 : f32
      %broadcast_in_dim3A_168 = vector.broadcast %broadcast_in_dim3A_167 : f32 to vector<16xf32>
      %swap3A_169 = arith.constant 0 : i32
      %swap3A_170 = arith.index_cast %swap3A_169 : i32 to index
      %swap3A_171 = arith.index_cast %scan3A_141 : i32 to index
      %swap3A_172 = arith.constant 48 : index
      %swap3A_173 = tpu.vector_load %arg5[%swap3A_170, %swap3A_171, %swap3A_172] {strides = array<i32>} : memref<3x120x128xf32, #tpu.memory_space<vmem>>, vector<1x1x16xf32>,
      %swap3A_174 = vector.shape_cast %swap3A_173 : vector<1x1x16xf32> to vector<16xf32>
      %swap3A_175 = vector.shape_cast %broadcast_in_dim3A_168 : vector<16xf32> to vector<1x1x16xf32>
      tpu.vector_store %arg5[%swap3A_170, %swap3A_171, %swap3A_172], %swap3A_175 {strides = array<i32>} : memref<3x120x128xf32, #tpu.memory_space<vmem>>, vector<1x1x16xf32>,
      %broadcast_in_dim3A_176 = arith.constant 0.000000e+00 : f32
      %broadcast_in_dim3A_177 = vector.broadcast %broadcast_in_dim3A_176 : f32 to vector<16xf32>
      %swap3A_178 = arith.constant 0 : i32
      %swap3A_179 = arith.index_cast %swap3A_178 : i32 to index
      %swap3A_180 = arith.index_cast %scan3A_141 : i32 to index
      %swap3A_181 = arith.constant 64 : index
      %swap3A_182 = tpu.vector_load %arg5[%swap3A_179, %swap3A_180, %swap3A_181] {strides = array<i32>} : memref<3x120x128xf32, #tpu.memory_space<vmem>>, vector<1x1x16xf32>,
      %swap3A_183 = vector.shape_cast %swap3A_182 : vector<1x1x16xf32> to vector<16xf32>
      %swap3A_184 = vector.shape_cast %broadcast_in_dim3A_177 : vector<16xf32> to vector<1x1x16xf32>
      tpu.vector_store %arg5[%swap3A_179, %swap3A_180, %swap3A_181], %swap3A_184 {strides = array<i32>} : memref<3x120x128xf32, #tpu.memory_space<vmem>>, vector<1x1x16xf32>,
      %broadcast_in_dim3A_185 = arith.constant 0.000000e+00 : f32
      %broadcast_in_dim3A_186 = vector.broadcast %broadcast_in_dim3A_185 : f32 to vector<16xf32>
      %swap3A_187 = arith.constant 0 : i32
      %swap3A_188 = arith.index_cast %swap3A_187 : i32 to index
      %swap3A_189 = arith.index_cast %scan3A_141 : i32 to index
      %swap3A_190 = arith.constant 80 : index
      %swap3A_191 = tpu.vector_load %arg5[%swap3A_188, %swap3A_189, %swap3A_190] {strides = array<i32>} : memref<3x120x128xf32, #tpu.memory_space<vmem>>, vector<1x1x16xf32>,
      %swap3A_192 = vector.shape_cast %swap3A_191 : vector<1x1x16xf32> to vector<16xf32>
      %swap3A_193 = vector.shape_cast %broadcast_in_dim3A_186 : vector<16xf32> to vector<1x1x16xf32>
      tpu.vector_store %arg5[%swap3A_188, %swap3A_189, %swap3A_190], %swap3A_193 {strides = array<i32>} : memref<3x120x128xf32, #tpu.memory_space<vmem>>, vector<1x1x16xf32>,
      %broadcast_in_dim3A_194 = arith.constant 0.000000e+00 : f32
      %broadcast_in_dim3A_195 = vector.broadcast %broadcast_in_dim3A_194 : f32 to vector<16xf32>
      %swap3A_196 = arith.constant 0 : i32
      %swap3A_197 = arith.index_cast %swap3A_196 : i32 to index
      %swap3A_198 = arith.index_cast %scan3A_141 : i32 to index
      %swap3A_199 = arith.constant 96 : index
      %swap3A_200 = tpu.vector_load %arg5[%swap3A_197, %swap3A_198, %swap3A_199] {strides = array<i32>} : memref<3x120x128xf32, #tpu.memory_space<vmem>>, vector<1x1x16xf32>,
      %swap3A_201 = vector.shape_cast %swap3A_200 : vector<1x1x16xf32> to vector<16xf32>
      %swap3A_202 = vector.shape_cast %broadcast_in_dim3A_195 : vector<16xf32> to vector<1x1x16xf32>
      tpu.vector_store %arg5[%swap3A_197, %swap3A_198, %swap3A_199], %swap3A_202 {strides = array<i32>} : memref<3x120x128xf32, #tpu.memory_space<vmem>>, vector<1x1x16xf32>,
      %broadcast_in_dim3A_203 = arith.constant 0.000000e+00 : f32
      %broadcast_in_dim3A_204 = vector.broadcast %broadcast_in_dim3A_203 : f32 to vector<16xf32>
      %swap3A_205 = arith.constant 0 : i32
      %swap3A_206 = arith.index_cast %swap3A_205 : i32 to index
      %swap3A_207 = arith.index_cast %scan3A_141 : i32 to index
      %swap3A_208 = arith.constant 112 : index
      %swap3A_209 = tpu.vector_load %arg5[%swap3A_206, %swap3A_207, %swap3A_208] {strides = array<i32>} : memref<3x120x128xf32, #tpu.memory_space<vmem>>, vector<1x1x16xf32>,
      %swap3A_210 = vector.shape_cast %swap3A_209 : vector<1x1x16xf32> to vector<16xf32>
      %swap3A_211 = vector.shape_cast %broadcast_in_dim3A_204 : vector<16xf32> to vector<1x1x16xf32>
      tpu.vector_store %arg5[%swap3A_206, %swap3A_207, %swap3A_208], %swap3A_211 {strides = array<i32>} : memref<3x120x128xf32, #tpu.memory_space<vmem>>, vector<1x1x16xf32>,
    }
    %scan3A_4 = arith.constant 120 : i32
    %mul3A = arith.constant 640 : i32
    %mul3A_5 = arith.muli %arg1, %mul3A : i32
    %scan3A_6 = arith.constant 0 : i32
    %scan3A_7 = arith.constant 0 : i32
    %scan3A_8 = arith.constant 5 : i32
    %scan3A_9 = arith.addi %scan3A_7, %scan3A_8 : i32
    %scan3A_10 = arith.constant 1 : i32
    scf.for %scan3A_141 = %scan3A_7 to %scan3A_9 step %scan3A_10  : i32 {
      %mul3A_142 = arith.constant 120 : i32
      %mul3A_143 = arith.muli %scan3A_141, %mul3A_142 : i32
      %add3A_144 = arith.addi %mul3A_5, %mul3A_143 : i32
      %run_scoped3A_145 = arith.constant 0 : i32
      "tpu.region"() ({
        %run_scoped3A_146 = tpu.sem_alloc : memref<!tpu.dma_semaphore, #tpu.memory_space<semaphore_mem>>
        %dma_start3A_147 = arith.constant 0 : i32
        %dma_start3A_148 = arith.constant 0 : i32
        %dma_start3A_149 = tpu.memref_slice %arg5[%run_scoped3A_145, %dma_start3A_147, %dma_start3A_148] : memref<3x120x128xf32, #tpu.memory_space<vmem>> -> memref<1x120x128xf32, #tpu.memory_space<vmem>>
        %dma_start3A_150 = tpu.memref_squeeze %dma_start3A_149 : memref<1x120x128xf32, #tpu.memory_space<vmem>> -> memref<120x128xf32, #tpu.memory_space<vmem>>
        %dma_start3A_151 = arith.constant 0 : i32
        %dma_start3A_152 = tpu.memref_slice %arg8[%add3A_144, %dma_start3A_151] : memref<10240x128xf32, #tpu.memory_space<vmem_shared>> -> memref<120x128xf32, #tpu.memory_space<vmem_shared>>
        %dma_start3A_153 = arith.constant 0 : i32
        %dma_start3A_154 = tpu.memref_slice %arg8[%add3A_144, %dma_start3A_153] : memref<10240x128xf32, #tpu.memory_space<vmem_shared>> -> memref<120x128xf32, #tpu.memory_space<vmem_shared>>
        %dma_start3A_155 = arith.constant 0 : i32
        %dma_start3A_156 = arith.constant 0 : i32
        %dma_start3A_157 = tpu.memref_slice %arg5[%run_scoped3A_145, %dma_start3A_155, %dma_start3A_156] : memref<3x120x128xf32, #tpu.memory_space<vmem>> -> memref<1x120x128xf32, #tpu.memory_space<vmem>>
        %dma_start3A_158 = tpu.memref_squeeze %dma_start3A_157 : memref<1x120x128xf32, #tpu.memory_space<vmem>> -> memref<120x128xf32, #tpu.memory_space<vmem>>
        tpu.enqueue_dma source(%dma_start3A_158 : memref<120x128xf32, #tpu.memory_space<vmem>>) target(%dma_start3A_154 : memref<120x128xf32, #tpu.memory_space<vmem_shared>>) target_semaphore(%run_scoped3A_146 : memref<!tpu.dma_semaphore, #tpu.memory_space<semaphore_mem>>)
        %dma_wait3A_159 = arith.constant 0 : i32
        %dma_wait3A_160 = arith.constant 0 : i32
        %dma_wait3A_161 = tpu.memref_slice %arg5[%run_scoped3A_145, %dma_wait3A_159, %dma_wait3A_160] : memref<3x120x128xf32, #tpu.memory_space<vmem>> -> memref<1x120x128xf32, #tpu.memory_space<vmem>>
        %dma_wait3A_162 = tpu.memref_squeeze %dma_wait3A_161 : memref<1x120x128xf32, #tpu.memory_space<vmem>> -> memref<120x128xf32, #tpu.memory_space<vmem>>
        %dma_wait3A_163 = arith.constant 0 : i32
        %dma_wait3A_164 = tpu.memref_slice %arg8[%add3A_144, %dma_wait3A_163] : memref<10240x128xf32, #tpu.memory_space<vmem_shared>> -> memref<120x128xf32, #tpu.memory_space<vmem_shared>>
        %dma_wait3A_165 = arith.constant 0 : i32
        %dma_wait3A_166 = tpu.memref_slice %arg8[%add3A_144, %dma_wait3A_165] : memref<10240x128xf32, #tpu.memory_space<vmem_shared>> -> memref<120x128xf32, #tpu.memory_space<vmem_shared>>
        %dma_wait3A_167 = arith.constant 0 : i32
        %dma_wait3A_168 = arith.constant 0 : i32
        %dma_wait3A_169 = tpu.memref_slice %arg5[%run_scoped3A_145, %dma_wait3A_167, %dma_wait3A_168] : memref<3x120x128xf32, #tpu.memory_space<vmem>> -> memref<1x120x128xf32, #tpu.memory_space<vmem>>
        %dma_wait3A_170 = tpu.memref_squeeze %dma_wait3A_169 : memref<1x120x128xf32, #tpu.memory_space<vmem>> -> memref<120x128xf32, #tpu.memory_space<vmem>>
        tpu.wait_dma2 semaphore(%run_scoped3A_146 : memref<!tpu.dma_semaphore, #tpu.memory_space<semaphore_mem>>) src(%dma_wait3A_170 : memref<120x128xf32, #tpu.memory_space<vmem>>) dst(%dma_wait3A_166 : memref<120x128xf32, #tpu.memory_space<vmem_shared>>)
        tpu.yield
      }) : () -> ()
    }
    %scan3A_11 = arith.constant 5 : i32
    %add3A = arith.constant 600 : i32
    %add3A_12 = arith.addi %mul3A_5, %add3A : i32
    %run_scoped3A = arith.constant 0 : i32
    "tpu.region"() ({
      %run_scoped3A_141 = tpu.sem_alloc : memref<!tpu.dma_semaphore, #tpu.memory_space<semaphore_mem>>
      %dma_start3A_142 = arith.constant 0 : i32
      %dma_start3A_143 = arith.constant 0 : i32
      %dma_start3A_144 = tpu.memref_slice %arg5[%run_scoped3A, %dma_start3A_142, %dma_start3A_143] : memref<3x120x128xf32, #tpu.memory_space<vmem>> -> memref<1x40x128xf32, #tpu.memory_space<vmem>>
      %dma_start3A_145 = tpu.memref_squeeze %dma_start3A_144 : memref<1x40x128xf32, #tpu.memory_space<vmem>> -> memref<40x128xf32, #tpu.memory_space<vmem>>
      %dma_start3A_146 = arith.constant 0 : i32
      %dma_start3A_147 = tpu.memref_slice %arg8[%add3A_12, %dma_start3A_146] : memref<10240x128xf32, #tpu.memory_space<vmem_shared>> -> memref<40x128xf32, #tpu.memory_space<vmem_shared>>
      %dma_start3A_148 = arith.constant 0 : i32
      %dma_start3A_149 = tpu.memref_slice %arg8[%add3A_12, %dma_start3A_148] : memref<10240x128xf32, #tpu.memory_space<vmem_shared>> -> memref<40x128xf32, #tpu.memory_space<vmem_shared>>
      %dma_start3A_150 = arith.constant 0 : i32
      %dma_start3A_151 = arith.constant 0 : i32
      %dma_start3A_152 = tpu.memref_slice %arg5[%run_scoped3A, %dma_start3A_150, %dma_start3A_151] : memref<3x120x128xf32, #tpu.memory_space<vmem>> -> memref<1x40x128xf32, #tpu.memory_space<vmem>>
      %dma_start3A_153 = tpu.memref_squeeze %dma_start3A_152 : memref<1x40x128xf32, #tpu.memory_space<vmem>> -> memref<40x128xf32, #tpu.memory_space<vmem>>
      tpu.enqueue_dma source(%dma_start3A_153 : memref<40x128xf32, #tpu.memory_space<vmem>>) target(%dma_start3A_149 : memref<40x128xf32, #tpu.memory_space<vmem_shared>>) target_semaphore(%run_scoped3A_141 : memref<!tpu.dma_semaphore, #tpu.memory_space<semaphore_mem>>)
      %dma_wait3A_154 = arith.constant 0 : i32
      %dma_wait3A_155 = arith.constant 0 : i32
      %dma_wait3A_156 = tpu.memref_slice %arg5[%run_scoped3A, %dma_wait3A_154, %dma_wait3A_155] : memref<3x120x128xf32, #tpu.memory_space<vmem>> -> memref<1x40x128xf32, #tpu.memory_space<vmem>>
      %dma_wait3A_157 = tpu.memref_squeeze %dma_wait3A_156 : memref<1x40x128xf32, #tpu.memory_space<vmem>> -> memref<40x128xf32, #tpu.memory_space<vmem>>
      %dma_wait3A_158 = arith.constant 0 : i32
      %dma_wait3A_159 = tpu.memref_slice %arg8[%add3A_12, %dma_wait3A_158] : memref<10240x128xf32, #tpu.memory_space<vmem_shared>> -> memref<40x128xf32, #tpu.memory_space<vmem_shared>>
      %dma_wait3A_160 = arith.constant 0 : i32
      %dma_wait3A_161 = tpu.memref_slice %arg8[%add3A_12, %dma_wait3A_160] : memref<10240x128xf32, #tpu.memory_space<vmem_shared>> -> memref<40x128xf32, #tpu.memory_space<vmem_shared>>
      %dma_wait3A_162 = arith.constant 0 : i32
      %dma_wait3A_163 = arith.constant 0 : i32
      %dma_wait3A_164 = tpu.memref_slice %arg5[%run_scoped3A, %dma_wait3A_162, %dma_wait3A_163] : memref<3x120x128xf32, #tpu.memory_space<vmem>> -> memref<1x40x128xf32, #tpu.memory_space<vmem>>
      %dma_wait3A_165 = tpu.memref_squeeze %dma_wait3A_164 : memref<1x40x128xf32, #tpu.memory_space<vmem>> -> memref<40x128xf32, #tpu.memory_space<vmem>>
      tpu.wait_dma2 semaphore(%run_scoped3A_141 : memref<!tpu.dma_semaphore, #tpu.memory_space<semaphore_mem>>) src(%dma_wait3A_165 : memref<40x128xf32, #tpu.memory_space<vmem>>) dst(%dma_wait3A_161 : memref<40x128xf32, #tpu.memory_space<vmem_shared>>)
      tpu.yield
    }) : () -> ()
    %barrier3A = arith.constant 0 : index
    tpu.barrier barrier_id(%barrier3A)
    %mul3A_13 = arith.constant 80000 : i32
    %mul3A_14 = arith.muli %arg0, %mul3A_13 : i32
    %mul3A_15 = arith.constant 5000 : i32
    %mul3A_16 = arith.muli %arg1, %mul3A_15 : i32
    %add3A_17 = arith.addi %mul3A_14, %mul3A_16 : i32
    %add3A_18 = arith.constant 0 : i32
    %add3A_19 = arith.addi %add3A_17, %add3A_18 : i32
    %add3A_20 = arith.constant 0 : i32
    %add3A_21 = arith.addi %add3A_20, %add3A_19 : i32
    %dma_start3A = arith.constant 0 : i32
    %dma_start3A_22 = arith.constant 0 : i32
    %dma_start3A_23 = tpu.memref_slice %arg6[%dma_start3A, %dma_start3A_22] : memref<3x120xi32, #tpu.memory_space<vmem>> -> memref<1x120xi32, #tpu.memory_space<vmem>>
    %dma_start3A_24 = tpu.memref_squeeze %dma_start3A_23 : memref<1x120xi32, #tpu.memory_space<vmem>> -> memref<120xi32, #tpu.memory_space<vmem>>
    %dma_start3A_25 = tpu.memref_slice %arg3[%add3A_21] : memref<320000xi32, #tpu.memory_space<hbm>> -> memref<120xi32, #tpu.memory_space<hbm>>
    %dma_start3A_26 = arith.constant 0 : i32
    %dma_start3A_27 = tpu.memref_slice %arg6[%dma_start3A, %dma_start3A_26] : memref<3x120xi32, #tpu.memory_space<vmem>> -> memref<1x120xi32, #tpu.memory_space<vmem>>
    %dma_start3A_28 = tpu.memref_squeeze %dma_start3A_27 : memref<1x120xi32, #tpu.memory_space<vmem>> -> memref<120xi32, #tpu.memory_space<vmem>>
    %dma_start3A_29 = tpu.memref_slice %arg3[%add3A_21] : memref<320000xi32, #tpu.memory_space<hbm>> -> memref<120xi32, #tpu.memory_space<hbm>>
    tpu.enqueue_dma source(%dma_start3A_29 : memref<120xi32, #tpu.memory_space<hbm>>) target(%dma_start3A_28 : memref<120xi32, #tpu.memory_space<vmem>>) target_semaphore(%arg12 : memref<!tpu.dma_semaphore, #tpu.memory_space<semaphore_mem>>)
    %dma_start3A_30 = arith.constant 0 : i32
    %dma_start3A_31 = arith.constant 0 : i32
    %dma_start3A_32 = arith.constant 0 : i32
    %dma_start3A_33 = tpu.memref_slice %arg5[%dma_start3A_30, %dma_start3A_31, %dma_start3A_32] : memref<3x120x128xf32, #tpu.memory_space<vmem>> -> memref<1x120x128xf32, #tpu.memory_space<vmem>>
    %dma_start3A_34 = tpu.memref_squeeze %dma_start3A_33 : memref<1x120x128xf32, #tpu.memory_space<vmem>> -> memref<120x128xf32, #tpu.memory_space<vmem>>
    %dma_start3A_35 = arith.constant 0 : i32
    %dma_start3A_36 = tpu.memref_slice %arg2[%add3A_19, %dma_start3A_35] : memref<160000x128xf32, #tpu.memory_space<hbm>> -> memref<120x128xf32, #tpu.memory_space<hbm>>
    %dma_start3A_37 = arith.constant 0 : i32
    %dma_start3A_38 = arith.constant 0 : i32
    %dma_start3A_39 = tpu.memref_slice %arg5[%dma_start3A_30, %dma_start3A_37, %dma_start3A_38] : memref<3x120x128xf32, #tpu.memory_space<vmem>> -> memref<1x120x128xf32, #tpu.memory_space<vmem>>
    %dma_start3A_40 = tpu.memref_squeeze %dma_start3A_39 : memref<1x120x128xf32, #tpu.memory_space<vmem>> -> memref<120x128xf32, #tpu.memory_space<vmem>>
    %dma_start3A_41 = arith.constant 0 : i32
    %dma_start3A_42 = tpu.memref_slice %arg2[%add3A_19, %dma_start3A_41] : memref<160000x128xf32, #tpu.memory_space<hbm>> -> memref<120x128xf32, #tpu.memory_space<hbm>>
    tpu.enqueue_dma source(%dma_start3A_42 : memref<120x128xf32, #tpu.memory_space<hbm>>) target(%dma_start3A_40 : memref<120x128xf32, #tpu.memory_space<vmem>>) target_semaphore(%arg9 : memref<!tpu.dma_semaphore, #tpu.memory_space<semaphore_mem>>)
    %add3A_43 = arith.constant 120 : i32
    %add3A_44 = arith.addi %add3A_17, %add3A_43 : i32
    %add3A_45 = arith.constant 0 : i32
    %add3A_46 = arith.addi %add3A_45, %add3A_44 : i32
    %dma_start3A_47 = arith.constant 1 : i32
    %dma_start3A_48 = arith.constant 0 : i32
    %dma_start3A_49 = tpu.memref_slice %arg6[%dma_start3A_47, %dma_start3A_48] : memref<3x120xi32, #tpu.memory_space<vmem>> -> memref<1x120xi32, #tpu.memory_space<vmem>>
    %dma_start3A_50 = tpu.memref_squeeze %dma_start3A_49 : memref<1x120xi32, #tpu.memory_space<vmem>> -> memref<120xi32, #tpu.memory_space<vmem>>
    %dma_start3A_51 = tpu.memref_slice %arg3[%add3A_46] : memref<320000xi32, #tpu.memory_space<hbm>> -> memref<120xi32, #tpu.memory_space<hbm>>
    %dma_start3A_52 = arith.constant 0 : i32
    %dma_start3A_53 = tpu.memref_slice %arg6[%dma_start3A_47, %dma_start3A_52] : memref<3x120xi32, #tpu.memory_space<vmem>> -> memref<1x120xi32, #tpu.memory_space<vmem>>
    %dma_start3A_54 = tpu.memref_squeeze %dma_start3A_53 : memref<1x120xi32, #tpu.memory_space<vmem>> -> memref<120xi32, #tpu.memory_space<vmem>>
    %dma_start3A_55 = tpu.memref_slice %arg3[%add3A_46] : memref<320000xi32, #tpu.memory_space<hbm>> -> memref<120xi32, #tpu.memory_space<hbm>>
    tpu.enqueue_dma source(%dma_start3A_55 : memref<120xi32, #tpu.memory_space<hbm>>) target(%dma_start3A_54 : memref<120xi32, #tpu.memory_space<vmem>>) target_semaphore(%arg13 : memref<!tpu.dma_semaphore, #tpu.memory_space<semaphore_mem>>)
    %dma_start3A_56 = arith.constant 1 : i32
    %dma_start3A_57 = arith.constant 0 : i32
    %dma_start3A_58 = arith.constant 0 : i32
    %dma_start3A_59 = tpu.memref_slice %arg5[%dma_start3A_56, %dma_start3A_57, %dma_start3A_58] : memref<3x120x128xf32, #tpu.memory_space<vmem>> -> memref<1x120x128xf32, #tpu.memory_space<vmem>>
    %dma_start3A_60 = tpu.memref_squeeze %dma_start3A_59 : memref<1x120x128xf32, #tpu.memory_space<vmem>> -> memref<120x128xf32, #tpu.memory_space<vmem>>
    %dma_start3A_61 = arith.constant 0 : i32
    %dma_start3A_62 = tpu.memref_slice %arg2[%add3A_44, %dma_start3A_61] : memref<160000x128xf32, #tpu.memory_space<hbm>> -> memref<120x128xf32, #tpu.memory_space<hbm>>
    %dma_start3A_63 = arith.constant 0 : i32
    %dma_start3A_64 = arith.constant 0 : i32
    %dma_start3A_65 = tpu.memref_slice %arg5[%dma_start3A_56, %dma_start3A_63, %dma_start3A_64] : memref<3x120x128xf32, #tpu.memory_space<vmem>> -> memref<1x120x128xf32, #tpu.memory_space<vmem>>
    %dma_start3A_66 = tpu.memref_squeeze %dma_start3A_65 : memref<1x120x128xf32, #tpu.memory_space<vmem>> -> memref<120x128xf32, #tpu.memory_space<vmem>>
    %dma_start3A_67 = arith.constant 0 : i32
    %dma_start3A_68 = tpu.memref_slice %arg2[%add3A_44, %dma_start3A_67] : memref<160000x128xf32, #tpu.memory_space<hbm>> -> memref<120x128xf32, #tpu.memory_space<hbm>>
    tpu.enqueue_dma source(%dma_start3A_68 : memref<120x128xf32, #tpu.memory_space<hbm>>) target(%dma_start3A_66 : memref<120x128xf32, #tpu.memory_space<vmem>>) target_semaphore(%arg10 : memref<!tpu.dma_semaphore, #tpu.memory_space<semaphore_mem>>)
    %scan3A_69 = arith.constant 0 : i32
    %scan3A_70 = arith.constant 0 : i32
    %scan3A_71 = arith.constant 13 : i32
    %scan3A_72 = arith.addi %scan3A_70, %scan3A_71 : i32
    %scan3A_73 = arith.constant 1 : i32
    scf.for %scan3A_141 = %scan3A_70 to %scan3A_72 step %scan3A_73  : i32 {
      %mul3A_142 = arith.constant 3 : i32
      %mul3A_143 = arith.muli %mul3A_142, %scan3A_141 : i32
      %add3A_144 = arith.constant 0 : i32
      %add3A_145 = arith.addi %mul3A_143, %add3A_144 : i32
      %mul3A_146 = arith.constant 120 : i32
      %mul3A_147 = arith.muli %add3A_145, %mul3A_146 : i32
      %add3A_148 = arith.addi %add3A_17, %mul3A_147 : i32
      %add3A_149 = arith.constant 0 : i32
      %add3A_150 = arith.addi %add3A_149, %add3A_148 : i32
      %dma_wait3A_151 = arith.constant 0 : i32
      %dma_wait3A_152 = arith.constant 0 : i32
      %dma_wait3A_153 = tpu.memref_slice %arg6[%dma_wait3A_151, %dma_wait3A_152] : memref<3x120xi32, #tpu.memory_space<vmem>> -> memref<1x120xi32, #tpu.memory_space<vmem>>
      %dma_wait3A_154 = tpu.memref_squeeze %dma_wait3A_153 : memref<1x120xi32, #tpu.memory_space<vmem>> -> memref<120xi32, #tpu.memory_space<vmem>>
      %dma_wait3A_155 = tpu.memref_slice %arg3[%add3A_150] : memref<320000xi32, #tpu.memory_space<hbm>> -> memref<120xi32, #tpu.memory_space<hbm>>
      %dma_wait3A_156 = arith.constant 0 : i32
      %dma_wait3A_157 = tpu.memref_slice %arg6[%dma_wait3A_151, %dma_wait3A_156] : memref<3x120xi32, #tpu.memory_space<vmem>> -> memref<1x120xi32, #tpu.memory_space<vmem>>
      %dma_wait3A_158 = tpu.memref_squeeze %dma_wait3A_157 : memref<1x120xi32, #tpu.memory_space<vmem>> -> memref<120xi32, #tpu.memory_space<vmem>>
      %dma_wait3A_159 = tpu.memref_slice %arg3[%add3A_150] : memref<320000xi32, #tpu.memory_space<hbm>> -> memref<120xi32, #tpu.memory_space<hbm>>
      tpu.wait_dma2 semaphore(%arg12 : memref<!tpu.dma_semaphore, #tpu.memory_space<semaphore_mem>>) src(%dma_wait3A_159 : memref<120xi32, #tpu.memory_space<hbm>>) dst(%dma_wait3A_158 : memref<120xi32, #tpu.memory_space<vmem>>)
      %dma_wait3A_160 = arith.constant 0 : i32
      %dma_wait3A_161 = arith.constant 0 : i32
      %dma_wait3A_162 = arith.constant 0 : i32
      %dma_wait3A_163 = tpu.memref_slice %arg5[%dma_wait3A_160, %dma_wait3A_161, %dma_wait3A_162] : memref<3x120x128xf32, #tpu.memory_space<vmem>> -> memref<1x120x128xf32, #tpu.memory_space<vmem>>
      %dma_wait3A_164 = tpu.memref_squeeze %dma_wait3A_163 : memref<1x120x128xf32, #tpu.memory_space<vmem>> -> memref<120x128xf32, #tpu.memory_space<vmem>>
      %dma_wait3A_165 = arith.constant 0 : i32
      %dma_wait3A_166 = tpu.memref_slice %arg2[%add3A_148, %dma_wait3A_165] : memref<160000x128xf32, #tpu.memory_space<hbm>> -> memref<120x128xf32, #tpu.memory_space<hbm>>
      %dma_wait3A_167 = arith.constant 0 : i32
      %dma_wait3A_168 = arith.constant 0 : i32
      %dma_wait3A_169 = tpu.memref_slice %arg5[%dma_wait3A_160, %dma_wait3A_167, %dma_wait3A_168] : memref<3x120x128xf32, #tpu.memory_space<vmem>> -> memref<1x120x128xf32, #tpu.memory_space<vmem>>
      %dma_wait3A_170 = tpu.memref_squeeze %dma_wait3A_169 : memref<1x120x128xf32, #tpu.memory_space<vmem>> -> memref<120x128xf32, #tpu.memory_space<vmem>>
      %dma_wait3A_171 = arith.constant 0 : i32
      %dma_wait3A_172 = tpu.memref_slice %arg2[%add3A_148, %dma_wait3A_171] : memref<160000x128xf32, #tpu.memory_space<hbm>> -> memref<120x128xf32, #tpu.memory_space<hbm>>
      tpu.wait_dma2 semaphore(%arg9 : memref<!tpu.dma_semaphore, #tpu.memory_space<semaphore_mem>>) src(%dma_wait3A_172 : memref<120x128xf32, #tpu.memory_space<hbm>>) dst(%dma_wait3A_170 : memref<120x128xf32, #tpu.memory_space<vmem>>)
      %add3A_173 = arith.constant 2 : i32
      %add3A_174 = arith.addi %add3A_145, %add3A_173 : i32
      %mul3A_175 = arith.constant 120 : i32
      %mul3A_176 = arith.muli %add3A_174, %mul3A_175 : i32
      %add3A_177 = arith.addi %add3A_17, %mul3A_176 : i32
      %add3A_178 = arith.constant 0 : i32
      %add3A_179 = arith.addi %add3A_178, %add3A_177 : i32
      %dma_start3A_180 = arith.constant 2 : i32
      %dma_start3A_181 = arith.constant 0 : i32
      %dma_start3A_182 = tpu.memref_slice %arg6[%dma_start3A_180, %dma_start3A_181] : memref<3x120xi32, #tpu.memory_space<vmem>> -> memref<1x120xi32, #tpu.memory_space<vmem>>
      %dma_start3A_183 = tpu.memref_squeeze %dma_start3A_182 : memref<1x120xi32, #tpu.memory_space<vmem>> -> memref<120xi32, #tpu.memory_space<vmem>>
      %dma_start3A_184 = tpu.memref_slice %arg3[%add3A_179] : memref<320000xi32, #tpu.memory_space<hbm>> -> memref<120xi32, #tpu.memory_space<hbm>>
      %dma_start3A_185 = arith.constant 0 : i32
      %dma_start3A_186 = tpu.memref_slice %arg6[%dma_start3A_180, %dma_start3A_185] : memref<3x120xi32, #tpu.memory_space<vmem>> -> memref<1x120xi32, #tpu.memory_space<vmem>>
      %dma_start3A_187 = tpu.memref_squeeze %dma_start3A_186 : memref<1x120xi32, #tpu.memory_space<vmem>> -> memref<120xi32, #tpu.memory_space<vmem>>
      %dma_start3A_188 = tpu.memref_slice %arg3[%add3A_179] : memref<320000xi32, #tpu.memory_space<hbm>> -> memref<120xi32, #tpu.memory_space<hbm>>
      tpu.enqueue_dma source(%dma_start3A_188 : memref<120xi32, #tpu.memory_space<hbm>>) target(%dma_start3A_187 : memref<120xi32, #tpu.memory_space<vmem>>) target_semaphore(%arg14 : memref<!tpu.dma_semaphore, #tpu.memory_space<semaphore_mem>>)
      %dma_start3A_189 = arith.constant 2 : i32
      %dma_start3A_190 = arith.constant 0 : i32
      %dma_start3A_191 = arith.constant 0 : i32
      %dma_start3A_192 = tpu.memref_slice %arg5[%dma_start3A_189, %dma_start3A_190, %dma_start3A_191] : memref<3x120x128xf32, #tpu.memory_space<vmem>> -> memref<1x120x128xf32, #tpu.memory_space<vmem>>
      %dma_start3A_193 = tpu.memref_squeeze %dma_start3A_192 : memref<1x120x128xf32, #tpu.memory_space<vmem>> -> memref<120x128xf32, #tpu.memory_space<vmem>>
      %dma_start3A_194 = arith.constant 0 : i32
      %dma_start3A_195 = tpu.memref_slice %arg2[%add3A_177, %dma_start3A_194] : memref<160000x128xf32, #tpu.memory_space<hbm>> -> memref<120x128xf32, #tpu.memory_space<hbm>>
      %dma_start3A_196 = arith.constant 0 : i32
      %dma_start3A_197 = arith.constant 0 : i32
      %dma_start3A_198 = tpu.memref_slice %arg5[%dma_start3A_189, %dma_start3A_196, %dma_start3A_197] : memref<3x120x128xf32, #tpu.memory_space<vmem>> -> memref<1x120x128xf32, #tpu.memory_space<vmem>>
      %dma_start3A_199 = tpu.memref_squeeze %dma_start3A_198 : memref<1x120x128xf32, #tpu.memory_space<vmem>> -> memref<120x128xf32, #tpu.memory_space<vmem>>
      %dma_start3A_200 = arith.constant 0 : i32
      %dma_start3A_201 = tpu.memref_slice %arg2[%add3A_177, %dma_start3A_200] : memref<160000x128xf32, #tpu.memory_space<hbm>> -> memref<120x128xf32, #tpu.memory_space<hbm>>
      tpu.enqueue_dma source(%dma_start3A_201 : memref<120x128xf32, #tpu.memory_space<hbm>>) target(%dma_start3A_199 : memref<120x128xf32, #tpu.memory_space<vmem>>) target_semaphore(%arg11 : memref<!tpu.dma_semaphore, #tpu.memory_space<semaphore_mem>>)
      %run_scoped3A_202 = arith.constant 0 : i32
      %run_scoped3A_203 = arith.constant 0 : i32
      "tpu.region"() ({
        %run_scoped3A_324 = tpu.sem_alloc : memref<!tpu.dma_semaphore, #tpu.memory_space<semaphore_mem>>
        %dma_start3A_325 = arith.constant 0 : i32
        %dma_start3A_326 = arith.constant 0 : i32
        %dma_start3A_327 = tpu.memref_slice %arg5[%run_scoped3A_202, %dma_start3A_325, %dma_start3A_326] : memref<3x120x128xf32, #tpu.memory_space<vmem>> -> memref<1x120x128xf32, #tpu.memory_space<vmem>>
        %dma_start3A_328 = tpu.memref_squeeze %dma_start3A_327 : memref<1x120x128xf32, #tpu.memory_space<vmem>> -> memref<120x128xf32, #tpu.memory_space<vmem>>
        %dma_start3A_329 = arith.constant 0 : i32
        %dma_start3A_330 = tpu.memref_slice %arg6[%run_scoped3A_203, %dma_start3A_329] : memref<3x120xi32, #tpu.memory_space<vmem>> -> memref<1x120xi32, #tpu.memory_space<vmem>>
        %dma_start3A_331 = tpu.memref_squeeze %dma_start3A_330 : memref<1x120xi32, #tpu.memory_space<vmem>> -> memref<120xi32, #tpu.memory_space<vmem>>
        %dma_start3A_332 = arith.constant 0 : i32
        %dma_start3A_333 = arith.constant 0 : i32
        %dma_start3A_334 = tpu.memref_slice %arg8[%dma_start3A_332, %dma_start3A_333] : memref<10240x128xf32, #tpu.memory_space<vmem_shared>> -> memref<10240x128xf32, #tpu.memory_space<vmem_shared>>
        tpu.enqueue_indirect_dma source(%dma_start3A_328 : memref<120x128xf32, #tpu.memory_space<vmem>>) target(%dma_start3A_334 : memref<10240x128xf32, #tpu.memory_space<vmem_shared>>) offsets(%dma_start3A_331 : memref<120xi32, #tpu.memory_space<vmem>>) semaphore(%run_scoped3A_324 : memref<!tpu.dma_semaphore, #tpu.memory_space<semaphore_mem>>) {add = true}
        %dma_wait3A_335 = arith.constant 0 : i32
        %dma_wait3A_336 = arith.constant 0 : i32
        %dma_wait3A_337 = tpu.memref_slice %arg5[%run_scoped3A_202, %dma_wait3A_335, %dma_wait3A_336] : memref<3x120x128xf32, #tpu.memory_space<vmem>> -> memref<1x120x128xf32, #tpu.memory_space<vmem>>
        %dma_wait3A_338 = tpu.memref_squeeze %dma_wait3A_337 : memref<1x120x128xf32, #tpu.memory_space<vmem>> -> memref<120x128xf32, #tpu.memory_space<vmem>>
        %dma_wait3A_339 = arith.constant 0 : i32
        %dma_wait3A_340 = tpu.memref_slice %arg6[%run_scoped3A_203, %dma_wait3A_339] : memref<3x120xi32, #tpu.memory_space<vmem>> -> memref<1x120xi32, #tpu.memory_space<vmem>>
        %dma_wait3A_341 = tpu.memref_squeeze %dma_wait3A_340 : memref<1x120xi32, #tpu.memory_space<vmem>> -> memref<120xi32, #tpu.memory_space<vmem>>
        %dma_wait3A_342 = arith.constant 0 : i32
        %dma_wait3A_343 = arith.constant 0 : i32
        %dma_wait3A_344 = tpu.memref_slice %arg8[%dma_wait3A_342, %dma_wait3A_343] : memref<10240x128xf32, #tpu.memory_space<vmem_shared>> -> memref<10240x128xf32, #tpu.memory_space<vmem_shared>>
        tpu.wait_indirect_dma semaphore(%run_scoped3A_324 : memref<!tpu.dma_semaphore, #tpu.memory_space<semaphore_mem>>) src(%dma_wait3A_338 : memref<120x128xf32, #tpu.memory_space<vmem>>) dst(%dma_wait3A_344 : memref<10240x128xf32, #tpu.memory_space<vmem_shared>>)
        tpu.yield
      }) : () -> ()
      %add3A_204 = arith.constant 1 : i32
      %add3A_205 = arith.addi %mul3A_143, %add3A_204 : i32
      %mul3A_206 = arith.constant 120 : i32
      %mul3A_207 = arith.muli %add3A_205, %mul3A_206 : i32
      %add3A_208 = arith.addi %add3A_17, %mul3A_207 : i32
      %add3A_209 = arith.constant 0 : i32
      %add3A_210 = arith.addi %add3A_209, %add3A_208 : i32
      %dma_wait3A_211 = arith.constant 1 : i32
      %dma_wait3A_212 = arith.constant 0 : i32
      %dma_wait3A_213 = tpu.memref_slice %arg6[%dma_wait3A_211, %dma_wait3A_212] : memref<3x120xi32, #tpu.memory_space<vmem>> -> memref<1x120xi32, #tpu.memory_space<vmem>>
      %dma_wait3A_214 = tpu.memref_squeeze %dma_wait3A_213 : memref<1x120xi32, #tpu.memory_space<vmem>> -> memref<120xi32, #tpu.memory_space<vmem>>
      %dma_wait3A_215 = tpu.memref_slice %arg3[%add3A_210] : memref<320000xi32, #tpu.memory_space<hbm>> -> memref<120xi32, #tpu.memory_space<hbm>>
      %dma_wait3A_216 = arith.constant 0 : i32
      %dma_wait3A_217 = tpu.memref_slice %arg6[%dma_wait3A_211, %dma_wait3A_216] : memref<3x120xi32, #tpu.memory_space<vmem>> -> memref<1x120xi32, #tpu.memory_space<vmem>>
      %dma_wait3A_218 = tpu.memref_squeeze %dma_wait3A_217 : memref<1x120xi32, #tpu.memory_space<vmem>> -> memref<120xi32, #tpu.memory_space<vmem>>
      %dma_wait3A_219 = tpu.memref_slice %arg3[%add3A_210] : memref<320000xi32, #tpu.memory_space<hbm>> -> memref<120xi32, #tpu.memory_space<hbm>>
      tpu.wait_dma2 semaphore(%arg13 : memref<!tpu.dma_semaphore, #tpu.memory_space<semaphore_mem>>) src(%dma_wait3A_219 : memref<120xi32, #tpu.memory_space<hbm>>) dst(%dma_wait3A_218 : memref<120xi32, #tpu.memory_space<vmem>>)
      %dma_wait3A_220 = arith.constant 1 : i32
      %dma_wait3A_221 = arith.constant 0 : i32
      %dma_wait3A_222 = arith.constant 0 : i32
      %dma_wait3A_223 = tpu.memref_slice %arg5[%dma_wait3A_220, %dma_wait3A_221, %dma_wait3A_222] : memref<3x120x128xf32, #tpu.memory_space<vmem>> -> memref<1x120x128xf32, #tpu.memory_space<vmem>>
      %dma_wait3A_224 = tpu.memref_squeeze %dma_wait3A_223 : memref<1x120x128xf32, #tpu.memory_space<vmem>> -> memref<120x128xf32, #tpu.memory_space<vmem>>
      %dma_wait3A_225 = arith.constant 0 : i32
      %dma_wait3A_226 = tpu.memref_slice %arg2[%add3A_208, %dma_wait3A_225] : memref<160000x128xf32, #tpu.memory_space<hbm>> -> memref<120x128xf32, #tpu.memory_space<hbm>>
      %dma_wait3A_227 = arith.constant 0 : i32
      %dma_wait3A_228 = arith.constant 0 : i32
      %dma_wait3A_229 = tpu.memref_slice %arg5[%dma_wait3A_220, %dma_wait3A_227, %dma_wait3A_228] : memref<3x120x128xf32, #tpu.memory_space<vmem>> -> memref<1x120x128xf32, #tpu.memory_space<vmem>>
      %dma_wait3A_230 = tpu.memref_squeeze %dma_wait3A_229 : memref<1x120x128xf32, #tpu.memory_space<vmem>> -> memref<120x128xf32, #tpu.memory_space<vmem>>
      %dma_wait3A_231 = arith.constant 0 : i32
      %dma_wait3A_232 = tpu.memref_slice %arg2[%add3A_208, %dma_wait3A_231] : memref<160000x128xf32, #tpu.memory_space<hbm>> -> memref<120x128xf32, #tpu.memory_space<hbm>>
      tpu.wait_dma2 semaphore(%arg10 : memref<!tpu.dma_semaphore, #tpu.memory_space<semaphore_mem>>) src(%dma_wait3A_232 : memref<120x128xf32, #tpu.memory_space<hbm>>) dst(%dma_wait3A_230 : memref<120x128xf32, #tpu.memory_space<vmem>>)
      %add3A_233 = arith.constant 2 : i32
      %add3A_234 = arith.addi %add3A_205, %add3A_233 : i32
      %mul3A_235 = arith.constant 120 : i32
      %mul3A_236 = arith.muli %add3A_234, %mul3A_235 : i32
      %add3A_237 = arith.addi %add3A_17, %mul3A_236 : i32
      %add3A_238 = arith.constant 0 : i32
      %add3A_239 = arith.addi %add3A_238, %add3A_237 : i32
      %dma_start3A_240 = arith.constant 0 : i32
      %dma_start3A_241 = arith.constant 0 : i32
      %dma_start3A_242 = tpu.memref_slice %arg6[%dma_start3A_240, %dma_start3A_241] : memref<3x120xi32, #tpu.memory_space<vmem>> -> memref<1x120xi32, #tpu.memory_space<vmem>>
      %dma_start3A_243 = tpu.memref_squeeze %dma_start3A_242 : memref<1x120xi32, #tpu.memory_space<vmem>> -> memref<120xi32, #tpu.memory_space<vmem>>
      %dma_start3A_244 = tpu.memref_slice %arg3[%add3A_239] : memref<320000xi32, #tpu.memory_space<hbm>> -> memref<120xi32, #tpu.memory_space<hbm>>
      %dma_start3A_245 = arith.constant 0 : i32
      %dma_start3A_246 = tpu.memref_slice %arg6[%dma_start3A_240, %dma_start3A_245] : memref<3x120xi32, #tpu.memory_space<vmem>> -> memref<1x120xi32, #tpu.memory_space<vmem>>
      %dma_start3A_247 = tpu.memref_squeeze %dma_start3A_246 : memref<1x120xi32, #tpu.memory_space<vmem>> -> memref<120xi32, #tpu.memory_space<vmem>>
      %dma_start3A_248 = tpu.memref_slice %arg3[%add3A_239] : memref<320000xi32, #tpu.memory_space<hbm>> -> memref<120xi32, #tpu.memory_space<hbm>>
      tpu.enqueue_dma source(%dma_start3A_248 : memref<120xi32, #tpu.memory_space<hbm>>) target(%dma_start3A_247 : memref<120xi32, #tpu.memory_space<vmem>>) target_semaphore(%arg12 : memref<!tpu.dma_semaphore, #tpu.memory_space<semaphore_mem>>)
      %dma_start3A_249 = arith.constant 0 : i32
      %dma_start3A_250 = arith.constant 0 : i32
      %dma_start3A_251 = arith.constant 0 : i32
      %dma_start3A_252 = tpu.memref_slice %arg5[%dma_start3A_249, %dma_start3A_250, %dma_start3A_251] : memref<3x120x128xf32, #tpu.memory_space<vmem>> -> memref<1x120x128xf32, #tpu.memory_space<vmem>>
      %dma_start3A_253 = tpu.memref_squeeze %dma_start3A_252 : memref<1x120x128xf32, #tpu.memory_space<vmem>> -> memref<120x128xf32, #tpu.memory_space<vmem>>
      %dma_start3A_254 = arith.constant 0 : i32
      %dma_start3A_255 = tpu.memref_slice %arg2[%add3A_237, %dma_start3A_254] : memref<160000x128xf32, #tpu.memory_space<hbm>> -> memref<120x128xf32, #tpu.memory_space<hbm>>
      %dma_start3A_256 = arith.constant 0 : i32
      %dma_start3A_257 = arith.constant 0 : i32
      %dma_start3A_258 = tpu.memref_slice %arg5[%dma_start3A_249, %dma_start3A_256, %dma_start3A_257] : memref<3x120x128xf32, #tpu.memory_space<vmem>> -> memref<1x120x128xf32, #tpu.memory_space<vmem>>
      %dma_start3A_259 = tpu.memref_squeeze %dma_start3A_258 : memref<1x120x128xf32, #tpu.memory_space<vmem>> -> memref<120x128xf32, #tpu.memory_space<vmem>>
      %dma_start3A_260 = arith.constant 0 : i32
      %dma_start3A_261 = tpu.memref_slice %arg2[%add3A_237, %dma_start3A_260] : memref<160000x128xf32, #tpu.memory_space<hbm>> -> memref<120x128xf32, #tpu.memory_space<hbm>>
      tpu.enqueue_dma source(%dma_start3A_261 : memref<120x128xf32, #tpu.memory_space<hbm>>) target(%dma_start3A_259 : memref<120x128xf32, #tpu.memory_space<vmem>>) target_semaphore(%arg9 : memref<!tpu.dma_semaphore, #tpu.memory_space<semaphore_mem>>)
      %run_scoped3A_262 = arith.constant 1 : i32
      %run_scoped3A_263 = arith.constant 1 : i32
      "tpu.region"() ({
        %run_scoped3A_324 = tpu.sem_alloc : memref<!tpu.dma_semaphore, #tpu.memory_space<semaphore_mem>>
        %dma_start3A_325 = arith.constant 0 : i32
        %dma_start3A_326 = arith.constant 0 : i32
        %dma_start3A_327 = tpu.memref_slice %arg5[%run_scoped3A_262, %dma_start3A_325, %dma_start3A_326] : memref<3x120x128xf32, #tpu.memory_space<vmem>> -> memref<1x120x128xf32, #tpu.memory_space<vmem>>
        %dma_start3A_328 = tpu.memref_squeeze %dma_start3A_327 : memref<1x120x128xf32, #tpu.memory_space<vmem>> -> memref<120x128xf32, #tpu.memory_space<vmem>>
        %dma_start3A_329 = arith.constant 0 : i32
        %dma_start3A_330 = tpu.memref_slice %arg6[%run_scoped3A_263, %dma_start3A_329] : memref<3x120xi32, #tpu.memory_space<vmem>> -> memref<1x120xi32, #tpu.memory_space<vmem>>
        %dma_start3A_331 = tpu.memref_squeeze %dma_start3A_330 : memref<1x120xi32, #tpu.memory_space<vmem>> -> memref<120xi32, #tpu.memory_space<vmem>>
        %dma_start3A_332 = arith.constant 0 : i32
        %dma_start3A_333 = arith.constant 0 : i32
        %dma_start3A_334 = tpu.memref_slice %arg8[%dma_start3A_332, %dma_start3A_333] : memref<10240x128xf32, #tpu.memory_space<vmem_shared>> -> memref<10240x128xf32, #tpu.memory_space<vmem_shared>>
        tpu.enqueue_indirect_dma source(%dma_start3A_328 : memref<120x128xf32, #tpu.memory_space<vmem>>) target(%dma_start3A_334 : memref<10240x128xf32, #tpu.memory_space<vmem_shared>>) offsets(%dma_start3A_331 : memref<120xi32, #tpu.memory_space<vmem>>) semaphore(%run_scoped3A_324 : memref<!tpu.dma_semaphore, #tpu.memory_space<semaphore_mem>>) {add = true}
        %dma_wait3A_335 = arith.constant 0 : i32
        %dma_wait3A_336 = arith.constant 0 : i32
        %dma_wait3A_337 = tpu.memref_slice %arg5[%run_scoped3A_262, %dma_wait3A_335, %dma_wait3A_336] : memref<3x120x128xf32, #tpu.memory_space<vmem>> -> memref<1x120x128xf32, #tpu.memory_space<vmem>>
        %dma_wait3A_338 = tpu.memref_squeeze %dma_wait3A_337 : memref<1x120x128xf32, #tpu.memory_space<vmem>> -> memref<120x128xf32, #tpu.memory_space<vmem>>
        %dma_wait3A_339 = arith.constant 0 : i32
        %dma_wait3A_340 = tpu.memref_slice %arg6[%run_scoped3A_263, %dma_wait3A_339] : memref<3x120xi32, #tpu.memory_space<vmem>> -> memref<1x120xi32, #tpu.memory_space<vmem>>
        %dma_wait3A_341 = tpu.memref_squeeze %dma_wait3A_340 : memref<1x120xi32, #tpu.memory_space<vmem>> -> memref<120xi32, #tpu.memory_space<vmem>>
        %dma_wait3A_342 = arith.constant 0 : i32
        %dma_wait3A_343 = arith.constant 0 : i32
        %dma_wait3A_344 = tpu.memref_slice %arg8[%dma_wait3A_342, %dma_wait3A_343] : memref<10240x128xf32, #tpu.memory_space<vmem_shared>> -> memref<10240x128xf32, #tpu.memory_space<vmem_shared>>
        tpu.wait_indirect_dma semaphore(%run_scoped3A_324 : memref<!tpu.dma_semaphore, #tpu.memory_space<semaphore_mem>>) src(%dma_wait3A_338 : memref<120x128xf32, #tpu.memory_space<vmem>>) dst(%dma_wait3A_344 : memref<10240x128xf32, #tpu.memory_space<vmem_shared>>)
        tpu.yield
      }) : () -> ()
      %add3A_264 = arith.constant 2 : i32
      %add3A_265 = arith.addi %mul3A_143, %add3A_264 : i32
      %mul3A_266 = arith.constant 120 : i32
      %mul3A_267 = arith.muli %add3A_265, %mul3A_266 : i32
      %add3A_268 = arith.addi %add3A_17, %mul3A_267 : i32
      %add3A_269 = arith.constant 0 : i32
      %add3A_270 = arith.addi %add3A_269, %add3A_268 : i32
      %dma_wait3A_271 = arith.constant 2 : i32
      %dma_wait3A_272 = arith.constant 0 : i32
      %dma_wait3A_273 = tpu.memref_slice %arg6[%dma_wait3A_271, %dma_wait3A_272] : memref<3x120xi32, #tpu.memory_space<vmem>> -> memref<1x120xi32, #tpu.memory_space<vmem>>
      %dma_wait3A_274 = tpu.memref_squeeze %dma_wait3A_273 : memref<1x120xi32, #tpu.memory_space<vmem>> -> memref<120xi32, #tpu.memory_space<vmem>>
      %dma_wait3A_275 = tpu.memref_slice %arg3[%add3A_270] : memref<320000xi32, #tpu.memory_space<hbm>> -> memref<120xi32, #tpu.memory_space<hbm>>
      %dma_wait3A_276 = arith.constant 0 : i32
      %dma_wait3A_277 = tpu.memref_slice %arg6[%dma_wait3A_271, %dma_wait3A_276] : memref<3x120xi32, #tpu.memory_space<vmem>> -> memref<1x120xi32, #tpu.memory_space<vmem>>
      %dma_wait3A_278 = tpu.memref_squeeze %dma_wait3A_277 : memref<1x120xi32, #tpu.memory_space<vmem>> -> memref<120xi32, #tpu.memory_space<vmem>>
      %dma_wait3A_279 = tpu.memref_slice %arg3[%add3A_270] : memref<320000xi32, #tpu.memory_space<hbm>> -> memref<120xi32, #tpu.memory_space<hbm>>
      tpu.wait_dma2 semaphore(%arg14 : memref<!tpu.dma_semaphore, #tpu.memory_space<semaphore_mem>>) src(%dma_wait3A_279 : memref<120xi32, #tpu.memory_space<hbm>>) dst(%dma_wait3A_278 : memref<120xi32, #tpu.memory_space<vmem>>)
      %dma_wait3A_280 = arith.constant 2 : i32
      %dma_wait3A_281 = arith.constant 0 : i32
      %dma_wait3A_282 = arith.constant 0 : i32
      %dma_wait3A_283 = tpu.memref_slice %arg5[%dma_wait3A_280, %dma_wait3A_281, %dma_wait3A_282] : memref<3x120x128xf32, #tpu.memory_space<vmem>> -> memref<1x120x128xf32, #tpu.memory_space<vmem>>
      %dma_wait3A_284 = tpu.memref_squeeze %dma_wait3A_283 : memref<1x120x128xf32, #tpu.memory_space<vmem>> -> memref<120x128xf32, #tpu.memory_space<vmem>>
      %dma_wait3A_285 = arith.constant 0 : i32
      %dma_wait3A_286 = tpu.memref_slice %arg2[%add3A_268, %dma_wait3A_285] : memref<160000x128xf32, #tpu.memory_space<hbm>> -> memref<120x128xf32, #tpu.memory_space<hbm>>
      %dma_wait3A_287 = arith.constant 0 : i32
      %dma_wait3A_288 = arith.constant 0 : i32
      %dma_wait3A_289 = tpu.memref_slice %arg5[%dma_wait3A_280, %dma_wait3A_287, %dma_wait3A_288] : memref<3x120x128xf32, #tpu.memory_space<vmem>> -> memref<1x120x128xf32, #tpu.memory_space<vmem>>
      %dma_wait3A_290 = tpu.memref_squeeze %dma_wait3A_289 : memref<1x120x128xf32, #tpu.memory_space<vmem>> -> memref<120x128xf32, #tpu.memory_space<vmem>>
      %dma_wait3A_291 = arith.constant 0 : i32
      %dma_wait3A_292 = tpu.memref_slice %arg2[%add3A_268, %dma_wait3A_291] : memref<160000x128xf32, #tpu.memory_space<hbm>> -> memref<120x128xf32, #tpu.memory_space<hbm>>
      tpu.wait_dma2 semaphore(%arg11 : memref<!tpu.dma_semaphore, #tpu.memory_space<semaphore_mem>>) src(%dma_wait3A_292 : memref<120x128xf32, #tpu.memory_space<hbm>>) dst(%dma_wait3A_290 : memref<120x128xf32, #tpu.memory_space<vmem>>)
      %add3A_293 = arith.constant 2 : i32
      %add3A_294 = arith.addi %add3A_265, %add3A_293 : i32
      %mul3A_295 = arith.constant 120 : i32
      %mul3A_296 = arith.muli %add3A_294, %mul3A_295 : i32
      %add3A_297 = arith.addi %add3A_17, %mul3A_296 : i32
      %add3A_298 = arith.constant 0 : i32
      %add3A_299 = arith.addi %add3A_298, %add3A_297 : i32
      %dma_start3A_300 = arith.constant 1 : i32
      %dma_start3A_301 = arith.constant 0 : i32
      %dma_start3A_302 = tpu.memref_slice %arg6[%dma_start3A_300, %dma_start3A_301] : memref<3x120xi32, #tpu.memory_space<vmem>> -> memref<1x120xi32, #tpu.memory_space<vmem>>
      %dma_start3A_303 = tpu.memref_squeeze %dma_start3A_302 : memref<1x120xi32, #tpu.memory_space<vmem>> -> memref<120xi32, #tpu.memory_space<vmem>>
      %dma_start3A_304 = tpu.memref_slice %arg3[%add3A_299] : memref<320000xi32, #tpu.memory_space<hbm>> -> memref<120xi32, #tpu.memory_space<hbm>>
      %dma_start3A_305 = arith.constant 0 : i32
      %dma_start3A_306 = tpu.memref_slice %arg6[%dma_start3A_300, %dma_start3A_305] : memref<3x120xi32, #tpu.memory_space<vmem>> -> memref<1x120xi32, #tpu.memory_space<vmem>>
      %dma_start3A_307 = tpu.memref_squeeze %dma_start3A_306 : memref<1x120xi32, #tpu.memory_space<vmem>> -> memref<120xi32, #tpu.memory_space<vmem>>
      %dma_start3A_308 = tpu.memref_slice %arg3[%add3A_299] : memref<320000xi32, #tpu.memory_space<hbm>> -> memref<120xi32, #tpu.memory_space<hbm>>
      tpu.enqueue_dma source(%dma_start3A_308 : memref<120xi32, #tpu.memory_space<hbm>>) target(%dma_start3A_307 : memref<120xi32, #tpu.memory_space<vmem>>) target_semaphore(%arg13 : memref<!tpu.dma_semaphore, #tpu.memory_space<semaphore_mem>>)
      %dma_start3A_309 = arith.constant 1 : i32
      %dma_start3A_310 = arith.constant 0 : i32
      %dma_start3A_311 = arith.constant 0 : i32
      %dma_start3A_312 = tpu.memref_slice %arg5[%dma_start3A_309, %dma_start3A_310, %dma_start3A_311] : memref<3x120x128xf32, #tpu.memory_space<vmem>> -> memref<1x120x128xf32, #tpu.memory_space<vmem>>
      %dma_start3A_313 = tpu.memref_squeeze %dma_start3A_312 : memref<1x120x128xf32, #tpu.memory_space<vmem>> -> memref<120x128xf32, #tpu.memory_space<vmem>>
      %dma_start3A_314 = arith.constant 0 : i32
      %dma_start3A_315 = tpu.memref_slice %arg2[%add3A_297, %dma_start3A_314] : memref<160000x128xf32, #tpu.memory_space<hbm>> -> memref<120x128xf32, #tpu.memory_space<hbm>>
      %dma_start3A_316 = arith.constant 0 : i32
      %dma_start3A_317 = arith.constant 0 : i32
      %dma_start3A_318 = tpu.memref_slice %arg5[%dma_start3A_309, %dma_start3A_316, %dma_start3A_317] : memref<3x120x128xf32, #tpu.memory_space<vmem>> -> memref<1x120x128xf32, #tpu.memory_space<vmem>>
      %dma_start3A_319 = tpu.memref_squeeze %dma_start3A_318 : memref<1x120x128xf32, #tpu.memory_space<vmem>> -> memref<120x128xf32, #tpu.memory_space<vmem>>
      %dma_start3A_320 = arith.constant 0 : i32
      %dma_start3A_321 = tpu.memref_slice %arg2[%add3A_297, %dma_start3A_320] : memref<160000x128xf32, #tpu.memory_space<hbm>> -> memref<120x128xf32, #tpu.memory_space<hbm>>
      tpu.enqueue_dma source(%dma_start3A_321 : memref<120x128xf32, #tpu.memory_space<hbm>>) target(%dma_start3A_319 : memref<120x128xf32, #tpu.memory_space<vmem>>) target_semaphore(%arg10 : memref<!tpu.dma_semaphore, #tpu.memory_space<semaphore_mem>>)
      %run_scoped3A_322 = arith.constant 2 : i32
      %run_scoped3A_323 = arith.constant 2 : i32
      "tpu.region"() ({
        %run_scoped3A_324 = tpu.sem_alloc : memref<!tpu.dma_semaphore, #tpu.memory_space<semaphore_mem>>
        %dma_start3A_325 = arith.constant 0 : i32
        %dma_start3A_326 = arith.constant 0 : i32
        %dma_start3A_327 = tpu.memref_slice %arg5[%run_scoped3A_322, %dma_start3A_325, %dma_start3A_326] : memref<3x120x128xf32, #tpu.memory_space<vmem>> -> memref<1x120x128xf32, #tpu.memory_space<vmem>>
        %dma_start3A_328 = tpu.memref_squeeze %dma_start3A_327 : memref<1x120x128xf32, #tpu.memory_space<vmem>> -> memref<120x128xf32, #tpu.memory_space<vmem>>
        %dma_start3A_329 = arith.constant 0 : i32
        %dma_start3A_330 = tpu.memref_slice %arg6[%run_scoped3A_323, %dma_start3A_329] : memref<3x120xi32, #tpu.memory_space<vmem>> -> memref<1x120xi32, #tpu.memory_space<vmem>>
        %dma_start3A_331 = tpu.memref_squeeze %dma_start3A_330 : memref<1x120xi32, #tpu.memory_space<vmem>> -> memref<120xi32, #tpu.memory_space<vmem>>
        %dma_start3A_332 = arith.constant 0 : i32
        %dma_start3A_333 = arith.constant 0 : i32
        %dma_start3A_334 = tpu.memref_slice %arg8[%dma_start3A_332, %dma_start3A_333] : memref<10240x128xf32, #tpu.memory_space<vmem_shared>> -> memref<10240x128xf32, #tpu.memory_space<vmem_shared>>
        tpu.enqueue_indirect_dma source(%dma_start3A_328 : memref<120x128xf32, #tpu.memory_space<vmem>>) target(%dma_start3A_334 : memref<10240x128xf32, #tpu.memory_space<vmem_shared>>) offsets(%dma_start3A_331 : memref<120xi32, #tpu.memory_space<vmem>>) semaphore(%run_scoped3A_324 : memref<!tpu.dma_semaphore, #tpu.memory_space<semaphore_mem>>) {add = true}
        %dma_wait3A_335 = arith.constant 0 : i32
        %dma_wait3A_336 = arith.constant 0 : i32
        %dma_wait3A_337 = tpu.memref_slice %arg5[%run_scoped3A_322, %dma_wait3A_335, %dma_wait3A_336] : memref<3x120x128xf32, #tpu.memory_space<vmem>> -> memref<1x120x128xf32, #tpu.memory_space<vmem>>
        %dma_wait3A_338 = tpu.memref_squeeze %dma_wait3A_337 : memref<1x120x128xf32, #tpu.memory_space<vmem>> -> memref<120x128xf32, #tpu.memory_space<vmem>>
        %dma_wait3A_339 = arith.constant 0 : i32
        %dma_wait3A_340 = tpu.memref_slice %arg6[%run_scoped3A_323, %dma_wait3A_339] : memref<3x120xi32, #tpu.memory_space<vmem>> -> memref<1x120xi32, #tpu.memory_space<vmem>>
        %dma_wait3A_341 = tpu.memref_squeeze %dma_wait3A_340 : memref<1x120xi32, #tpu.memory_space<vmem>> -> memref<120xi32, #tpu.memory_space<vmem>>
        %dma_wait3A_342 = arith.constant 0 : i32
        %dma_wait3A_343 = arith.constant 0 : i32
        %dma_wait3A_344 = tpu.memref_slice %arg8[%dma_wait3A_342, %dma_wait3A_343] : memref<10240x128xf32, #tpu.memory_space<vmem_shared>> -> memref<10240x128xf32, #tpu.memory_space<vmem_shared>>
        tpu.wait_indirect_dma semaphore(%run_scoped3A_324 : memref<!tpu.dma_semaphore, #tpu.memory_space<semaphore_mem>>) src(%dma_wait3A_338 : memref<120x128xf32, #tpu.memory_space<vmem>>) dst(%dma_wait3A_344 : memref<10240x128xf32, #tpu.memory_space<vmem_shared>>)
        tpu.yield
      }) : () -> ()
    }
    %scan3A_74 = arith.constant 13 : i32
    %add3A_75 = arith.constant 4680 : i32
    %add3A_76 = arith.addi %add3A_17, %add3A_75 : i32
    %add3A_77 = arith.constant 0 : i32
    %add3A_78 = arith.addi %add3A_77, %add3A_76 : i32
    %dma_wait3A = arith.constant 0 : i32
    %dma_wait3A_79 = arith.constant 0 : i32
    %dma_wait3A_80 = tpu.memref_slice %arg6[%dma_wait3A, %dma_wait3A_79] : memref<3x120xi32, #tpu.memory_space<vmem>> -> memref<1x120xi32, #tpu.memory_space<vmem>>
    %dma_wait3A_81 = tpu.memref_squeeze %dma_wait3A_80 : memref<1x120xi32, #tpu.memory_space<vmem>> -> memref<120xi32, #tpu.memory_space<vmem>>
    %dma_wait3A_82 = tpu.memref_slice %arg3[%add3A_78] : memref<320000xi32, #tpu.memory_space<hbm>> -> memref<120xi32, #tpu.memory_space<hbm>>
    %dma_wait3A_83 = arith.constant 0 : i32
    %dma_wait3A_84 = tpu.memref_slice %arg6[%dma_wait3A, %dma_wait3A_83] : memref<3x120xi32, #tpu.memory_space<vmem>> -> memref<1x120xi32, #tpu.memory_space<vmem>>
    %dma_wait3A_85 = tpu.memref_squeeze %dma_wait3A_84 : memref<1x120xi32, #tpu.memory_space<vmem>> -> memref<120xi32, #tpu.memory_space<vmem>>
    %dma_wait3A_86 = tpu.memref_slice %arg3[%add3A_78] : memref<320000xi32, #tpu.memory_space<hbm>> -> memref<120xi32, #tpu.memory_space<hbm>>
    tpu.wait_dma2 semaphore(%arg12 : memref<!tpu.dma_semaphore, #tpu.memory_space<semaphore_mem>>) src(%dma_wait3A_86 : memref<120xi32, #tpu.memory_space<hbm>>) dst(%dma_wait3A_85 : memref<120xi32, #tpu.memory_space<vmem>>)
    %dma_wait3A_87 = arith.constant 0 : i32
    %dma_wait3A_88 = arith.constant 0 : i32
    %dma_wait3A_89 = arith.constant 0 : i32
    %dma_wait3A_90 = tpu.memref_slice %arg5[%dma_wait3A_87, %dma_wait3A_88, %dma_wait3A_89] : memref<3x120x128xf32, #tpu.memory_space<vmem>> -> memref<1x120x128xf32, #tpu.memory_space<vmem>>
    %dma_wait3A_91 = tpu.memref_squeeze %dma_wait3A_90 : memref<1x120x128xf32, #tpu.memory_space<vmem>> -> memref<120x128xf32, #tpu.memory_space<vmem>>
    %dma_wait3A_92 = arith.constant 0 : i32
    %dma_wait3A_93 = tpu.memref_slice %arg2[%add3A_76, %dma_wait3A_92] : memref<160000x128xf32, #tpu.memory_space<hbm>> -> memref<120x128xf32, #tpu.memory_space<hbm>>
    %dma_wait3A_94 = arith.constant 0 : i32
    %dma_wait3A_95 = arith.constant 0 : i32
    %dma_wait3A_96 = tpu.memref_slice %arg5[%dma_wait3A_87, %dma_wait3A_94, %dma_wait3A_95] : memref<3x120x128xf32, #tpu.memory_space<vmem>> -> memref<1x120x128xf32, #tpu.memory_space<vmem>>
    %dma_wait3A_97 = tpu.memref_squeeze %dma_wait3A_96 : memref<1x120x128xf32, #tpu.memory_space<vmem>> -> memref<120x128xf32, #tpu.memory_space<vmem>>
    %dma_wait3A_98 = arith.constant 0 : i32
    %dma_wait3A_99 = tpu.memref_slice %arg2[%add3A_76, %dma_wait3A_98] : memref<160000x128xf32, #tpu.memory_space<hbm>> -> memref<120x128xf32, #tpu.memory_space<hbm>>
    tpu.wait_dma2 semaphore(%arg9 : memref<!tpu.dma_semaphore, #tpu.memory_space<semaphore_mem>>) src(%dma_wait3A_99 : memref<120x128xf32, #tpu.memory_space<hbm>>) dst(%dma_wait3A_97 : memref<120x128xf32, #tpu.memory_space<vmem>>)
    %run_scoped3A_100 = arith.constant 0 : i32
    %run_scoped3A_101 = arith.constant 0 : i32
    "tpu.region"() ({
      %run_scoped3A_141 = tpu.sem_alloc : memref<!tpu.dma_semaphore, #tpu.memory_space<semaphore_mem>>
      %dma_start3A_142 = arith.constant 0 : i32
      %dma_start3A_143 = arith.constant 0 : i32
      %dma_start3A_144 = tpu.memref_slice %arg5[%run_scoped3A_100, %dma_start3A_142, %dma_start3A_143] : memref<3x120x128xf32, #tpu.memory_space<vmem>> -> memref<1x120x128xf32, #tpu.memory_space<vmem>>
      %dma_start3A_145 = tpu.memref_squeeze %dma_start3A_144 : memref<1x120x128xf32, #tpu.memory_space<vmem>> -> memref<120x128xf32, #tpu.memory_space<vmem>>
      %dma_start3A_146 = arith.constant 0 : i32
      %dma_start3A_147 = tpu.memref_slice %arg6[%run_scoped3A_101, %dma_start3A_146] : memref<3x120xi32, #tpu.memory_space<vmem>> -> memref<1x120xi32, #tpu.memory_space<vmem>>
      %dma_start3A_148 = tpu.memref_squeeze %dma_start3A_147 : memref<1x120xi32, #tpu.memory_space<vmem>> -> memref<120xi32, #tpu.memory_space<vmem>>
      %dma_start3A_149 = arith.constant 0 : i32
      %dma_start3A_150 = arith.constant 0 : i32
      %dma_start3A_151 = tpu.memref_slice %arg8[%dma_start3A_149, %dma_start3A_150] : memref<10240x128xf32, #tpu.memory_space<vmem_shared>> -> memref<10240x128xf32, #tpu.memory_space<vmem_shared>>
      tpu.enqueue_indirect_dma source(%dma_start3A_145 : memref<120x128xf32, #tpu.memory_space<vmem>>) target(%dma_start3A_151 : memref<10240x128xf32, #tpu.memory_space<vmem_shared>>) offsets(%dma_start3A_148 : memref<120xi32, #tpu.memory_space<vmem>>) semaphore(%run_scoped3A_141 : memref<!tpu.dma_semaphore, #tpu.memory_space<semaphore_mem>>) {add = true}
      %dma_wait3A_152 = arith.constant 0 : i32
      %dma_wait3A_153 = arith.constant 0 : i32
      %dma_wait3A_154 = tpu.memref_slice %arg5[%run_scoped3A_100, %dma_wait3A_152, %dma_wait3A_153] : memref<3x120x128xf32, #tpu.memory_space<vmem>> -> memref<1x120x128xf32, #tpu.memory_space<vmem>>
      %dma_wait3A_155 = tpu.memref_squeeze %dma_wait3A_154 : memref<1x120x128xf32, #tpu.memory_space<vmem>> -> memref<120x128xf32, #tpu.memory_space<vmem>>
      %dma_wait3A_156 = arith.constant 0 : i32
      %dma_wait3A_157 = tpu.memref_slice %arg6[%run_scoped3A_101, %dma_wait3A_156] : memref<3x120xi32, #tpu.memory_space<vmem>> -> memref<1x120xi32, #tpu.memory_space<vmem>>
      %dma_wait3A_158 = tpu.memref_squeeze %dma_wait3A_157 : memref<1x120xi32, #tpu.memory_space<vmem>> -> memref<120xi32, #tpu.memory_space<vmem>>
      %dma_wait3A_159 = arith.constant 0 : i32
      %dma_wait3A_160 = arith.constant 0 : i32
      %dma_wait3A_161 = tpu.memref_slice %arg8[%dma_wait3A_159, %dma_wait3A_160] : memref<10240x128xf32, #tpu.memory_space<vmem_shared>> -> memref<10240x128xf32, #tpu.memory_space<vmem_shared>>
      tpu.wait_indirect_dma semaphore(%run_scoped3A_141 : memref<!tpu.dma_semaphore, #tpu.memory_space<semaphore_mem>>) src(%dma_wait3A_155 : memref<120x128xf32, #tpu.memory_space<vmem>>) dst(%dma_wait3A_161 : memref<10240x128xf32, #tpu.memory_space<vmem_shared>>)
      tpu.yield
    }) : () -> ()
    %add3A_102 = arith.constant 4800 : i32
    %add3A_103 = arith.addi %add3A_17, %add3A_102 : i32
    %add3A_104 = arith.constant 0 : i32
    %add3A_105 = arith.addi %add3A_104, %add3A_103 : i32
    %dma_wait3A_106 = arith.constant 1 : i32
    %dma_wait3A_107 = arith.constant 0 : i32
    %dma_wait3A_108 = tpu.memref_slice %arg6[%dma_wait3A_106, %dma_wait3A_107] : memref<3x120xi32, #tpu.memory_space<vmem>> -> memref<1x120xi32, #tpu.memory_space<vmem>>
    %dma_wait3A_109 = tpu.memref_squeeze %dma_wait3A_108 : memref<1x120xi32, #tpu.memory_space<vmem>> -> memref<120xi32, #tpu.memory_space<vmem>>
    %dma_wait3A_110 = tpu.memref_slice %arg3[%add3A_105] : memref<320000xi32, #tpu.memory_space<hbm>> -> memref<120xi32, #tpu.memory_space<hbm>>
    %dma_wait3A_111 = arith.constant 0 : i32
    %dma_wait3A_112 = tpu.memref_slice %arg6[%dma_wait3A_106, %dma_wait3A_111] : memref<3x120xi32, #tpu.memory_space<vmem>> -> memref<1x120xi32, #tpu.memory_space<vmem>>
    %dma_wait3A_113 = tpu.memref_squeeze %dma_wait3A_112 : memref<1x120xi32, #tpu.memory_space<vmem>> -> memref<120xi32, #tpu.memory_space<vmem>>
    %dma_wait3A_114 = tpu.memref_slice %arg3[%add3A_105] : memref<320000xi32, #tpu.memory_space<hbm>> -> memref<120xi32, #tpu.memory_space<hbm>>
    tpu.wait_dma2 semaphore(%arg13 : memref<!tpu.dma_semaphore, #tpu.memory_space<semaphore_mem>>) src(%dma_wait3A_114 : memref<120xi32, #tpu.memory_space<hbm>>) dst(%dma_wait3A_113 : memref<120xi32, #tpu.memory_space<vmem>>)
    %dma_wait3A_115 = arith.constant 1 : i32
    %dma_wait3A_116 = arith.constant 0 : i32
    %dma_wait3A_117 = arith.constant 0 : i32
    %dma_wait3A_118 = tpu.memref_slice %arg5[%dma_wait3A_115, %dma_wait3A_116, %dma_wait3A_117] : memref<3x120x128xf32, #tpu.memory_space<vmem>> -> memref<1x120x128xf32, #tpu.memory_space<vmem>>
    %dma_wait3A_119 = tpu.memref_squeeze %dma_wait3A_118 : memref<1x120x128xf32, #tpu.memory_space<vmem>> -> memref<120x128xf32, #tpu.memory_space<vmem>>
    %dma_wait3A_120 = arith.constant 0 : i32
    %dma_wait3A_121 = tpu.memref_slice %arg2[%add3A_103, %dma_wait3A_120] : memref<160000x128xf32, #tpu.memory_space<hbm>> -> memref<120x128xf32, #tpu.memory_space<hbm>>
    %dma_wait3A_122 = arith.constant 0 : i32
    %dma_wait3A_123 = arith.constant 0 : i32
    %dma_wait3A_124 = tpu.memref_slice %arg5[%dma_wait3A_115, %dma_wait3A_122, %dma_wait3A_123] : memref<3x120x128xf32, #tpu.memory_space<vmem>> -> memref<1x120x128xf32, #tpu.memory_space<vmem>>
    %dma_wait3A_125 = tpu.memref_squeeze %dma_wait3A_124 : memref<1x120x128xf32, #tpu.memory_space<vmem>> -> memref<120x128xf32, #tpu.memory_space<vmem>>
    %dma_wait3A_126 = arith.constant 0 : i32
    %dma_wait3A_127 = tpu.memref_slice %arg2[%add3A_103, %dma_wait3A_126] : memref<160000x128xf32, #tpu.memory_space<hbm>> -> memref<120x128xf32, #tpu.memory_space<hbm>>
    tpu.wait_dma2 semaphore(%arg10 : memref<!tpu.dma_semaphore, #tpu.memory_space<semaphore_mem>>) src(%dma_wait3A_127 : memref<120x128xf32, #tpu.memory_space<hbm>>) dst(%dma_wait3A_125 : memref<120x128xf32, #tpu.memory_space<vmem>>)
    %run_scoped3A_128 = arith.constant 1 : i32
    %run_scoped3A_129 = arith.constant 1 : i32
    "tpu.region"() ({
      %run_scoped3A_141 = tpu.sem_alloc : memref<!tpu.dma_semaphore, #tpu.memory_space<semaphore_mem>>
      %dma_start3A_142 = arith.constant 0 : i32
      %dma_start3A_143 = arith.constant 0 : i32
      %dma_start3A_144 = tpu.memref_slice %arg5[%run_scoped3A_128, %dma_start3A_142, %dma_start3A_143] : memref<3x120x128xf32, #tpu.memory_space<vmem>> -> memref<1x120x128xf32, #tpu.memory_space<vmem>>
      %dma_start3A_145 = tpu.memref_squeeze %dma_start3A_144 : memref<1x120x128xf32, #tpu.memory_space<vmem>> -> memref<120x128xf32, #tpu.memory_space<vmem>>
      %dma_start3A_146 = arith.constant 0 : i32
      %dma_start3A_147 = tpu.memref_slice %arg6[%run_scoped3A_129, %dma_start3A_146] : memref<3x120xi32, #tpu.memory_space<vmem>> -> memref<1x120xi32, #tpu.memory_space<vmem>>
      %dma_start3A_148 = tpu.memref_squeeze %dma_start3A_147 : memref<1x120xi32, #tpu.memory_space<vmem>> -> memref<120xi32, #tpu.memory_space<vmem>>
      %dma_start3A_149 = arith.constant 0 : i32
      %dma_start3A_150 = arith.constant 0 : i32
      %dma_start3A_151 = tpu.memref_slice %arg8[%dma_start3A_149, %dma_start3A_150] : memref<10240x128xf32, #tpu.memory_space<vmem_shared>> -> memref<10240x128xf32, #tpu.memory_space<vmem_shared>>
      tpu.enqueue_indirect_dma source(%dma_start3A_145 : memref<120x128xf32, #tpu.memory_space<vmem>>) target(%dma_start3A_151 : memref<10240x128xf32, #tpu.memory_space<vmem_shared>>) offsets(%dma_start3A_148 : memref<120xi32, #tpu.memory_space<vmem>>) semaphore(%run_scoped3A_141 : memref<!tpu.dma_semaphore, #tpu.memory_space<semaphore_mem>>) {add = true}
      %dma_wait3A_152 = arith.constant 0 : i32
      %dma_wait3A_153 = arith.constant 0 : i32
      %dma_wait3A_154 = tpu.memref_slice %arg5[%run_scoped3A_128, %dma_wait3A_152, %dma_wait3A_153] : memref<3x120x128xf32, #tpu.memory_space<vmem>> -> memref<1x120x128xf32, #tpu.memory_space<vmem>>
      %dma_wait3A_155 = tpu.memref_squeeze %dma_wait3A_154 : memref<1x120x128xf32, #tpu.memory_space<vmem>> -> memref<120x128xf32, #tpu.memory_space<vmem>>
      %dma_wait3A_156 = arith.constant 0 : i32
      %dma_wait3A_157 = tpu.memref_slice %arg6[%run_scoped3A_129, %dma_wait3A_156] : memref<3x120xi32, #tpu.memory_space<vmem>> -> memref<1x120xi32, #tpu.memory_space<vmem>>
      %dma_wait3A_158 = tpu.memref_squeeze %dma_wait3A_157 : memref<1x120xi32, #tpu.memory_space<vmem>> -> memref<120xi32, #tpu.memory_space<vmem>>
      %dma_wait3A_159 = arith.constant 0 : i32
      %dma_wait3A_160 = arith.constant 0 : i32
      %dma_wait3A_161 = tpu.memref_slice %arg8[%dma_wait3A_159, %dma_wait3A_160] : memref<10240x128xf32, #tpu.memory_space<vmem_shared>> -> memref<10240x128xf32, #tpu.memory_space<vmem_shared>>
      tpu.wait_indirect_dma semaphore(%run_scoped3A_141 : memref<!tpu.dma_semaphore, #tpu.memory_space<semaphore_mem>>) src(%dma_wait3A_155 : memref<120x128xf32, #tpu.memory_space<vmem>>) dst(%dma_wait3A_161 : memref<10240x128xf32, #tpu.memory_space<vmem_shared>>)
      tpu.yield
    }) : () -> ()
    %add3A_130 = arith.constant 4920 : i32
    %add3A_131 = arith.addi %add3A_17, %add3A_130 : i32
    %add3A_132 = arith.constant 0 : i32
    %add3A_133 = arith.addi %add3A_132, %add3A_131 : i32
    "tpu.region"() ({
      %run_scoped3A_141 = tpu.sem_alloc : memref<!tpu.dma_semaphore, #tpu.memory_space<semaphore_mem>>
      %dma_start3A_142 = tpu.memref_slice %arg3[%add3A_133] : memref<320000xi32, #tpu.memory_space<hbm>> -> memref<80xi32, #tpu.memory_space<hbm>>
      %dma_start3A_143 = tpu.memref_slice %arg3[%add3A_133] : memref<320000xi32, #tpu.memory_space<hbm>> -> memref<80xi32, #tpu.memory_space<hbm>>
      tpu.enqueue_dma source(%dma_start3A_143 : memref<80xi32, #tpu.memory_space<hbm>>) target(%arg7 : memref<80xi32, #tpu.memory_space<vmem>>) target_semaphore(%run_scoped3A_141 : memref<!tpu.dma_semaphore, #tpu.memory_space<semaphore_mem>>)
      %dma_wait3A_144 = tpu.memref_slice %arg3[%add3A_133] : memref<320000xi32, #tpu.memory_space<hbm>> -> memref<80xi32, #tpu.memory_space<hbm>>
      %dma_wait3A_145 = tpu.memref_slice %arg3[%add3A_133] : memref<320000xi32, #tpu.memory_space<hbm>> -> memref<80xi32, #tpu.memory_space<hbm>>
      tpu.wait_dma2 semaphore(%run_scoped3A_141 : memref<!tpu.dma_semaphore, #tpu.memory_space<semaphore_mem>>) src(%dma_wait3A_145 : memref<80xi32, #tpu.memory_space<hbm>>) dst(%arg7 : memref<80xi32, #tpu.memory_space<vmem>>)
      tpu.yield
    }) : () -> ()
    %run_scoped3A_134 = arith.constant 2 : i32
    "tpu.region"() ({
      %run_scoped3A_141 = tpu.sem_alloc : memref<!tpu.dma_semaphore, #tpu.memory_space<semaphore_mem>>
      %dma_start3A_142 = arith.constant 0 : i32
      %dma_start3A_143 = arith.constant 0 : i32
      %dma_start3A_144 = tpu.memref_slice %arg5[%run_scoped3A_134, %dma_start3A_142, %dma_start3A_143] : memref<3x120x128xf32, #tpu.memory_space<vmem>> -> memref<1x80x128xf32, #tpu.memory_space<vmem>>
      %dma_start3A_145 = tpu.memref_squeeze %dma_start3A_144 : memref<1x80x128xf32, #tpu.memory_space<vmem>> -> memref<80x128xf32, #tpu.memory_space<vmem>>
      %dma_start3A_146 = arith.constant 0 : i32
      %dma_start3A_147 = tpu.memref_slice %arg2[%add3A_131, %dma_start3A_146] : memref<160000x128xf32, #tpu.memory_space<hbm>> -> memref<80x128xf32, #tpu.memory_space<hbm>>
      %dma_start3A_148 = arith.constant 0 : i32
      %dma_start3A_149 = arith.constant 0 : i32
      %dma_start3A_150 = tpu.memref_slice %arg5[%run_scoped3A_134, %dma_start3A_148, %dma_start3A_149] : memref<3x120x128xf32, #tpu.memory_space<vmem>> -> memref<1x80x128xf32, #tpu.memory_space<vmem>>
      %dma_start3A_151 = tpu.memref_squeeze %dma_start3A_150 : memref<1x80x128xf32, #tpu.memory_space<vmem>> -> memref<80x128xf32, #tpu.memory_space<vmem>>
      %dma_start3A_152 = arith.constant 0 : i32
      %dma_start3A_153 = tpu.memref_slice %arg2[%add3A_131, %dma_start3A_152] : memref<160000x128xf32, #tpu.memory_space<hbm>> -> memref<80x128xf32, #tpu.memory_space<hbm>>
      tpu.enqueue_dma source(%dma_start3A_153 : memref<80x128xf32, #tpu.memory_space<hbm>>) target(%dma_start3A_151 : memref<80x128xf32, #tpu.memory_space<vmem>>) target_semaphore(%run_scoped3A_141 : memref<!tpu.dma_semaphore, #tpu.memory_space<semaphore_mem>>)
      %dma_wait3A_154 = arith.constant 0 : i32
      %dma_wait3A_155 = arith.constant 0 : i32
      %dma_wait3A_156 = tpu.memref_slice %arg5[%run_scoped3A_134, %dma_wait3A_154, %dma_wait3A_155] : memref<3x120x128xf32, #tpu.memory_space<vmem>> -> memref<1x80x128xf32, #tpu.memory_space<vmem>>
      %dma_wait3A_157 = tpu.memref_squeeze %dma_wait3A_156 : memref<1x80x128xf32, #tpu.memory_space<vmem>> -> memref<80x128xf32, #tpu.memory_space<vmem>>
      %dma_wait3A_158 = arith.constant 0 : i32
      %dma_wait3A_159 = tpu.memref_slice %arg2[%add3A_131, %dma_wait3A_158] : memref<160000x128xf32, #tpu.memory_space<hbm>> -> memref<80x128xf32, #tpu.memory_space<hbm>>
      %dma_wait3A_160 = arith.constant 0 : i32
      %dma_wait3A_161 = arith.constant 0 : i32
      %dma_wait3A_162 = tpu.memref_slice %arg5[%run_scoped3A_134, %dma_wait3A_160, %dma_wait3A_161] : memref<3x120x128xf32, #tpu.memory_space<vmem>> -> memref<1x80x128xf32, #tpu.memory_space<vmem>>
      %dma_wait3A_163 = tpu.memref_squeeze %dma_wait3A_162 : memref<1x80x128xf32, #tpu.memory_space<vmem>> -> memref<80x128xf32, #tpu.memory_space<vmem>>
      %dma_wait3A_164 = arith.constant 0 : i32
      %dma_wait3A_165 = tpu.memref_slice %arg2[%add3A_131, %dma_wait3A_164] : memref<160000x128xf32, #tpu.memory_space<hbm>> -> memref<80x128xf32, #tpu.memory_space<hbm>>
      tpu.wait_dma2 semaphore(%run_scoped3A_141 : memref<!tpu.dma_semaphore, #tpu.memory_space<semaphore_mem>>) src(%dma_wait3A_165 : memref<80x128xf32, #tpu.memory_space<hbm>>) dst(%dma_wait3A_163 : memref<80x128xf32, #tpu.memory_space<vmem>>)
      tpu.yield
    }) : () -> ()
    %run_scoped3A_135 = arith.constant 2 : i32
    "tpu.region"() ({
      %run_scoped3A_141 = tpu.sem_alloc : memref<!tpu.dma_semaphore, #tpu.memory_space<semaphore_mem>>
      %dma_start3A_142 = arith.constant 0 : i32
      %dma_start3A_143 = arith.constant 0 : i32
      %dma_start3A_144 = tpu.memref_slice %arg5[%run_scoped3A_135, %dma_start3A_142, %dma_start3A_143] : memref<3x120x128xf32, #tpu.memory_space<vmem>> -> memref<1x80x128xf32, #tpu.memory_space<vmem>>
      %dma_start3A_145 = tpu.memref_squeeze %dma_start3A_144 : memref<1x80x128xf32, #tpu.memory_space<vmem>> -> memref<80x128xf32, #tpu.memory_space<vmem>>
      %dma_start3A_146 = arith.constant 0 : i32
      %dma_start3A_147 = arith.constant 0 : i32
      %dma_start3A_148 = tpu.memref_slice %arg8[%dma_start3A_146, %dma_start3A_147] : memref<10240x128xf32, #tpu.memory_space<vmem_shared>> -> memref<10240x128xf32, #tpu.memory_space<vmem_shared>>
      tpu.enqueue_indirect_dma source(%dma_start3A_145 : memref<80x128xf32, #tpu.memory_space<vmem>>) target(%dma_start3A_148 : memref<10240x128xf32, #tpu.memory_space<vmem_shared>>) offsets(%arg7 : memref<80xi32, #tpu.memory_space<vmem>>) semaphore(%run_scoped3A_141 : memref<!tpu.dma_semaphore, #tpu.memory_space<semaphore_mem>>) {add = true}
      %dma_wait3A_149 = arith.constant 0 : i32
      %dma_wait3A_150 = arith.constant 0 : i32
      %dma_wait3A_151 = tpu.memref_slice %arg5[%run_scoped3A_135, %dma_wait3A_149, %dma_wait3A_150] : memref<3x120x128xf32, #tpu.memory_space<vmem>> -> memref<1x80x128xf32, #tpu.memory_space<vmem>>
      %dma_wait3A_152 = tpu.memref_squeeze %dma_wait3A_151 : memref<1x80x128xf32, #tpu.memory_space<vmem>> -> memref<80x128xf32, #tpu.memory_space<vmem>>
      %dma_wait3A_153 = arith.constant 0 : i32
      %dma_wait3A_154 = arith.constant 0 : i32
      %dma_wait3A_155 = tpu.memref_slice %arg8[%dma_wait3A_153, %dma_wait3A_154] : memref<10240x128xf32, #tpu.memory_space<vmem_shared>> -> memref<10240x128xf32, #tpu.memory_space<vmem_shared>>
      tpu.wait_indirect_dma semaphore(%run_scoped3A_141 : memref<!tpu.dma_semaphore, #tpu.memory_space<semaphore_mem>>) src(%dma_wait3A_152 : memref<80x128xf32, #tpu.memory_space<vmem>>) dst(%dma_wait3A_155 : memref<10240x128xf32, #tpu.memory_space<vmem_shared>>)
      tpu.yield
    }) : () -> ()
    %barrier3A_136 = arith.constant 0 : index
    tpu.barrier barrier_id(%barrier3A_136)
    %mul3A_137 = arith.constant 640 : i32
    %mul3A_138 = arith.muli %arg1, %mul3A_137 : i32
    %mul3A_139 = arith.constant 640 : i32
    %mul3A_140 = arith.muli %arg1, %mul3A_139 : i32
    "tpu.region"() ({
      %run_scoped3A_141 = tpu.sem_alloc : memref<!tpu.dma_semaphore, #tpu.memory_space<semaphore_mem>>
      %dma_start3A_142 = arith.constant 0 : i32
      %dma_start3A_143 = tpu.memref_slice %arg4[%arg0, %mul3A_140, %dma_start3A_142] : memref<2x10240x128xf32, #tpu.memory_space<hbm>> -> memref<1x640x128xf32, #tpu.memory_space<hbm>>
      %dma_start3A_144 = tpu.memref_squeeze %dma_start3A_143 : memref<1x640x128xf32, #tpu.memory_space<hbm>> -> memref<640x128xf32, #tpu.memory_space<hbm>>
      %dma_start3A_145 = arith.constant 0 : i32
      %dma_start3A_146 = tpu.memref_slice %arg8[%mul3A_138, %dma_start3A_145] : memref<10240x128xf32, #tpu.memory_space<vmem_shared>> -> memref<640x128xf32, #tpu.memory_space<vmem_shared>>
      tpu.enqueue_dma source(%dma_start3A_146 : memref<640x128xf32, #tpu.memory_space<vmem_shared>>) target(%dma_start3A_144 : memref<640x128xf32, #tpu.memory_space<hbm>>) target_semaphore(%run_scoped3A_141 : memref<!tpu.dma_semaphore, #tpu.memory_space<semaphore_mem>>)
      %dma_wait3A_147 = arith.constant 0 : i32
      %dma_wait3A_148 = tpu.memref_slice %arg4[%arg0, %mul3A_140, %dma_wait3A_147] : memref<2x10240x128xf32, #tpu.memory_space<hbm>> -> memref<1x640x128xf32, #tpu.memory_space<hbm>>
      %dma_wait3A_149 = tpu.memref_squeeze %dma_wait3A_148 : memref<1x640x128xf32, #tpu.memory_space<hbm>> -> memref<640x128xf32, #tpu.memory_space<hbm>>
      %dma_wait3A_150 = arith.constant 0 : i32
      %dma_wait3A_151 = tpu.memref_slice %arg8[%mul3A_138, %dma_wait3A_150] : memref<10240x128xf32, #tpu.memory_space<vmem_shared>> -> memref<640x128xf32, #tpu.memory_space<vmem_shared>>
      tpu.wait_dma2 semaphore(%run_scoped3A_141 : memref<!tpu.dma_semaphore, #tpu.memory_space<semaphore_mem>>) src(%dma_wait3A_151 : memref<640x128xf32, #tpu.memory_space<vmem_shared>>) dst(%dma_wait3A_149 : memref<640x128xf32, #tpu.memory_space<hbm>>)
      tpu.yield
    }) : () -> ()
    return
  }
}

module attributes {stable_mosaic.version = 14 : i64} {
  func.func @_msg_body(%arg0: i32, %arg1: memref<144x6400xf32, #tpu.memory_space<vmem>>, %arg2: memref<144x128xf32, #tpu.memory_space<vmem>>, %arg3: memref<1x128xf32, #tpu.memory_space<vmem>>, %arg4: memref<6400x128xf32, #tpu.memory_space<vmem>>) attributes {dimension_semantics = [#tpu.dimension_semantics<arbitrary>], iteration_bounds = array<i64: 25>, scalar_prefetch = 0 : i64, scratch_operands = 0 : i64, tpu.core_type = #tpu.core_type<tc>, window_params = [{transform_indices = @transform_0, window_bounds = array<i64: 144, 6400>}, {pipeline_mode = #tpu.pipeline_mode<synchronous>, transform_indices = @transform_1, window_bounds = array<i64: 144, 128>}, {pipeline_mode = #tpu.pipeline_mode<synchronous>, transform_indices = @transform_2, window_bounds = array<i64: 1, 128>}, {transform_indices = @transform_3, window_bounds = array<i64: 6400, 128>}]} {
    %get3A = arith.constant 0 : index
    %get3A_0 = arith.constant 0 : index
    %get3A_1 = vector.load %arg1[%get3A, %get3A_0] : memref<144x6400xf32, #tpu.memory_space<vmem>>, vector<144x6400xf32>
    %convert_element_type3A = arith.truncf %get3A_1 : vector<144x6400xf32> to vector<144x6400xbf16>
    %get3A_2 = arith.constant 0 : index
    %get3A_3 = arith.constant 0 : index
    %get3A_4 = vector.load %arg2[%get3A_2, %get3A_3] : memref<144x128xf32, #tpu.memory_space<vmem>>, vector<144x128xf32>
    %convert_element_type3A_5 = arith.truncf %get3A_4 : vector<144x128xf32> to vector<144x128xbf16>
    %dot_general3A = arith.constant dense<0.000000e+00> : vector<6400x128xf32>
    %dot_general3A_6 = tpu.matmul %convert_element_type3A, %convert_element_type3A_5, %dot_general3A {dimension_numbers = #tpu.dot_dimension_numbers<[0], [0], [1], [1], [0, 1, 1, 1], [], []>, transpose_lhs_hint = false} : vector<144x6400xbf16>, vector<144x128xbf16>, vector<6400x128xf32> -> vector<6400x128xf32>
    %get3A_7 = arith.constant 0 : index
    %get3A_8 = arith.constant 0 : index
    %get3A_9 = vector.load %arg3[%get3A_7, %get3A_8] : memref<1x128xf32, #tpu.memory_space<vmem>>, vector<1x128xf32>
    %add3A = vector.broadcast %get3A_9 : vector<1x128xf32> to vector<6400x128xf32>
    %add3A_10 = arith.addf %dot_general3A_6, %add3A : vector<6400x128xf32>
    %mul3A = arith.constant 5.000000e-01 : f32
    %mul3A_11 = vector.broadcast %mul3A : f32 to vector<6400x128xf32>
    %mul3A_12 = arith.mulf %mul3A_11, %add3A_10 : vector<6400x128xf32>
    %mul3A_13 = arith.constant 0.707106769 : f32
    %mul3A_14 = vector.broadcast %mul3A_13 : f32 to vector<6400x128xf32>
    %mul3A_15 = arith.mulf %add3A_10, %mul3A_14 : vector<6400x128xf32>
    %erf3A = math.erf %mul3A_15 : vector<6400x128xf32>
    %add3A_16 = arith.constant 1.000000e+00 : f32
    %add3A_17 = vector.broadcast %add3A_16 : f32 to vector<6400x128xf32>
    %add3A_18 = arith.addf %add3A_17, %erf3A : vector<6400x128xf32>
    %mul3A_19 = arith.mulf %mul3A_12, %add3A_18 : vector<6400x128xf32>
    %swap3A = arith.constant 0 : index
    %swap3A_20 = arith.constant 0 : index
    %swap3A_21 = vector.load %arg4[%swap3A, %swap3A_20] : memref<6400x128xf32, #tpu.memory_space<vmem>>, vector<6400x128xf32>
    tpu.vector_store %arg4[%swap3A, %swap3A_20], %mul3A_19 {strides = array<i32>} : memref<6400x128xf32, #tpu.memory_space<vmem>>, vector<6400x128xf32>,
    return
  }
  func.func @transform_0(%arg0: i32) -> (i32, i32) {
    %add3A = arith.constant 25 : i32
    %add3A_0 = arith.addi %arg0, %add3A : i32
    %c0_i32 = arith.constant 0 : i32
    %c0_i32_1 = arith.constant 0 : i32
    return %c0_i32, %add3A_0 : i32, i32
  }
  func.func @transform_1(%arg0: i32) -> (i32, i32) {
    %c0_i32 = arith.constant 0 : i32
    %c0_i32_0 = arith.constant 0 : i32
    %c0_i32_1 = arith.constant 0 : i32
    return %c0_i32, %c0_i32_0 : i32, i32
  }
  func.func @transform_2(%arg0: i32) -> (i32, i32) {
    %c0_i32 = arith.constant 0 : i32
    %c0_i32_0 = arith.constant 0 : i32
    %c0_i32_1 = arith.constant 0 : i32
    return %c0_i32, %c0_i32_0 : i32, i32
  }
  func.func @transform_3(%arg0: i32) -> (i32, i32) {
    %c0_i32 = arith.constant 0 : i32
    %c0_i32_0 = arith.constant 0 : i32
    return %arg0, %c0_i32 : i32, i32
  }
}

module attributes {stable_mosaic.version = 14 : i64} {
  func.func @_msg_body(%arg0: i32, %arg1: memref<144x6400xf32, #tpu.memory_space<vmem>>, %arg2: memref<144x128xf32, #tpu.memory_space<vmem>>, %arg3: memref<1x128xf32, #tpu.memory_space<vmem>>, %arg4: memref<6400x128xf32, #tpu.memory_space<vmem>>) attributes {dimension_semantics = [#tpu.dimension_semantics<arbitrary>], iteration_bounds = array<i64: 25>, scalar_prefetch = 0 : i64, scratch_operands = 0 : i64, tpu.core_type = #tpu.core_type<tc>, window_params = [{transform_indices = @transform_0, window_bounds = array<i64: 144, 6400>}, {pipeline_mode = #tpu.pipeline_mode<synchronous>, transform_indices = @transform_1, window_bounds = array<i64: 144, 128>}, {pipeline_mode = #tpu.pipeline_mode<synchronous>, transform_indices = @transform_2, window_bounds = array<i64: 1, 128>}, {transform_indices = @transform_3, window_bounds = array<i64: 6400, 128>}]} {
    %get3A = arith.constant 0 : index
    %get3A_0 = arith.constant 0 : index
    %get3A_1 = vector.load %arg1[%get3A, %get3A_0] : memref<144x6400xf32, #tpu.memory_space<vmem>>, vector<144x6400xf32>
    %convert_element_type3A = arith.truncf %get3A_1 : vector<144x6400xf32> to vector<144x6400xbf16>
    %get3A_2 = arith.constant 0 : index
    %get3A_3 = arith.constant 0 : index
    %get3A_4 = vector.load %arg2[%get3A_2, %get3A_3] : memref<144x128xf32, #tpu.memory_space<vmem>>, vector<144x128xf32>
    %convert_element_type3A_5 = arith.truncf %get3A_4 : vector<144x128xf32> to vector<144x128xbf16>
    %dot_general3A = arith.constant dense<0.000000e+00> : vector<6400x128xf32>
    %dot_general3A_6 = tpu.matmul %convert_element_type3A, %convert_element_type3A_5, %dot_general3A {dimension_numbers = #tpu.dot_dimension_numbers<[0], [0], [1], [1], [0, 1, 1, 1], [], []>, transpose_lhs_hint = false} : vector<144x6400xbf16>, vector<144x128xbf16>, vector<6400x128xf32> -> vector<6400x128xf32>
    %get3A_7 = arith.constant 0 : index
    %get3A_8 = arith.constant 0 : index
    %get3A_9 = vector.load %arg3[%get3A_7, %get3A_8] : memref<1x128xf32, #tpu.memory_space<vmem>>, vector<1x128xf32>
    %add3A = vector.broadcast %get3A_9 : vector<1x128xf32> to vector<6400x128xf32>
    %add3A_10 = arith.addf %dot_general3A_6, %add3A : vector<6400x128xf32>
    %mul3A = arith.constant 5.000000e-01 : f32
    %mul3A_11 = vector.broadcast %mul3A : f32 to vector<6400x128xf32>
    %mul3A_12 = arith.mulf %mul3A_11, %add3A_10 : vector<6400x128xf32>
    %mul3A_13 = arith.constant 0.707106769 : f32
    %mul3A_14 = vector.broadcast %mul3A_13 : f32 to vector<6400x128xf32>
    %mul3A_15 = arith.mulf %add3A_10, %mul3A_14 : vector<6400x128xf32>
    %erf3A = math.erf %mul3A_15 : vector<6400x128xf32>
    %add3A_16 = arith.constant 1.000000e+00 : f32
    %add3A_17 = vector.broadcast %add3A_16 : f32 to vector<6400x128xf32>
    %add3A_18 = arith.addf %add3A_17, %erf3A : vector<6400x128xf32>
    %mul3A_19 = arith.mulf %mul3A_12, %add3A_18 : vector<6400x128xf32>
    %swap3A = arith.constant 0 : index
    %swap3A_20 = arith.constant 0 : index
    %swap3A_21 = vector.load %arg4[%swap3A, %swap3A_20] : memref<6400x128xf32, #tpu.memory_space<vmem>>, vector<6400x128xf32>
    tpu.vector_store %arg4[%swap3A, %swap3A_20], %mul3A_19 {strides = array<i32>} : memref<6400x128xf32, #tpu.memory_space<vmem>>, vector<6400x128xf32>,
    return
  }
  func.func @transform_0(%arg0: i32) -> (i32, i32) {
    %add3A = arith.constant 0 : i32
    %add3A_0 = arith.addi %arg0, %add3A : i32
    %c0_i32 = arith.constant 0 : i32
    %c0_i32_1 = arith.constant 0 : i32
    return %c0_i32, %add3A_0 : i32, i32
  }
  func.func @transform_1(%arg0: i32) -> (i32, i32) {
    %c0_i32 = arith.constant 0 : i32
    %c0_i32_0 = arith.constant 0 : i32
    %c0_i32_1 = arith.constant 0 : i32
    return %c0_i32, %c0_i32_0 : i32, i32
  }
  func.func @transform_2(%arg0: i32) -> (i32, i32) {
    %c0_i32 = arith.constant 0 : i32
    %c0_i32_0 = arith.constant 0 : i32
    %c0_i32_1 = arith.constant 0 : i32
    return %c0_i32, %c0_i32_0 : i32, i32
  }
  func.func @transform_3(%arg0: i32) -> (i32, i32) {
    %c0_i32 = arith.constant 0 : i32
    %c0_i32_0 = arith.constant 0 : i32
    return %arg0, %c0_i32 : i32, i32
  }
}

module attributes {stable_mosaic.version = 14 : i64} {
  func.func @_node_body(%arg0: i32, %arg1: memref<2000x128xf32, #tpu.memory_space<vmem>>, %arg2: memref<2x2000x128xf32, #tpu.memory_space<vmem>>, %arg3: memref<2x2000x128xf32, #tpu.memory_space<vmem>>, %arg4: memref<128x128xf32, #tpu.memory_space<vmem>>, %arg5: memref<1x128xf32, #tpu.memory_space<vmem>>, %arg6: memref<128x128xf32, #tpu.memory_space<vmem>>, %arg7: memref<1x128xf32, #tpu.memory_space<vmem>>, %arg8: memref<1x128xf32, #tpu.memory_space<vmem>>, %arg9: memref<1x128xf32, #tpu.memory_space<vmem>>, %arg10: memref<1x128xf32, #tpu.memory_space<vmem>>, %arg11: memref<1x128xf32, #tpu.memory_space<vmem>>, %arg12: memref<2000x128xf32, #tpu.memory_space<vmem>>) attributes {dimension_semantics = [#tpu.dimension_semantics<arbitrary>], iteration_bounds = array<i64: 5>, scalar_prefetch = 0 : i64, scratch_operands = 0 : i64, tpu.core_type = #tpu.core_type<tc>, window_params = [{transform_indices = @transform_0, window_bounds = array<i64: 2000, 128>}, {transform_indices = @transform_1, window_bounds = array<i64: 2, 2000, 128>}, {transform_indices = @transform_2, window_bounds = array<i64: 2, 2000, 128>}, {pipeline_mode = #tpu.pipeline_mode<synchronous>, transform_indices = @transform_3, window_bounds = array<i64: 128, 128>}, {pipeline_mode = #tpu.pipeline_mode<synchronous>, transform_indices = @transform_4, window_bounds = array<i64: 1, 128>}, {pipeline_mode = #tpu.pipeline_mode<synchronous>, transform_indices = @transform_5, window_bounds = array<i64: 128, 128>}, {pipeline_mode = #tpu.pipeline_mode<synchronous>, transform_indices = @transform_6, window_bounds = array<i64: 1, 128>}, {pipeline_mode = #tpu.pipeline_mode<synchronous>, transform_indices = @transform_7, window_bounds = array<i64: 1, 128>}, {pipeline_mode = #tpu.pipeline_mode<synchronous>, transform_indices = @transform_8, window_bounds = array<i64: 1, 128>}, {pipeline_mode = #tpu.pipeline_mode<synchronous>, transform_indices = @transform_9, window_bounds = array<i64: 1, 128>}, {pipeline_mode = #tpu.pipeline_mode<synchronous>, transform_indices = @transform_10, window_bounds = array<i64: 1, 128>}, {transform_indices = @transform_11, window_bounds = array<i64: 2000, 128>}]} {
    %get3A = arith.constant 0 : index
    %get3A_0 = arith.constant 0 : index
    %get3A_1 = arith.constant 0 : index
    %get3A_2 = vector.load %arg2[%get3A, %get3A_0, %get3A_1] : memref<2x2000x128xf32, #tpu.memory_space<vmem>>, vector<1x2000x128xf32>
    %get3A_3 = vector.shape_cast %get3A_2 : vector<1x2000x128xf32> to vector<2000x128xf32>
    %get3A_4 = arith.constant 1 : index
    %get3A_5 = arith.constant 0 : index
    %get3A_6 = arith.constant 0 : index
    %get3A_7 = vector.load %arg2[%get3A_4, %get3A_5, %get3A_6] : memref<2x2000x128xf32, #tpu.memory_space<vmem>>, vector<1x2000x128xf32>
    %get3A_8 = vector.shape_cast %get3A_7 : vector<1x2000x128xf32> to vector<2000x128xf32>
    %add3A = arith.addf %get3A_3, %get3A_8 : vector<2000x128xf32>
    %get3A_9 = arith.constant 0 : index
    %get3A_10 = arith.constant 0 : index
    %get3A_11 = arith.constant 0 : index
    %get3A_12 = vector.load %arg3[%get3A_9, %get3A_10, %get3A_11] : memref<2x2000x128xf32, #tpu.memory_space<vmem>>, vector<1x2000x128xf32>
    %get3A_13 = vector.shape_cast %get3A_12 : vector<1x2000x128xf32> to vector<2000x128xf32>
    %get3A_14 = arith.constant 1 : index
    %get3A_15 = arith.constant 0 : index
    %get3A_16 = arith.constant 0 : index
    %get3A_17 = vector.load %arg3[%get3A_14, %get3A_15, %get3A_16] : memref<2x2000x128xf32, #tpu.memory_space<vmem>>, vector<1x2000x128xf32>
    %get3A_18 = vector.shape_cast %get3A_17 : vector<1x2000x128xf32> to vector<2000x128xf32>
    %add3A_19 = arith.addf %get3A_13, %get3A_18 : vector<2000x128xf32>
    %add3A_20 = arith.addf %add3A, %add3A_19 : vector<2000x128xf32>
    %mul3A = arith.constant 0.0333333351 : f32
    %mul3A_21 = vector.broadcast %mul3A : f32 to vector<2000x128xf32>
    %mul3A_22 = arith.mulf %add3A_20, %mul3A_21 : vector<2000x128xf32>
    %get3A_23 = arith.constant 0 : index
    %get3A_24 = arith.constant 0 : index
    %get3A_25 = vector.load %arg1[%get3A_23, %get3A_24] : memref<2000x128xf32, #tpu.memory_space<vmem>>, vector<2000x128xf32>
    %add3A_26 = arith.addf %get3A_25, %mul3A_22 : vector<2000x128xf32>
    %get3A_27 = arith.constant 0 : index
    %get3A_28 = arith.constant 0 : index
    %get3A_29 = vector.load %arg8[%get3A_27, %get3A_28] : memref<1x128xf32, #tpu.memory_space<vmem>>, vector<1x128xf32>
    %get3A_30 = arith.constant 0 : index
    %get3A_31 = arith.constant 0 : index
    %get3A_32 = vector.load %arg9[%get3A_30, %get3A_31] : memref<1x128xf32, #tpu.memory_space<vmem>>, vector<1x128xf32>
    %reduce_sum3A = arith.constant dense<0.000000e+00> : vector<2000xf32>
    %reduce_sum3A_33 = vector.multi_reduction <add>, %add3A_26, %reduce_sum3A [1] : vector<2000x128xf32> to vector<2000xf32>
    %broadcast_in_dim3A = vector.shape_cast %reduce_sum3A_33 : vector<2000xf32> to vector<2000x1xf32>
    %div3A = arith.constant 1.280000e+02 : f32
    %div3A_34 = vector.broadcast %div3A : f32 to vector<2000x1xf32>
    %div3A_35 = arith.divf %broadcast_in_dim3A, %div3A_34 : vector<2000x1xf32>
    %sub3A = vector.broadcast %div3A_35 : vector<2000x1xf32> to vector<2000x128xf32>
    %sub3A_36 = arith.subf %add3A_26, %sub3A : vector<2000x128xf32>
    %integer_pow3A = arith.mulf %sub3A_36, %sub3A_36 : vector<2000x128xf32>
    %reduce_sum3A_37 = arith.constant dense<0.000000e+00> : vector<2000xf32>
    %reduce_sum3A_38 = vector.multi_reduction <add>, %integer_pow3A, %reduce_sum3A_37 [1] : vector<2000x128xf32> to vector<2000xf32>
    %broadcast_in_dim3A_39 = vector.shape_cast %reduce_sum3A_38 : vector<2000xf32> to vector<2000x1xf32>
    %div3A_40 = arith.constant 1.280000e+02 : f32
    %div3A_41 = vector.broadcast %div3A_40 : f32 to vector<2000x1xf32>
    %div3A_42 = arith.divf %broadcast_in_dim3A_39, %div3A_41 : vector<2000x1xf32>
    %sub3A_43 = vector.broadcast %div3A_35 : vector<2000x1xf32> to vector<2000x128xf32>
    %sub3A_44 = arith.subf %add3A_26, %sub3A_43 : vector<2000x128xf32>
    %add3A_45 = arith.constant 9.99999974E-6 : f32
    %add3A_46 = vector.broadcast %add3A_45 : f32 to vector<2000x1xf32>
    %add3A_47 = arith.addf %div3A_42, %add3A_46 : vector<2000x1xf32>
    %rsqrt3A = math.rsqrt %add3A_47 : vector<2000x1xf32>
    %mul3A_48 = vector.broadcast %rsqrt3A : vector<2000x1xf32> to vector<2000x128xf32>
    %mul3A_49 = arith.mulf %sub3A_44, %mul3A_48 : vector<2000x128xf32>
    %mul3A_50 = vector.broadcast %get3A_29 : vector<1x128xf32> to vector<2000x128xf32>
    %mul3A_51 = arith.mulf %mul3A_49, %mul3A_50 : vector<2000x128xf32>
    %add3A_52 = vector.broadcast %get3A_32 : vector<1x128xf32> to vector<2000x128xf32>
    %add3A_53 = arith.addf %mul3A_51, %add3A_52 : vector<2000x128xf32>
    %get3A_54 = arith.constant 0 : index
    %get3A_55 = arith.constant 0 : index
    %get3A_56 = vector.load %arg4[%get3A_54, %get3A_55] : memref<128x128xf32, #tpu.memory_space<vmem>>, vector<128x128xf32>
    %dot_general3A = arith.constant dense<0.000000e+00> : vector<2000x128xf32>
    %dot_general3A_57 = tpu.matmul %add3A_53, %get3A_56, %dot_general3A {dimension_numbers = #tpu.dot_dimension_numbers<[1], [0], [0], [1], [0, 0, 1, 1], [], []>, transpose_lhs_hint = false} : vector<2000x128xf32>, vector<128x128xf32>, vector<2000x128xf32> -> vector<2000x128xf32>
    %get3A_58 = arith.constant 0 : index
    %get3A_59 = arith.constant 0 : index
    %get3A_60 = vector.load %arg5[%get3A_58, %get3A_59] : memref<1x128xf32, #tpu.memory_space<vmem>>, vector<1x128xf32>
    %add3A_61 = vector.broadcast %get3A_60 : vector<1x128xf32> to vector<2000x128xf32>
    %add3A_62 = arith.addf %dot_general3A_57, %add3A_61 : vector<2000x128xf32>
    %mul3A_63 = arith.constant 5.000000e-01 : f32
    %mul3A_64 = vector.broadcast %mul3A_63 : f32 to vector<2000x128xf32>
    %mul3A_65 = arith.mulf %mul3A_64, %add3A_62 : vector<2000x128xf32>
    %mul3A_66 = arith.constant 0.707106769 : f32
    %mul3A_67 = vector.broadcast %mul3A_66 : f32 to vector<2000x128xf32>
    %mul3A_68 = arith.mulf %add3A_62, %mul3A_67 : vector<2000x128xf32>
    %erf3A = math.erf %mul3A_68 : vector<2000x128xf32>
    %add3A_69 = arith.constant 1.000000e+00 : f32
    %add3A_70 = vector.broadcast %add3A_69 : f32 to vector<2000x128xf32>
    %add3A_71 = arith.addf %add3A_70, %erf3A : vector<2000x128xf32>
    %mul3A_72 = arith.mulf %mul3A_65, %add3A_71 : vector<2000x128xf32>
    %get3A_73 = arith.constant 0 : index
    %get3A_74 = arith.constant 0 : index
    %get3A_75 = vector.load %arg6[%get3A_73, %get3A_74] : memref<128x128xf32, #tpu.memory_space<vmem>>, vector<128x128xf32>
    %dot_general3A_76 = arith.constant dense<0.000000e+00> : vector<2000x128xf32>
    %dot_general3A_77 = tpu.matmul %mul3A_72, %get3A_75, %dot_general3A_76 {dimension_numbers = #tpu.dot_dimension_numbers<[1], [0], [0], [1], [0, 0, 1, 1], [], []>, transpose_lhs_hint = false} : vector<2000x128xf32>, vector<128x128xf32>, vector<2000x128xf32> -> vector<2000x128xf32>
    %get3A_78 = arith.constant 0 : index
    %get3A_79 = arith.constant 0 : index
    %get3A_80 = vector.load %arg7[%get3A_78, %get3A_79] : memref<1x128xf32, #tpu.memory_space<vmem>>, vector<1x128xf32>
    %add3A_81 = vector.broadcast %get3A_80 : vector<1x128xf32> to vector<2000x128xf32>
    %add3A_82 = arith.addf %dot_general3A_77, %add3A_81 : vector<2000x128xf32>
    %add3A_83 = arith.addf %add3A_53, %add3A_82 : vector<2000x128xf32>
    %get3A_84 = arith.constant 0 : index
    %get3A_85 = arith.constant 0 : index
    %get3A_86 = vector.load %arg10[%get3A_84, %get3A_85] : memref<1x128xf32, #tpu.memory_space<vmem>>, vector<1x128xf32>
    %get3A_87 = arith.constant 0 : index
    %get3A_88 = arith.constant 0 : index
    %get3A_89 = vector.load %arg11[%get3A_87, %get3A_88] : memref<1x128xf32, #tpu.memory_space<vmem>>, vector<1x128xf32>
    %reduce_sum3A_90 = arith.constant dense<0.000000e+00> : vector<2000xf32>
    %reduce_sum3A_91 = vector.multi_reduction <add>, %add3A_83, %reduce_sum3A_90 [1] : vector<2000x128xf32> to vector<2000xf32>
    %broadcast_in_dim3A_92 = vector.shape_cast %reduce_sum3A_91 : vector<2000xf32> to vector<2000x1xf32>
    %div3A_93 = arith.constant 1.280000e+02 : f32
    %div3A_94 = vector.broadcast %div3A_93 : f32 to vector<2000x1xf32>
    %div3A_95 = arith.divf %broadcast_in_dim3A_92, %div3A_94 : vector<2000x1xf32>
    %sub3A_96 = vector.broadcast %div3A_95 : vector<2000x1xf32> to vector<2000x128xf32>
    %sub3A_97 = arith.subf %add3A_83, %sub3A_96 : vector<2000x128xf32>
    %integer_pow3A_98 = arith.mulf %sub3A_97, %sub3A_97 : vector<2000x128xf32>
    %reduce_sum3A_99 = arith.constant dense<0.000000e+00> : vector<2000xf32>
    %reduce_sum3A_100 = vector.multi_reduction <add>, %integer_pow3A_98, %reduce_sum3A_99 [1] : vector<2000x128xf32> to vector<2000xf32>
    %broadcast_in_dim3A_101 = vector.shape_cast %reduce_sum3A_100 : vector<2000xf32> to vector<2000x1xf32>
    %div3A_102 = arith.constant 1.280000e+02 : f32
    %div3A_103 = vector.broadcast %div3A_102 : f32 to vector<2000x1xf32>
    %div3A_104 = arith.divf %broadcast_in_dim3A_101, %div3A_103 : vector<2000x1xf32>
    %sub3A_105 = vector.broadcast %div3A_95 : vector<2000x1xf32> to vector<2000x128xf32>
    %sub3A_106 = arith.subf %add3A_83, %sub3A_105 : vector<2000x128xf32>
    %add3A_107 = arith.constant 9.99999974E-6 : f32
    %add3A_108 = vector.broadcast %add3A_107 : f32 to vector<2000x1xf32>
    %add3A_109 = arith.addf %div3A_104, %add3A_108 : vector<2000x1xf32>
    %rsqrt3A_110 = math.rsqrt %add3A_109 : vector<2000x1xf32>
    %mul3A_111 = vector.broadcast %rsqrt3A_110 : vector<2000x1xf32> to vector<2000x128xf32>
    %mul3A_112 = arith.mulf %sub3A_106, %mul3A_111 : vector<2000x128xf32>
    %mul3A_113 = vector.broadcast %get3A_86 : vector<1x128xf32> to vector<2000x128xf32>
    %mul3A_114 = arith.mulf %mul3A_112, %mul3A_113 : vector<2000x128xf32>
    %add3A_115 = vector.broadcast %get3A_89 : vector<1x128xf32> to vector<2000x128xf32>
    %add3A_116 = arith.addf %mul3A_114, %add3A_115 : vector<2000x128xf32>
    %swap3A = arith.constant 0 : index
    %swap3A_117 = arith.constant 0 : index
    %swap3A_118 = vector.load %arg12[%swap3A, %swap3A_117] : memref<2000x128xf32, #tpu.memory_space<vmem>>, vector<2000x128xf32>
    tpu.vector_store %arg12[%swap3A, %swap3A_117], %add3A_116 {strides = array<i32>} : memref<2000x128xf32, #tpu.memory_space<vmem>>, vector<2000x128xf32>,
    return
  }
  func.func @transform_0(%arg0: i32) -> (i32, i32) {
    %c0_i32 = arith.constant 0 : i32
    %c0_i32_0 = arith.constant 0 : i32
    return %arg0, %c0_i32 : i32, i32
  }
  func.func @transform_1(%arg0: i32) -> (i32, i32, i32) {
    %c0_i32 = arith.constant 0 : i32
    %c0_i32_0 = arith.constant 0 : i32
    %c0_i32_1 = arith.constant 0 : i32
    return %c0_i32, %arg0, %c0_i32_0 : i32, i32, i32
  }
  func.func @transform_2(%arg0: i32) -> (i32, i32, i32) {
    %c0_i32 = arith.constant 0 : i32
    %c0_i32_0 = arith.constant 0 : i32
    %c0_i32_1 = arith.constant 0 : i32
    return %c0_i32, %arg0, %c0_i32_0 : i32, i32, i32
  }
  func.func @transform_3(%arg0: i32) -> (i32, i32) {
    %c0_i32 = arith.constant 0 : i32
    %c0_i32_0 = arith.constant 0 : i32
    %c0_i32_1 = arith.constant 0 : i32
    return %c0_i32, %c0_i32_0 : i32, i32
  }
  func.func @transform_4(%arg0: i32) -> (i32, i32) {
    %c0_i32 = arith.constant 0 : i32
    %c0_i32_0 = arith.constant 0 : i32
    %c0_i32_1 = arith.constant 0 : i32
    return %c0_i32, %c0_i32_0 : i32, i32
  }
  func.func @transform_5(%arg0: i32) -> (i32, i32) {
    %c0_i32 = arith.constant 0 : i32
    %c0_i32_0 = arith.constant 0 : i32
    %c0_i32_1 = arith.constant 0 : i32
    return %c0_i32, %c0_i32_0 : i32, i32
  }
  func.func @transform_6(%arg0: i32) -> (i32, i32) {
    %c0_i32 = arith.constant 0 : i32
    %c0_i32_0 = arith.constant 0 : i32
    %c0_i32_1 = arith.constant 0 : i32
    return %c0_i32, %c0_i32_0 : i32, i32
  }
  func.func @transform_7(%arg0: i32) -> (i32, i32) {
    %c0_i32 = arith.constant 0 : i32
    %c0_i32_0 = arith.constant 0 : i32
    %c0_i32_1 = arith.constant 0 : i32
    return %c0_i32, %c0_i32_0 : i32, i32
  }
  func.func @transform_8(%arg0: i32) -> (i32, i32) {
    %c0_i32 = arith.constant 0 : i32
    %c0_i32_0 = arith.constant 0 : i32
    %c0_i32_1 = arith.constant 0 : i32
    return %c0_i32, %c0_i32_0 : i32, i32
  }
  func.func @transform_9(%arg0: i32) -> (i32, i32) {
    %c0_i32 = arith.constant 0 : i32
    %c0_i32_0 = arith.constant 0 : i32
    %c0_i32_1 = arith.constant 0 : i32
    return %c0_i32, %c0_i32_0 : i32, i32
  }
  func.func @transform_10(%arg0: i32) -> (i32, i32) {
    %c0_i32 = arith.constant 0 : i32
    %c0_i32_0 = arith.constant 0 : i32
    %c0_i32_1 = arith.constant 0 : i32
    return %c0_i32, %c0_i32_0 : i32, i32
  }
  func.func @transform_11(%arg0: i32) -> (i32, i32) {
    %c0_i32 = arith.constant 0 : i32
    %c0_i32_0 = arith.constant 0 : i32
    return %arg0, %c0_i32 : i32, i32
  }
}

</mosaic_0001>

<sc_bundles>
// kernel: kernel.10.cloned.1.call-start
scs
__scs_entry_jumppad:
0x0: {  	(pc) =	sbr.rel $0x88, $3  }
0x1: {  	(tag) =	ssettag $0x0;
	lr =	simm.s32 $0x1  }
0x2: {  	[smem:$0x3F94] =	sst lr;
	_ =	strace $0xD0000000  }
0x3: {  	_ = 	snop  }
0x4: {  	_ = 	snop  }
0x5: {  	_ = 	snop  }
0x6: {  	_ = 	snop  }
0x7: {  	_ = 	snop  }
__scs_overlays_trampoline_lowered:
0x8: {  	[smem:$0x3FA3] =	sst s0  }
0x9: {  	[smem:$0x3FA4] =	sst s1  }
0xa: {  	[smem:$0x3FA5] =	sst s2  }
0xb: {  	[smem:$0x3FA6] =	sst s3  }
0xc: {  	[smem:$0x3FA7] =	sst s4  }
0xd: {  	[smem:$0x3FA8] =	sst s5  }
0xe: {  	[smem:$0x3FA9] =	sst s6  }
0xf: {  	[smem:$0x3FAA] =	sst s7  }
0x10: {  	[smem:$0x3FAB] =	sst s8  }
0x11: {  	[smem:$0x3FAC] =	sst s9;
	s0 =	simm.s32 @!p0 $0x0  }
0x12: {  	s1 =	sld [smem:$0x3F92];
	s0 =	simm.s32 @p0 $0x1  }
0x13: {  	[smem:$0x3FAD] =	sst s0;
	s0 =	simm.s32 @!p1 $0x0  }
0x14: {  	s2 =	sld [smem:$0x3F91];
	s0 =	simm.s32 @p1 $0x1  }
0x15: {  	[smem:$0x3FAE] =	sst s0;
	s0 =	simm.s32 @!p2 $0x0  }
0x16: {  	s3 =	sld [smem:$0x3FDB];
	s0 =	simm.s32 @p2 $0x1  }
0x17: {  	s4 =	simm.s32 $0x1BF5;
	[smem:$0x3FB0] =	sst s0  }
0x18: {  	s0 =	sld [smem:$0x3F93];
	_ =	swait.ge [sflag:s4], $0x0  }
0x19: {  	s7 =	sld [smem:$0x3F94]  }
0x1a: {  	s8 =	sadd.s32 $0xFFFFE003, lr  }
0x1b: {  	s9 =	sadd.s32 $0xFFFFFEF7, lr;
	s5 =	simm.s32 $0xFFFFFFFF;
	p2 =	slt.u32 s8, $0xFFFFF086  }
0x1c: {  	p1 =	slt.u32 s9, $0xF7A;
	s5 =	simm.s32 @!p2 $0x0  }
0x1d: {  	s5 =	simm.s32 @p1 $0x1;
	p0 =	seq.s32 s7, s2  }
0x1e: {  	s7 =	smul.u32 @!p0 $0xF7A, s2;
	p2 =	seq.s32 @!p0 s5, $0x0  }
0x1f: {  	s9 =	smul.u32 $0xF7A, s1;
	s8 =	simm.s32 @!p0 $0x1BF5;
	p2 =	por !p2, p0  }
0x20: {  	[sflag:s8] =	ssyncset.s32 @!p0 $0xFFFFF086;
	s6 =	sadd.s32 @!p0 s3, s7;
	s7 =	simm.s32 @!p0 $0x108  }
0x21: {  	s3 =	sadd.s32 s3, s9;
	s6 =	sadd.s32 @!p0 $0x88, s6;
	s7 =	simm.s32 @p2 $0x1082  }
0x22: {  	[simem:s7], [sflag:s8] =	dma.local @!p0 [hbm:s6], $0xF7A  }
0x23: {  	s9 =	sor.u32 $0xD0000000, s2;
	s6 =	simm.s32 $0x108;
	_ =	swait.ge @!p0 [sflag:s8], $0x0  }
0x24: {  	s3 =	sadd.s32 $0x88, s3;
	s6 =	simm.s32 @!p1 $0x1082;
	[sflag:s4] =	ssyncset.s32 $0xFFFFF086  }
0x25: {  	[simem:s6], [sflag:s4] =	dma.local [hbm:s3], $0xF7A  }
0x26: {  	[smem:$0x3F94] =	sst s1;
	(tag) =	ssettag s2;
	_ =	strace s9  }
0x27: {  	s1 =	sld [smem:$0x3FA4]  }
0x28: {  	s2 =	sld [smem:$0x3FA5]  }
0x29: {  	s4 =	sld [smem:$0x3FA7]  }
0x2a: {  	p0 =	seq.s32 s5, $0x0;
	s5 =	sld [smem:$0x3FA8]  }
0x2b: {  	s6 =	sld [smem:$0x3FA9]  }
0x2c: {  	s7 =	sld [smem:$0x3FAA]  }
0x2d: {  	s3 =	simm.s32 $0x108;
	s8 =	sld [smem:$0x3FAB]  }
0x2e: {  	s3 =	simm.s32 @!p0 $0x1082;
	s9 =	sld [smem:$0x3FAC]  }
0x2f: {  	lr =	sadd.s32 s0, s3;
	s0 =	sld [smem:$0x3FA3]  }
0x30: {  	s3 =	sld [smem:$0x3FA6]  }
0x31: {  	[smem:$0x3FAF] =	sst s10  }
0x32: {  	s10 =	sld [smem:$0x3FAD];
	_ =	sdelay $0x3  }
0x33: {  	p0 =	seq.s32 s10, $0x1;
	s10 =	sld [smem:$0x3FAF];
	_ =	sdelay $0x3  }
0x34: {  	[smem:$0x3FAF] =	sst s10  }
0x35: {  	s10 =	sld [smem:$0x3FAE];
	_ =	sdelay $0x3  }
0x36: {  	p1 =	seq.s32 s10, $0x1;
	s10 =	sld [smem:$0x3FAF];
	_ =	sdelay $0x3  }
0x37: {  	[smem:$0x3FAF] =	sst s10  }
0x38: {  	s10 =	sld [smem:$0x3FB0]  }
0x39: {  	_ = 	snop;
	(pc) =	sbr.ind lr, $3  }
0x3a: {  	_ = 	snop  }
0x3b: {  	_ = 	snop  }
0x3c: {  	p2 =	seq.s32 s10, $0x1;
	s10 =	sld [smem:$0x3FAF]  }
0x3d: {  	_ =	shalt  }
0x3e: {  	_ =	shalt  }
0x3f: {  	_ =	shalt  }
0x40: {  	_ =	shalt  }
0x41: {  	_ =	shalt  }
0x42: {  	_ =	shalt  }
0x43: {  	_ =	shalt  }
0x44: {  	_ =	shalt  }
0x45: {  	_ =	shalt  }
0x46: {  	_ =	shalt  }
0x47: {  	_ =	shalt  }
0x48: {  	_ =	shalt  }
0x49: {  	_ =	shalt  }
0x4a: {  	_ =	shalt  }
0x4b: {  	_ =	shalt  }
0x4c: {  	_ =	shalt  }
0x4d: {  	_ =	shalt  }
0x4e: {  	_ =	shalt  }
0x4f: {  	_ =	shalt  }
0x50: {  	_ =	shalt  }
0x51: {  	_ =	shalt  }
0x52: {  	_ =	shalt  }
0x53: {  	_ =	shalt  }
0x54: {  	_ =	shalt  }
0x55: {  	_ =	shalt  }
0x56: {  	_ =	shalt  }
0x57: {  	_ =	shalt  }
0x58: {  	_ =	shalt  }
0x59: {  	_ =	shalt  }
0x5a: {  	_ =	shalt  }
0x5b: {  	_ =	shalt  }
0x5c: {  	_ =	shalt  }
0x5d: {  	_ =	shalt  }
0x5e: {  	_ =	shalt  }
0x5f: {  	_ =	shalt  }
0x60: {  	_ =	shalt  }
0x61: {  	_ =	shalt  }
0x62: {  	_ =	shalt  }
0x63: {  	_ =	shalt  }
0x64: {  	_ =	shalt  }
0x65: {  	_ =	shalt  }
0x66: {  	_ =	shalt  }
0x67: {  	_ =	shalt  }
0x68: {  	_ =	shalt  }
0x69: {  	_ =	shalt  }
0x6a: {  	_ =	shalt  }
0x6b: {  	_ =	shalt  }
0x6c: {  	_ =	shalt  }
0x6d: {  	_ =	shalt  }
0x6e: {  	_ =	shalt  }
0x6f: {  	_ =	shalt  }
0x70: {  	_ =	shalt  }
0x71: {  	_ =	shalt  }
0x72: {  	_ =	shalt  }
0x73: {  	_ =	shalt  }
0x74: {  	_ =	shalt  }
0x75: {  	_ =	shalt  }
0x76: {  	_ =	shalt  }
0x77: {  	_ =	shalt  }
0x78: {  	_ =	shalt  }
0x79: {  	_ =	shalt  }
0x7a: {  	_ =	shalt  }
0x7b: {  	_ =	shalt  }
0x7c: {  	_ =	shalt  }
0x7d: {  	_ =	shalt  }
0x7e: {  	_ =	shalt  }
0x7f: {  	_ =	shalt  }
0x80: {  	_ =	shalt  }
0x81: {  	_ =	shalt  }
0x82: {  	_ =	shalt  }
0x83: {  	_ =	shalt  }
0x84: {  	_ =	shalt  }
0x85: {  	_ =	shalt  }
0x86: {  	_ =	shalt  }
0x87: {  	_ =	shalt  }
.Lfunc_end0:
.L_simem_size_0:
called_computation.1_lowered:
.L_overlay_start_0:
0x88: {  	s2 =	sld [smem:$0x3FD9]  }
0x89: {  	s3 =	sld [smem:$0x3FFE];
	_ =	sdelay $0x1  }
0x8a: {  	s1 =	srdreg.scid  }
0x8b: {  	s0 =	sand.u32 $0x1, s1  }
0x8c: {  	s17 =	sshll.u32 s0, $0xA;
	s2 =	sadd.s32 s3, s2  }
0x8d: {  	s2 =	sadd.s32 s2, s17  }
0x8e: {  	[smem:$0x3FBB] =	sst s2  }
0x8f: {  	_ = 	snop  }
0x90: {  	s2 =	sld [smem:$0x3FD0];
	(tm) =	ssettm $0x1  }
0x91: {  	s18 =	sld [smem:$0x3FFB];
	_ =	sdelay $0x3  }
0x92: {  	_ =	strace s18  }
0x93: {  	s3 =	sld [smem:$0x3FFC];
	_ =	sdelay $0x3  }
0x94: {  	_ =	strace s3  }
0x95: {  	s3 =	sld [smem:$0x3FFD];
	_ =	sdelay $0x3  }
0x96: {  	_ =	strace s3  }
0x97: {  	_ =	strace $0x8FFFFFFF  }
0x98: {  	s19 =	sld [smem:$0x3FDB];
	_ =	sdelay $0x1  }
0x99: {  	s4 =	simm.s32 $_scs_section_size  }
0x9a: {  	s5 =	simm.s32 $_size__tile_overlayer_lowered;
	s6 =	simm.s32 $_tile_overlayer_lowered  }
0x9b: {  	s22 =	simm.s32 $0x1BFF;
	s21 =	sshll.u32 s6, $0x1;
	s3 =	sadd.s32 s4, s19  }
0x9c: {  	s7 =	simm.s32 $0x0;
	s20 =	sshll.u32 s5, $0x1;
	s5 =	sadd.s32 s21, s3  }
0x9d: {  	[timem:s7], [sflag:s22] =	dma.local [hbm:s5], s20  }
0x9e: {  	_ =	swait.ge [sflag:s22], s20  }
0x9f: {  	s4 =	ssub.s32 $0x0, s20;
	[sflag:s22] =	ssyncset.done $0x0  }
0xa0: {  	[sflag:s22] =	ssyncadd.s32 s4;
	_ =	sdelay $0x1  }
0xa1: {  	s23 =	simm.s32 $0x1B8B  }
0xa2: {  	_ =	swait.ge [sflag:s23], $0x1  }
0xa3: {  	[sflag:s23] =	ssyncset.done $0x0  }
0xa4: {  	s25 =	simm.s32 $0x1B8E;
	s24 =	sld [smem:$0x3FFE];
	[sflag:s23] =	ssyncadd.s32 $0xFFFFFFFF  }
0xa5: {  	s26 =	simm.s32 $execute0_lowered;
	[smem:$0x3FD2] =	sst s25  }
0xa6: {  	s5 =	sshll.u32 s26, $0x1;
	_ =	strace $0x80000046;
	[dreg:$0x1] =	wrdreg $0xFFFFFFFF  }
0xa7: {  	s28 =	simm.s32 $_size_execute0_lowered;
	s3 =	sadd.s32 s3, s5;
	[dreg:$0x0] =	wrdreg $0x0  }
0xa8: {  	s5 =	sshll.u32 s28, $0x1;
	[dreg:$0x2] =	wrdreg s3  }
0xa9: {  	[dreg:$0x3] =	wrdreg s5  }
0xaa: {  	[dreg:$0x4] =	wrdreg $0xC0  }
0xab: {  	_ =	task [dreg:s7], $0x5FFFF  }
0xac: {  	[dreg:$0x1] =	wrdreg $0xFFFFFFFF  }
0xad: {  	[dreg:$0x0] =	wrdreg $0x60  }
0xae: {  	[dreg:$0x2] =	wrdreg s24  }
0xaf: {  	[dreg:$0x3] =	wrdreg s2  }
0xb0: {  	[dreg:$0x4] =	wrdreg $0xB6800  }
0xb1: {  	[dreg:$0x5] =	wrdreg $0xA  }
0xb2: {  	_ =	task.clear_ibuf [dreg:s7], $0x6FFFF;
	_ =	strace $0x90000046  }
0xb3: {  	s29 =	simm.s32 $0xA;
	_ =	strace $0x80000048  }
0xb4: {  	_ =	swait.ge [sflag:s29], $0x1  }
0xb5: {  	[sflag:s29] =	ssyncadd.s32 $0xFFFFFFFF  }
0xb6: {  	_ =	strace $0x90000048  }
0xb7: {  	_ =	sfence  }
0xb8: {  	s30 =	sld [smem:$0x0];
	_ =	sdelay $0x2  }
0xb9: {  	s31 =	sshll.u32 s1, $0xD;
	s1 =	sshrl.u32 s1, $0x2  }
0xba: {  	s3 =	sand.u32 $0x4000, s31;
	s1 =	sadd.s32 s1, s30  }
0xbb: {  	s0 =	sor.u32 s3, s0;
	s1 =	sshll.u32 s1, $0x11  }
0xbc: {  	s0 =	sor.u32 s1, s0  }
0xbd: {  	s0 =	sadd.s32 $0x8F2B, s0  }
0xbe: {  	[sflag:s0] =	ssyncadd.remote.s32 $0x1  }
0xbf: {  	_ =	sfence.sel $0xFFFF  }
0xc0: {  	[dreg:$0x0] =	wrdreg $0xFFFFFFFF;
	(pc) =	sbr.abs _section_cstart, $3  }
0xc1: {  	[dreg:$0x1] =	wrdreg $0xFFFFFFFF  }
0xc2: {  	_ =	task.clear_ibuf [dreg:s7], $0x2FFFF;
	_ =	strace $0x9FFFFFFF  }
0xc3: {  	(tm) =	ssettm $0x7FFFFFFF  }
tec
execute0_lowered:
.L_overlay_start_1:
0x0: {  	(tag) =	ssettag $0x1  }
0x1: {  	s0 =	rddreg [dreg:$0x0]  }
0x2: {  	s1 =	srdreg.scid;
	s11 =	stileid.u32  }
0x3: {  	s5 =	rddreg [dreg:$0x1];
	s6 =	smul.u32 $0x14000, s11  }
0x4: {  	s2 =	rddreg [dreg:$0x2];
	s7 =	smul.u32 $0x50000, s11  }
0x5: {  	s3 =	simm.s32 $0x0;
	s28 =	simm.s32 $0x1;
	s8 =	smul.u32 $0x1388, s11  }
0x6: {  	s29 =	simm.s32 $0xB500;
	s1 =	sand.u32 $0x1, s1;
	s21 =	smul.u32 $0x13880, s11  }
0x7: {  	s30 =	simm.s32 $0x7800;
	s31 =	simm.s32 $0x78;
	s4 =	smul.u32 $0x140000, s1  }
0x8: {  	[smem:$0x7FF] =	sst s3;
	s9 =	sadd.s32 $0x1C00, s0;
	s24 =	smul.u32 $0x13880, s1  }
0x9: {  	_ =	strace $0x80000047;
	s25 =	ssub.s32 $0x2, s1;
	s18 =	smul.u32 $0x138800, s1  }
0xa: {  	s1 =	simm.s32 $0x5;
	s10 =	sshrl.u32 s25, $0x1;
	s7 =	sshrl.u32 s7, $0x2  }
0xb: {  	s4 =	sadd.s32 s6, s4;
	s6 =	sadd.s32 s8, s24;
	s26 =	ssub.s32 s25, s10  }
0xc: {  	s8 =	simm.s32 $0xB600;
	s4 =	sshrl.u32 s4, $0x3;
	s12 =	sshrl.u32 s6, $0x3  }
0xd: {  	s14 =	sadd.s32 $0x27178, s6;
	s15 =	sshll.u32 s6, $0x4;
	s16 =	sadd.s32 $0x28438, s6  }
0xe: {  	s19 =	smax.u32 s26, $0x1;
	s23 =	sadd.s32 $0x272E0, s6;
	s24 =	sadd.s32 $0x27268, s6  }
0xf: {  	s6 =	sadd.s32 $0x271F0, s6;
	s0 =	sadd.s32 s4, s0;
	s4 =	sadd.s32 s7, s2  }
0x10: {  	s7 =	sadd.s32 s5, s12;
	[dreg:$0xb] =	wrdreg s19;
	s13 =	sadd.s32 $0x12C00, s4  }
0x11: {  	s10 =	sshrl.u32 s14, $0x3;
	s7 =	sadd.s32 $0x4E20, s7;
	[dreg:$0x4] =	wrdreg s13  }
0x12: {  	s25 =	sshrl.u32 s24, $0x3;
	s10 =	sadd.s32 s5, s10;
	[dreg:$0x5] =	wrdreg s7  }
0x13: {  	s26 =	sshrl.u32 s6, $0x3;
	s0 =	sadd.s32 $0x272C00, s0;
	[dreg:$0x6] =	wrdreg s10  }
0x14: {  	s24 =	simm.s32 $0xB480;
	s20 =	sadd.s32 $0x3C00, s4;
	[dreg:$0xa] =	wrdreg s0  }
0x15: {  	s6 =	simm.s32 $0x3;
	s22 =	sadd.s32 $0x7800, s4;
	[dreg:$0xc] =	wrdreg s20  }
0x16: {  	s7 =	sadd.s32 s9, s15;
	s10 =	sshrl.u32 s16, $0x3;
	[dreg:$0xd] =	wrdreg s22  }
0x17: {  	s16 =	sadd.s32 $0xB400, s4;
	s0 =	sadd.s32 s18, s9;
	s13 =	sadd.s32 s25, s5  }
0x18: {  	s22 =	simm.s32 $0x7;
	s25 =	simm.s32 $0x3C00;
	s9 =	simm.s32 $0x0  }
0x19: {  	s12 =	sadd.s32 $0x780, s7;
	s17 =	sadd.s32 $0x13380, s7;
	s10 =	sadd.s32 s5, s10  }
0x1a: {  	s18 =	sadd.s32 s21, s0;
	s0 =	sshrl.u32 s23, $0x3;
	[dreg:$0x7] =	wrdreg s12  }
0x1b: {  	s21 =	sadd.s32 s26, s5;
	s23 =	simm.s32 $0xB400;
	[dreg:$0x8] =	wrdreg s17  }
0x1c: {  	s26 =	simm.s32 $0x4;
	[dreg:$0x9] =	wrdreg s10;
	s17 =	sadd.s32 $0xF000, s4  }
0x1d: {  	v0 =	vimm.f32 $0.0e+00;
	s12 =	sadd.s32 s0, s5;
	s0 =	simm.s32 $0x2;
	s5 =	simm.s32 $0x6  }
.LBB2_1:
0x1e: {  	s10 =	simm.s32 $0x0;
	s11 =	simm.s32 $0x200  }
.LBB2_2:
0x1f: {  	p0 =	sne.s32 s11, $0xEE00;
	[tilespmem:s10+$0x70] =	vst v0  }
0x20: {  	[tilespmem:s10+$0x0] =	vst v0  }
0x21: {  	[tilespmem:s10+$0x10] =	vst v0  }
.Ltmp0:
0x22: {  	[tilespmem:s10+$0x20] =	vst v0;
	(pc) =	sbr.rel @p0 .LBB2_2-.Ltmp0, $4  }
0x23: {  	[tilespmem:s10+$0x30] =	vst v0  }
0x24: {  	[tilespmem:s10+$0x40] =	vst v0  }
0x25: {  	[tilespmem:s10+$0x50] =	vst v0  }
0x26: {  	[tilespmem:s10+$0x60] =	vst v0;
	s10 =	sshra.s32 s11, $0x2;
	s11 =	sadd.s32 $0x200, s11  }
0x27: {  	[tilespmem:s10+$0x70] =	vst v0  }
0x28: {  	[tilespmem:s10+$0x0] =	vst v0  }
0x29: {  	[tilespmem:s10+$0x10] =	vst v0  }
0x2a: {  	[tilespmem:s10+$0x20] =	vst v0  }
0x2b: {  	[tilespmem:s10+$0x30] =	vst v0  }
0x2c: {  	[tilespmem:s10+$0x40] =	vst v0  }
0x2d: {  	[tilespmem:s10+$0x50] =	vst v0  }
0x2e: {  	[tilespmem:s10+$0x60] =	vst v0;
	s10 =	simm.s32 $0x0  }
0x2f: {  	[spmem:s4] =	stream.linear.scatter [tilespmem:s10], [sflag:$0x7], $0x3C00, $0x38;
	[tilespmem:$0x1F680] =	vst v63  }
0x30: {  	_ =	swait.ge [sflag:s22], $0x3C00  }
0x31: {  	[sflag:s22] =	ssyncset.done $0x0  }
0x32: {  	s11 =	rddreg [dreg:$0xc];
	[sflag:s22] =	ssyncadd.s32 $0xFFFFC400  }
0x33: {  	[spmem:s11] =	stream.linear.scatter [tilespmem:s10], [sflag:$0x7], $0x3C00, $0x38;
	[tilespmem:$0x1F680] =	vst v63  }
0x34: {  	_ =	swait.ge [sflag:s22], $0x3C00  }
0x35: {  	[sflag:s22] =	ssyncset.done $0x0  }
0x36: {  	s14 =	rddreg [dreg:$0xd];
	[sflag:s22] =	ssyncadd.s32 $0xFFFFC400  }
0x37: {  	[spmem:s14] =	stream.linear.scatter [tilespmem:s10], [sflag:$0x7], $0x3C00, $0x38;
	[tilespmem:$0x1F680] =	vst v63  }
0x38: {  	_ =	swait.ge [sflag:s22], $0x3C00  }
0x39: {  	[sflag:s22] =	ssyncset.done $0x0  }
0x3a: {  	[sflag:s22] =	ssyncadd.s32 $0xFFFFC400  }
0x3b: {  	[spmem:s16] =	stream.linear.scatter [tilespmem:s10], [sflag:$0x7], $0x3C00, $0x38;
	[tilespmem:$0x1F680] =	vst v63  }
0x3c: {  	_ =	swait.ge [sflag:s22], $0x3C00  }
0x3d: {  	[sflag:s22] =	ssyncset.done $0x0  }
0x3e: {  	[sflag:s22] =	ssyncadd.s32 $0xFFFFC400  }
0x3f: {  	[spmem:s17] =	stream.linear.scatter [tilespmem:s10], [sflag:$0x7], $0x3C00, $0x38;
	[tilespmem:$0x1F680] =	vst v63  }
0x40: {  	_ =	swait.ge [sflag:s22], $0x3C00  }
0x41: {  	[sflag:s22] =	ssyncset.done $0x0  }
0x42: {  	s15 =	rddreg [dreg:$0x4];
	[sflag:s22] =	ssyncadd.s32 $0xFFFFC400  }
0x43: {  	[spmem:s15] =	stream.linear.scatter [tilespmem:s10], [sflag:$0x7], $0x1400, $0x38;
	[tilespmem:$0x1F680] =	vst v63  }
0x44: {  	_ =	swait.ge [sflag:s22], $0x1400  }
0x45: {  	[sflag:s22] =	ssyncset.done $0x0  }
0x46: {  	[sflag:s22] =	ssyncadd.s32 $0xFFFFEC00  }
0x47: {  	[bflag:$0x0] =	sbarrier.arrive $0xFFFF  }
0x48: {  	s19 =	rddreg [dreg:$0x5]  }
0x49: {  	[tilespmem:s23], [sflag:$0x4] =	stream.linear.gather [hbm4b:s19+s10], $0x78, $0x38;
	[tilespmem:$0x1F680] =	vst v63  }
0x4a: {  	_ = 	snop  }
0x4b: {  	[tilespmem:s10], [sflag:$0x1] =	stream.linear.gather [hbm4b:s7+s10], $0x3C00, $0x38;
	[tilespmem:$0x1F680] =	vst v63  }
0x4c: {  	s20 =	rddreg [dreg:$0x6]  }
0x4d: {  	[tilespmem:s24], [sflag:$0x5] =	stream.linear.gather [hbm4b:s20+s10], $0x78, $0x38;
	[tilespmem:$0x1F680] =	vst v63  }
0x4e: {  	s14 =	rddreg [dreg:$0x7]  }
0x4f: {  	[tilespmem:s25], [sflag:$0x2] =	stream.linear.gather [hbm4b:s14+s10], $0x3C00, $0x38;
	[tilespmem:$0x1F680] =	vst v63  }
0x50: {  	_ =	swait.ge [sflag:s26], $0x78  }
0x51: {  	[sflag:s26] =	ssyncset.done $0x0  }
0x52: {  	[sflag:s26] =	ssyncadd.s32 $0xFFFFFF88  }
0x53: {  	_ =	swait.ge [sflag:s28], $0x3C00  }
0x54: {  	[sflag:s28] =	ssyncset.done $0x0  }
0x55: {  	s15 =	sadd.s32 $0x0, s18;
	[sflag:s28] =	ssyncadd.s32 $0xFFFFC400  }
0x56: {  	[tilespmem:s29], [sflag:$0x6] =	stream.linear.gather [hbm4b:s21+s3], $0x78, $0x38;
	[tilespmem:$0x1F680] =	vst v63  }
0x57: {  	s19 =	sadd.s32 $0xF00, s15  }
0x58: {  	[tilespmem:s30], [sflag:$0x3] =	stream.linear.gather [hbm4b:s19+s3], $0x3C00, $0x38;
	[tilespmem:$0x1F680] =	vst v63  }
0x59: {  	_ = 	snop  }
0x5a: {  	[spmem:s2] =	stream.indirect.scatter.add.f32 [tilespmem:s3], [sflag:$0x7], $0x80, s23, s31, $0xb8;
	[tilespmem:$0x1F680] =	vst v63  }
0x5b: {  	_ =	swait.ge [sflag:s22], $0x3C00  }
0x5c: {  	[sflag:s22] =	ssyncset.done $0x0  }
0x5d: {  	[sflag:s22] =	ssyncadd.s32 $0xFFFFC400  }
0x5e: {  	_ =	swait.ge [sflag:s1], $0x78  }
0x5f: {  	[sflag:s1] =	ssyncset.done $0x0  }
0x60: {  	[sflag:s1] =	ssyncadd.s32 $0xFFFFFF88  }
0x61: {  	_ =	swait.ge [sflag:s0], $0x3C00  }
0x62: {  	[sflag:s0] =	ssyncset.done $0x0  }
0x63: {  	[sflag:s0] =	ssyncadd.s32 $0xFFFFC400  }
0x64: {  	[tilespmem:s23], [sflag:$0x4] =	stream.linear.gather [hbm4b:s13+s3], $0x78, $0x38;
	[tilespmem:$0x1F680] =	vst v63  }
0x65: {  	s20 =	sadd.s32 $0x1680, s15  }
0x66: {  	[tilespmem:s3], [sflag:$0x1] =	stream.linear.gather [hbm4b:s20+s3], $0x3C00, $0x38;
	[tilespmem:$0x1F680] =	vst v63  }
0x67: {  	_ = 	snop  }
0x68: {  	[spmem:s2] =	stream.indirect.scatter.add.f32 [tilespmem:s25], [sflag:$0x7], $0x80, s24, s31, $0xb8;
	[tilespmem:$0x1F680] =	vst v63  }
0x69: {  	_ =	swait.ge [sflag:s22], $0x3C00  }
0x6a: {  	[sflag:s22] =	ssyncset.done $0x0  }
0x6b: {  	[sflag:s22] =	ssyncadd.s32 $0xFFFFC400  }
0x6c: {  	_ =	swait.ge [sflag:s5], $0x78  }
0x6d: {  	[sflag:s5] =	ssyncset.done $0x0  }
0x6e: {  	[sflag:s5] =	ssyncadd.s32 $0xFFFFFF88  }
0x6f: {  	_ =	swait.ge [sflag:s6], $0x3C00  }
0x70: {  	[sflag:s6] =	ssyncset.done $0x0  }
0x71: {  	[sflag:s6] =	ssyncadd.s32 $0xFFFFC400  }
0x72: {  	[tilespmem:s24], [sflag:$0x5] =	stream.linear.gather [hbm4b:s12+s3], $0x78, $0x38;
	[tilespmem:$0x1F680] =	vst v63  }
0x73: {  	s10 =	sadd.s32 $0x1E00, s15  }
0x74: {  	[tilespmem:s25], [sflag:$0x2] =	stream.linear.gather [hbm4b:s10+s3], $0x3C00, $0x38;
	[tilespmem:$0x1F680] =	vst v63  }
0x75: {  	_ = 	snop  }
0x76: {  	[spmem:s2] =	stream.indirect.scatter.add.f32 [tilespmem:s30], [sflag:$0x7], $0x80, s29, s31, $0xb8;
	[tilespmem:$0x1F680] =	vst v63  }
0x77: {  	s11 =	sadd.s32 $0x2D, s21;
	s19 =	smov.u32 s12;
	_ =	swait.ge [sflag:s22], $0x3C00  }
0x78: {  	s20 =	smov.u32 s13;
	s10 =	simm.s32 $0x1680;
	[sflag:s22] =	ssyncset.done $0x0  }
.LBB2_4:
0x79: {  	[sflag:s22] =	ssyncadd.s32 $0xFFFFC400;
	s19 =	sadd.s32 $0x2D, s19;
	s20 =	sadd.s32 $0x2D, s20  }
0x7a: {  	p0 =	sne.s32 s10, $0x10E00;
	s14 =	smov.u32 s10;
	s10 =	sadd.s32 $0x1680, s10  }
0x7b: {  	_ =	swait.ge [sflag:s26], $0x78  }
0x7c: {  	[sflag:s26] =	ssyncset.done $0x0  }
0x7d: {  	[sflag:s26] =	ssyncadd.s32 $0xFFFFFF88  }
0x7e: {  	_ =	swait.ge [sflag:s28], $0x3C00  }
0x7f: {  	[sflag:s28] =	ssyncset.done $0x0  }
0x80: {  	s14 =	sadd.s32 s14, s18;
	[sflag:s28] =	ssyncadd.s32 $0xFFFFC400  }
0x81: {  	[tilespmem:s29], [sflag:$0x6] =	stream.linear.gather [hbm4b:s11+s3], $0x78, $0x38;
	[tilespmem:$0x1F680] =	vst v63  }
0x82: {  	s15 =	sadd.s32 $0xF00, s14  }
0x83: {  	[tilespmem:s30], [sflag:$0x3] =	stream.linear.gather [hbm4b:s15+s3], $0x3C00, $0x38;
	[tilespmem:$0x1F680] =	vst v63  }
0x84: {  	_ = 	snop  }
0x85: {  	[spmem:s2] =	stream.indirect.scatter.add.f32 [tilespmem:s3], [sflag:$0x7], $0x80, s23, s31, $0xb8;
	[tilespmem:$0x1F680] =	vst v63  }
0x86: {  	_ =	swait.ge [sflag:s22], $0x3C00  }
0x87: {  	[sflag:s22] =	ssyncset.done $0x0  }
0x88: {  	[sflag:s22] =	ssyncadd.s32 $0xFFFFC400  }
0x89: {  	_ =	swait.ge [sflag:s1], $0x78  }
0x8a: {  	[sflag:s1] =	ssyncset.done $0x0  }
0x8b: {  	[sflag:s1] =	ssyncadd.s32 $0xFFFFFF88  }
0x8c: {  	_ =	swait.ge [sflag:s0], $0x3C00  }
0x8d: {  	[sflag:s0] =	ssyncset.done $0x0  }
0x8e: {  	[sflag:s0] =	ssyncadd.s32 $0xFFFFC400  }
0x8f: {  	[tilespmem:s23], [sflag:$0x4] =	stream.linear.gather [hbm4b:s20+s3], $0x78, $0x38;
	[tilespmem:$0x1F680] =	vst v63  }
0x90: {  	s15 =	sadd.s32 $0x1680, s14  }
0x91: {  	[tilespmem:s3], [sflag:$0x1] =	stream.linear.gather [hbm4b:s15+s3], $0x3C00, $0x38;
	[tilespmem:$0x1F680] =	vst v63  }
0x92: {  	_ = 	snop  }
0x93: {  	[spmem:s2] =	stream.indirect.scatter.add.f32 [tilespmem:s25], [sflag:$0x7], $0x80, s24, s31, $0xb8;
	[tilespmem:$0x1F680] =	vst v63  }
0x94: {  	_ =	swait.ge [sflag:s22], $0x3C00  }
0x95: {  	[sflag:s22] =	ssyncset.done $0x0  }
0x96: {  	[sflag:s22] =	ssyncadd.s32 $0xFFFFC400  }
0x97: {  	_ =	swait.ge [sflag:s5], $0x78  }
0x98: {  	[sflag:s5] =	ssyncset.done $0x0  }
0x99: {  	[sflag:s5] =	ssyncadd.s32 $0xFFFFFF88  }
0x9a: {  	_ =	swait.ge [sflag:s6], $0x3C00  }
0x9b: {  	[sflag:s6] =	ssyncset.done $0x0  }
0x9c: {  	[sflag:s6] =	ssyncadd.s32 $0xFFFFC400  }
0x9d: {  	[tilespmem:s24], [sflag:$0x5] =	stream.linear.gather [hbm4b:s19+s3], $0x78, $0x38;
	[tilespmem:$0x1F680] =	vst v63  }
0x9e: {  	s14 =	sadd.s32 $0x1E00, s14  }
0x9f: {  	[tilespmem:s25], [sflag:$0x2] =	stream.linear.gather [hbm4b:s14+s3], $0x3C00, $0x38;
	[tilespmem:$0x1F680] =	vst v63  }
.Ltmp1:
0xa0: {  	_ = 	snop;
	(pc) =	sbr.rel @p0 .LBB2_4-.Ltmp1, $4  }
0xa1: {  	_ = 	snop  }
0xa2: {  	[spmem:s2] =	stream.indirect.scatter.add.f32 [tilespmem:s30], [sflag:$0x7], $0x80, s29, s31, $0xb8;
	[tilespmem:$0x1F680] =	vst v63  }
0xa3: {  	_ =	swait.ge [sflag:s22], $0x3C00  }
0xa4: {  	s11 =	sadd.s32 $0x2D, s11;
	[sflag:s22] =	ssyncset.done $0x0  }
0xa5: {  	[sflag:s22] =	ssyncadd.s32 $0xFFFFC400  }
0xa6: {  	_ =	swait.ge [sflag:s26], $0x78  }
0xa7: {  	[sflag:s26] =	ssyncset.done $0x0  }
0xa8: {  	[sflag:s26] =	ssyncadd.s32 $0xFFFFFF88  }
0xa9: {  	_ =	swait.ge [sflag:s28], $0x3C00  }
0xaa: {  	[sflag:s28] =	ssyncset.done $0x0  }
0xab: {  	[sflag:s28] =	ssyncadd.s32 $0xFFFFC400  }
0xac: {  	[spmem:s2] =	stream.indirect.scatter.add.f32 [tilespmem:s3], [sflag:$0x7], $0x80, s23, s31, $0xb8;
	[tilespmem:$0x1F680] =	vst v63  }
0xad: {  	_ =	swait.ge [sflag:s22], $0x3C00  }
0xae: {  	[sflag:s22] =	ssyncset.done $0x0  }
0xaf: {  	[sflag:s22] =	ssyncadd.s32 $0xFFFFC400  }
0xb0: {  	_ =	swait.ge [sflag:s1], $0x78  }
0xb1: {  	[sflag:s1] =	ssyncset.done $0x0  }
0xb2: {  	[sflag:s1] =	ssyncadd.s32 $0xFFFFFF88  }
0xb3: {  	_ =	swait.ge [sflag:s0], $0x3C00  }
0xb4: {  	[sflag:s0] =	ssyncset.done $0x0  }
0xb5: {  	[sflag:s0] =	ssyncadd.s32 $0xFFFFC400  }
0xb6: {  	[spmem:s2] =	stream.indirect.scatter.add.f32 [tilespmem:s25], [sflag:$0x7], $0x80, s24, s31, $0xb8;
	[tilespmem:$0x1F680] =	vst v63  }
0xb7: {  	_ =	swait.ge [sflag:s22], $0x3C00  }
0xb8: {  	[sflag:s22] =	ssyncset.done $0x0  }
0xb9: {  	s10 =	rddreg [dreg:$0x9];
	[sflag:s22] =	ssyncadd.s32 $0xFFFFC400  }
0xba: {  	[tilespmem:s8], [sflag:$0x7] =	stream.linear.gather [hbm4b:s10+s3], $0x50, $0x38;
	[tilespmem:$0x1F680] =	vst v63  }
0xbb: {  	_ =	swait.ge [sflag:s22], $0x50  }
0xbc: {  	[sflag:s22] =	ssyncset.done $0x0  }
0xbd: {  	s14 =	rddreg [dreg:$0x8];
	[sflag:s22] =	ssyncadd.s32 $0xFFFFFFB0  }
0xbe: {  	[tilespmem:s30], [sflag:$0x7] =	stream.linear.gather [hbm4b:s14+s3], $0x2800, $0x38;
	[tilespmem:$0x1F680] =	vst v63  }
0xbf: {  	_ =	swait.ge [sflag:s22], $0x2800  }
0xc0: {  	[sflag:s22] =	ssyncset.done $0x0  }
0xc1: {  	s15 =	simm.s32 $0x50;
	[sflag:s22] =	ssyncadd.s32 $0xFFFFD800  }
0xc2: {  	[spmem:s2] =	stream.indirect.scatter.add.f32 [tilespmem:s30], [sflag:$0x7], $0x80, s8, s15, $0xb8;
	[tilespmem:$0x1F680] =	vst v63  }
0xc3: {  	_ =	swait.ge [sflag:s22], $0x2800  }
0xc4: {  	[sflag:s22] =	ssyncset.done $0x0  }
0xc5: {  	s19 =	stileid.u32;
	[sflag:s22] =	ssyncadd.s32 $0xFFFFD800  }
0xc6: {  	s10 =	sshll.u32 s19, $0x6;
	[bflag:$0x0] =	sbarrier.arrive $0xFFFF  }
0xc7: {  	s11 =	sshrl.u32 s4, $0x3;
	s10 =	sor.u32 $0x1C07, s10;
	s14 =	rddreg [dreg:$0xa]  }
0xc8: {  	[hbm:s14], [sflag:s10] =	dma.local [spmem:s11], $0x2800  }
0xc9: {  	_ =	swait.ge [sflag:s22], $0x2800  }
0xca: {  	s9 =	sadd.s32 $0x1, s9;
	s20 =	rddreg [dreg:$0xb]  }
0xcb: {  	p0 =	sne.s32 s9, s20  }
.Ltmp2:
0xcc: {  	_ = 	snop;
	(pc) =	sbr.rel @p0 .LBB2_1-.Ltmp2, $3  }
0xcd: {  	_ =	sdelay $0x1  }
0xce: {  	[sflag:s22] =	ssyncset.done $0x0  }
0xcf: {  	[sflag:s22] =	ssyncadd.s32 $0xFFFFD800  }
0xd0: {  	_ =	sfence.sel $0x180000  }
0xd1: {  	[bflag:$0x0] =	sbarrier.arrive $0xFFFF  }
0xd2: {  	_ =	strace $0x90000047  }
0xd3: {  	s0 =	stileid.u32;
	[bflag:$0x2] =	sbarrier.arrive $0xFFFF  }
0xd4: {  	p0 =	sne.s32 s0, $0x0;
	s0 =	rddreg [dreg:$0x3]  }
0xd5: {  	s0 =	sadd.s32 @!p0 $0x100000, s0  }
0xd6: {  	[sflag:s0] =	ssyncadd.tile.s32 @!p0 $0x1;
	_ =	shalt  }
.Lfunc_end2:
_tile_overlayer_lowered:
.L_overlay_start_2:
0xd7: {  	(tag) =	ssettag $0x2  }
0xd8: {  	s0 =	rddreg [dreg:$0x0];
	s2 =	stileid.u32  }
0xd9: {  	s1 =	rddreg [dreg:$0x1];
	p0 =	sne.s32 s2, $0x0  }
0xda: {  	s3 =	rddreg [dreg:$0x2];
	[bflag:$0x3] =	sbarrier.arrive $0xFFFF;
	s2 =	simm.s32 @!p0 $0x1C07  }
0xdb: {  	[timem:s3], [sflag:s2] =	dma.local @!p0 [hbm:s0], s1  }
0xdc: {  	s0 =	simm.s32 @!p0 $0x7  }
0xdd: {  	_ =	swait.ge @!p0 [sflag:s0], s1  }
0xde: {  	s1 =	ssub.s32 @!p0 $0x0, s1;
	[sflag:s0] =	ssyncset.done @!p0 $0x0  }
0xdf: {  	[sflag:s0] =	ssyncadd.s32 @!p0 s1  }
0xe0: {  	[bflag:$0x3] =	sbarrier.arrive $0xFFFF  }
0xe1: {  	_ =	shalt  }

// kernel: kernel.7.cloned.1.call-start
scs
__scs_entry_jumppad:
0x0: {  	(pc) =	sbr.rel $0x88, $3  }
0x1: {  	(tag) =	ssettag $0x0;
	lr =	simm.s32 $0x1  }
0x2: {  	[smem:$0x3F94] =	sst lr;
	_ =	strace $0xD0000000  }
0x3: {  	_ = 	snop  }
0x4: {  	_ = 	snop  }
0x5: {  	_ = 	snop  }
0x6: {  	_ = 	snop  }
0x7: {  	_ = 	snop  }
__scs_overlays_trampoline_lowered:
0x8: {  	[smem:$0x3FA3] =	sst s0  }
0x9: {  	[smem:$0x3FA4] =	sst s1  }
0xa: {  	[smem:$0x3FA5] =	sst s2  }
0xb: {  	[smem:$0x3FA6] =	sst s3  }
0xc: {  	[smem:$0x3FA7] =	sst s4  }
0xd: {  	[smem:$0x3FA8] =	sst s5  }
0xe: {  	[smem:$0x3FA9] =	sst s6  }
0xf: {  	[smem:$0x3FAA] =	sst s7  }
0x10: {  	[smem:$0x3FAB] =	sst s8  }
0x11: {  	[smem:$0x3FAC] =	sst s9;
	s0 =	simm.s32 @!p0 $0x0  }
0x12: {  	s1 =	sld [smem:$0x3F92];
	s0 =	simm.s32 @p0 $0x1  }
0x13: {  	[smem:$0x3FAD] =	sst s0;
	s0 =	simm.s32 @!p1 $0x0  }
0x14: {  	s2 =	sld [smem:$0x3F91];
	s0 =	simm.s32 @p1 $0x1  }
0x15: {  	[smem:$0x3FAE] =	sst s0;
	s0 =	simm.s32 @!p2 $0x0  }
0x16: {  	s3 =	sld [smem:$0x3FDB];
	s0 =	simm.s32 @p2 $0x1  }
0x17: {  	s4 =	simm.s32 $0x1BF5;
	[smem:$0x3FB0] =	sst s0  }
0x18: {  	s0 =	sld [smem:$0x3F93];
	_ =	swait.ge [sflag:s4], $0x0  }
0x19: {  	s7 =	sld [smem:$0x3F94]  }
0x1a: {  	s8 =	sadd.s32 $0xFFFFE003, lr  }
0x1b: {  	s9 =	sadd.s32 $0xFFFFFEF7, lr;
	s5 =	simm.s32 $0xFFFFFFFF;
	p2 =	slt.u32 s8, $0xFFFFF086  }
0x1c: {  	p1 =	slt.u32 s9, $0xF7A;
	s5 =	simm.s32 @!p2 $0x0  }
0x1d: {  	s5 =	simm.s32 @p1 $0x1;
	p0 =	seq.s32 s7, s2  }
0x1e: {  	s7 =	smul.u32 @!p0 $0xF7A, s2;
	p2 =	seq.s32 @!p0 s5, $0x0  }
0x1f: {  	s9 =	smul.u32 $0xF7A, s1;
	s8 =	simm.s32 @!p0 $0x1BF5;
	p2 =	por !p2, p0  }
0x20: {  	[sflag:s8] =	ssyncset.s32 @!p0 $0xFFFFF086;
	s6 =	sadd.s32 @!p0 s3, s7;
	s7 =	simm.s32 @!p0 $0x108  }
0x21: {  	s3 =	sadd.s32 s3, s9;
	s6 =	sadd.s32 @!p0 $0x88, s6;
	s7 =	simm.s32 @p2 $0x1082  }
0x22: {  	[simem:s7], [sflag:s8] =	dma.local @!p0 [hbm:s6], $0xF7A  }
0x23: {  	s9 =	sor.u32 $0xD0000000, s2;
	s6 =	simm.s32 $0x108;
	_ =	swait.ge @!p0 [sflag:s8], $0x0  }
0x24: {  	s3 =	sadd.s32 $0x88, s3;
	s6 =	simm.s32 @!p1 $0x1082;
	[sflag:s4] =	ssyncset.s32 $0xFFFFF086  }
0x25: {  	[simem:s6], [sflag:s4] =	dma.local [hbm:s3], $0xF7A  }
0x26: {  	[smem:$0x3F94] =	sst s1;
	(tag) =	ssettag s2;
	_ =	strace s9  }
0x27: {  	s1 =	sld [smem:$0x3FA4]  }
0x28: {  	s2 =	sld [smem:$0x3FA5]  }
0x29: {  	s4 =	sld [smem:$0x3FA7]  }
0x2a: {  	p0 =	seq.s32 s5, $0x0;
	s5 =	sld [smem:$0x3FA8]  }
0x2b: {  	s6 =	sld [smem:$0x3FA9]  }
0x2c: {  	s7 =	sld [smem:$0x3FAA]  }
0x2d: {  	s3 =	simm.s32 $0x108;
	s8 =	sld [smem:$0x3FAB]  }
0x2e: {  	s3 =	simm.s32 @!p0 $0x1082;
	s9 =	sld [smem:$0x3FAC]  }
0x2f: {  	lr =	sadd.s32 s0, s3;
	s0 =	sld [smem:$0x3FA3]  }
0x30: {  	s3 =	sld [smem:$0x3FA6]  }
0x31: {  	[smem:$0x3FAF] =	sst s10  }
0x32: {  	s10 =	sld [smem:$0x3FAD];
	_ =	sdelay $0x3  }
0x33: {  	p0 =	seq.s32 s10, $0x1;
	s10 =	sld [smem:$0x3FAF];
	_ =	sdelay $0x3  }
0x34: {  	[smem:$0x3FAF] =	sst s10  }
0x35: {  	s10 =	sld [smem:$0x3FAE];
	_ =	sdelay $0x3  }
0x36: {  	p1 =	seq.s32 s10, $0x1;
	s10 =	sld [smem:$0x3FAF];
	_ =	sdelay $0x3  }
0x37: {  	[smem:$0x3FAF] =	sst s10  }
0x38: {  	s10 =	sld [smem:$0x3FB0]  }
0x39: {  	_ = 	snop;
	(pc) =	sbr.ind lr, $3  }
0x3a: {  	_ = 	snop  }
0x3b: {  	_ = 	snop  }
0x3c: {  	p2 =	seq.s32 s10, $0x1;
	s10 =	sld [smem:$0x3FAF]  }
0x3d: {  	_ =	shalt  }
0x3e: {  	_ =	shalt  }
0x3f: {  	_ =	shalt  }
0x40: {  	_ =	shalt  }
0x41: {  	_ =	shalt  }
0x42: {  	_ =	shalt  }
0x43: {  	_ =	shalt  }
0x44: {  	_ =	shalt  }
0x45: {  	_ =	shalt  }
0x46: {  	_ =	shalt  }
0x47: {  	_ =	shalt  }
0x48: {  	_ =	shalt  }
0x49: {  	_ =	shalt  }
0x4a: {  	_ =	shalt  }
0x4b: {  	_ =	shalt  }
0x4c: {  	_ =	shalt  }
0x4d: {  	_ =	shalt  }
0x4e: {  	_ =	shalt  }
0x4f: {  	_ =	shalt  }
0x50: {  	_ =	shalt  }
0x51: {  	_ =	shalt  }
0x52: {  	_ =	shalt  }
0x53: {  	_ =	shalt  }
0x54: {  	_ =	shalt  }
0x55: {  	_ =	shalt  }
0x56: {  	_ =	shalt  }
0x57: {  	_ =	shalt  }
0x58: {  	_ =	shalt  }
0x59: {  	_ =	shalt  }
0x5a: {  	_ =	shalt  }
0x5b: {  	_ =	shalt  }
0x5c: {  	_ =	shalt  }
0x5d: {  	_ =	shalt  }
0x5e: {  	_ =	shalt  }
0x5f: {  	_ =	shalt  }
0x60: {  	_ =	shalt  }
0x61: {  	_ =	shalt  }
0x62: {  	_ =	shalt  }
0x63: {  	_ =	shalt  }
0x64: {  	_ =	shalt  }
0x65: {  	_ =	shalt  }
0x66: {  	_ =	shalt  }
0x67: {  	_ =	shalt  }
0x68: {  	_ =	shalt  }
0x69: {  	_ =	shalt  }
0x6a: {  	_ =	shalt  }
0x6b: {  	_ =	shalt  }
0x6c: {  	_ =	shalt  }
0x6d: {  	_ =	shalt  }
0x6e: {  	_ =	shalt  }
0x6f: {  	_ =	shalt  }
0x70: {  	_ =	shalt  }
0x71: {  	_ =	shalt  }
0x72: {  	_ =	shalt  }
0x73: {  	_ =	shalt  }
0x74: {  	_ =	shalt  }
0x75: {  	_ =	shalt  }
0x76: {  	_ =	shalt  }
0x77: {  	_ =	shalt  }
0x78: {  	_ =	shalt  }
0x79: {  	_ =	shalt  }
0x7a: {  	_ =	shalt  }
0x7b: {  	_ =	shalt  }
0x7c: {  	_ =	shalt  }
0x7d: {  	_ =	shalt  }
0x7e: {  	_ =	shalt  }
0x7f: {  	_ =	shalt  }
0x80: {  	_ =	shalt  }
0x81: {  	_ =	shalt  }
0x82: {  	_ =	shalt  }
0x83: {  	_ =	shalt  }
0x84: {  	_ =	shalt  }
0x85: {  	_ =	shalt  }
0x86: {  	_ =	shalt  }
0x87: {  	_ =	shalt  }
.Lfunc_end0:
.L_simem_size_0:
called_computation_lowered:
.L_overlay_start_0:
0x88: {  	s2 =	sld [smem:$0x3FD9]  }
0x89: {  	s3 =	sld [smem:$0x3FFE];
	_ =	sdelay $0x1  }
0x8a: {  	s1 =	srdreg.scid  }
0x8b: {  	s0 =	sand.u32 $0x1, s1  }
0x8c: {  	s17 =	sshll.u32 s0, $0xA;
	s2 =	sadd.s32 s3, s2  }
0x8d: {  	s2 =	sadd.s32 s2, s17  }
0x8e: {  	[smem:$0x3FBB] =	sst s2  }
0x8f: {  	_ = 	snop  }
0x90: {  	s18 =	sld [smem:$0x3FD0];
	(tm) =	ssettm $0x1  }
0x91: {  	s19 =	sld [smem:$0x3FFB];
	_ =	sdelay $0x3  }
0x92: {  	_ =	strace s19  }
0x93: {  	s2 =	sld [smem:$0x3FFC];
	_ =	sdelay $0x3  }
0x94: {  	_ =	strace s2  }
0x95: {  	s2 =	sld [smem:$0x3FFD];
	_ =	sdelay $0x3  }
0x96: {  	_ =	strace s2  }
0x97: {  	_ =	strace $0x8FFFFFFF  }
0x98: {  	s20 =	sld [smem:$0x3FDB];
	_ =	sdelay $0x1  }
0x99: {  	s4 =	simm.s32 $_scs_section_size  }
0x9a: {  	s5 =	simm.s32 $_size__tile_overlayer_lowered;
	s6 =	simm.s32 $_tile_overlayer_lowered  }
0x9b: {  	s7 =	simm.s32 $0x1BFF;
	s21 =	sshll.u32 s6, $0x1;
	s4 =	sadd.s32 s4, s20  }
0x9c: {  	s22 =	simm.s32 $0x0;
	s5 =	sshll.u32 s5, $0x1;
	s6 =	sadd.s32 s21, s4  }
0x9d: {  	[timem:s22], [sflag:s7] =	dma.local [hbm:s6], s5  }
0x9e: {  	_ =	swait.ge [sflag:s7], s5  }
0x9f: {  	s5 =	ssub.s32 $0x0, s5;
	[sflag:s7] =	ssyncset.done $0x0  }
0xa0: {  	[sflag:s7] =	ssyncadd.s32 s5;
	_ =	sdelay $0x1  }
0xa1: {  	s23 =	simm.s32 $0x1B8B  }
0xa2: {  	_ =	swait.ge [sflag:s23], $0x1  }
0xa3: {  	[sflag:s23] =	ssyncset.done $0x0  }
0xa4: {  	[sflag:s23] =	ssyncadd.s32 $0xFFFFFFFF  }
0xa5: {  	s5 =	sld [smem:$0x0]  }
0xa6: {  	s6 =	sand.u32 $0xFFFFFFFE, s1  }
0xa7: {  	p0 =	sne.s32 s1, s6  }
0xa8: {  	s6 =	sshll.u32 @p0 s6, $0xE  }
0xa9: {  	s6 =	sadd.s32 @p0 $0x11B8D, s6;
	s7 =	sshll.u32 @p0 s5, $0x11  }
0xaa: {  	s6 =	sor.u32 @p0 s7, s6  }
0xab: {  	[sflag:s6] =	ssyncadd.remote.s32 @p0 $0x1;
	_ =	sdelay $0x1  }
0xac: {  	s6 =	simm.s32 @p0 $0x1B8D  }
0xad: {  	_ =	swait.eq @p0 [sflag:s6], $0x1  }
0xae: {  	[sflag:s6] =	ssyncadd.s32 @p0 $0xFFFFFFFF  }
0xaf: {  	s7 =	sshll.u32 @!p0 s1, $0xE  }
0xb0: {  	s7 =	sor.u32 @!p0 $0x4000, s7;
	s6 =	simm.s32 @!p0 $0x1B8D  }
0xb1: {  	s5 =	sshll.u32 @!p0 s5, $0x11;
	s7 =	sadd.s32 @!p0 $0x11B8D, s7;
	_ =	swait.eq @!p0 [sflag:s6], $0x1  }
0xb2: {  	s5 =	sor.u32 @!p0 s5, s7;
	[sflag:s6] =	ssyncadd.s32 @!p0 $0xFFFFFFFF  }
0xb3: {  	s25 =	simm.s32 $0x1B8E;
	s24 =	sld [smem:$0x3FFE];
	[sflag:s5] =	ssyncadd.remote.s32 @!p0 $0x1  }
0xb4: {  	s26 =	simm.s32 $execute0_lowered;
	[smem:$0x3FD2] =	sst s25  }
0xb5: {  	s6 =	sshll.u32 s26, $0x1;
	_ =	strace $0x80000049;
	[dreg:$0x1] =	wrdreg $0xFFFFFFFF  }
0xb6: {  	s28 =	simm.s32 $_size_execute0_lowered;
	s4 =	sadd.s32 s4, s6;
	[dreg:$0x0] =	wrdreg $0x0  }
0xb7: {  	s6 =	sshll.u32 s28, $0x1;
	[dreg:$0x2] =	wrdreg s4  }
0xb8: {  	[dreg:$0x3] =	wrdreg s6  }
0xb9: {  	[dreg:$0x4] =	wrdreg $0xC0  }
0xba: {  	_ =	task [dreg:s22], $0x5FFFF  }
0xbb: {  	[dreg:$0x1] =	wrdreg $0xFFFFFFFF  }
0xbc: {  	[dreg:$0x0] =	wrdreg $0x60  }
0xbd: {  	[dreg:$0x2] =	wrdreg s24  }
0xbe: {  	[dreg:$0x3] =	wrdreg s18  }
0xbf: {  	[dreg:$0x4] =	wrdreg $0xB6800  }
0xc0: {  	[dreg:$0x5] =	wrdreg $0x9  }
0xc1: {  	_ =	task.clear_ibuf [dreg:s22], $0x6FFFF;
	_ =	strace $0x90000049  }
0xc2: {  	s29 =	simm.s32 $0x9;
	_ =	strace $0x8000004B  }
0xc3: {  	_ =	swait.ge [sflag:s29], $0x1  }
0xc4: {  	[sflag:s29] =	ssyncadd.s32 $0xFFFFFFFF  }
0xc5: {  	_ =	strace $0x9000004B  }
0xc6: {  	_ =	sfence  }
0xc7: {  	s30 =	sld [smem:$0x0];
	_ =	sdelay $0x2  }
0xc8: {  	s31 =	sshll.u32 s1, $0xD;
	s1 =	sshrl.u32 s1, $0x2  }
0xc9: {  	s4 =	sand.u32 $0x4000, s31;
	s1 =	sadd.s32 s1, s30  }
0xca: {  	s0 =	sor.u32 s4, s0;
	s1 =	sshll.u32 s1, $0x11  }
0xcb: {  	s0 =	sor.u32 s1, s0  }
0xcc: {  	s0 =	sadd.s32 $0x8F2B, s0  }
0xcd: {  	[sflag:s0] =	ssyncadd.remote.s32 $0x1  }
0xce: {  	_ =	sfence.sel $0xFFFF  }
0xcf: {  	[dreg:$0x0] =	wrdreg $0xFFFFFFFF;
	(pc) =	sbr.abs _section_cstart, $3  }
0xd0: {  	[dreg:$0x1] =	wrdreg $0xFFFFFFFF  }
0xd1: {  	_ =	task.clear_ibuf [dreg:s22], $0x2FFFF;
	_ =	strace $0x9FFFFFFF  }
0xd2: {  	(tm) =	ssettm $0x7FFFFFFF  }
0xd3: {  	_ =	shalt  }
tec
execute0_lowered:
.L_overlay_start_1:
0x0: {  	(tag) =	ssettag $0x1  }
0x1: {  	s0 =	rddreg [dreg:$0x0]  }
0x2: {  	s1 =	rddreg [dreg:$0x1];
	s12 =	stileid.u32  }
0x3: {  	s2 =	rddreg [dreg:$0x2];
	s6 =	smul.u32 $0x14000, s12  }
0x4: {  	s3 =	srdreg.scid;
	s7 =	smul.u32 $0x50000, s12  }
0x5: {  	s4 =	simm.s32 $0x0;
	s28 =	simm.s32 $0x4;
	s10 =	smul.u32 $0x1388, s12  }
0x6: {  	s29 =	simm.s32 $0x1;
	s3 =	sand.u32 $0x1, s3;
	s23 =	smul.u32 $0x13880, s12  }
0x7: {  	s30 =	simm.s32 $0xB500;
	s31 =	simm.s32 $0x7800;
	s5 =	smul.u32 $0x140000, s3  }
0x8: {  	[smem:$0x7FF] =	sst s4;
	s8 =	sadd.s32 $0x2C2C00, s0;
	s26 =	smul.u32 $0x13880, s3  }
0x9: {  	_ =	strace $0x8000004A;
	s9 =	ssub.s32 $0x2, s3;
	s22 =	smul.u32 $0x138800, s3  }
0xa: {  	s3 =	simm.s32 $0x5;
	s11 =	sshrl.u32 s9, $0x1;
	s7 =	sshrl.u32 s7, $0x2  }
0xb: {  	s5 =	sadd.s32 s6, s5;
	s9 =	ssub.s32 s9, s11;
	s6 =	sadd.s32 s10, s26  }
0xc: {  	s5 =	sshrl.u32 s5, $0x3;
	s13 =	sshrl.u32 s6, $0x3;
	s10 =	sadd.s32 $0x78, s6  }
0xd: {  	s14 =	sshll.u32 s6, $0x4;
	s16 =	sadd.s32 $0x1338, s6;
	s19 =	smax.u32 s9, $0x1  }
0xe: {  	s24 =	sadd.s32 $0x1E0, s6;
	s0 =	sadd.s32 s5, s0;
	s5 =	sadd.s32 s7, s2  }
0xf: {  	s11 =	sshrl.u32 s10, $0x3;
	[dreg:$0xc] =	wrdreg s19;
	s7 =	sadd.s32 $0x12C00, s5  }
0x10: {  	s10 =	sshll.u32 s10, $0x4;
	s15 =	sadd.s32 s1, s11;
	[dreg:$0x4] =	wrdreg s7  }
0x11: {  	s17 =	sshrl.u32 s16, $0x3;
	s10 =	sadd.s32 s8, s10;
	[dreg:$0x7] =	wrdreg s15  }
0x12: {  	s25 =	sadd.s32 $0xF0, s6;
	s18 =	sadd.s32 s1, s17;
	[dreg:$0x8] =	wrdreg s10  }
0x13: {  	s9 =	simm.s32 $0xB600;
	s0 =	sadd.s32 $0x533C00, s0;
	[dreg:$0x9] =	wrdreg s18  }
0x14: {  	s26 =	sshrl.u32 s25, $0x3;
	s20 =	sadd.s32 $0x3C00, s5;
	[dreg:$0xb] =	wrdreg s0  }
0x15: {  	s25 =	simm.s32 $0xB480;
	s21 =	sadd.s32 $0x7800, s5;
	[dreg:$0xd] =	wrdreg s20  }
0x16: {  	s17 =	sadd.s32 $0xB400, s5;
	s7 =	sadd.s32 s1, s13;
	[dreg:$0xe] =	wrdreg s21  }
0x17: {  	s18 =	sadd.s32 $0xF000, s5;
	s0 =	sadd.s32 s22, s8;
	s22 =	sadd.s32 s26, s1  }
0x18: {  	s26 =	simm.s32 $0x3C00;
	s10 =	simm.s32 $0x0;
	[dreg:$0x5] =	wrdreg s7  }
0x19: {  	s7 =	sadd.s32 s8, s14;
	s19 =	sadd.s32 s23, s0;
	s14 =	sadd.s32 $0x168, s6  }
0x1a: {  	s23 =	simm.s32 $0x7;
	[dreg:$0x6] =	wrdreg s7;
	s7 =	sshll.u32 s16, $0x4  }
0x1b: {  	s0 =	simm.s32 $0x78;
	s6 =	simm.s32 $0x2;
	s7 =	sadd.s32 s8, s7  }
0x1c: {  	s8 =	simm.s32 $0x3;
	[dreg:$0xa] =	wrdreg s7;
	s7 =	sshrl.u32 s24, $0x3  }
0x1d: {  	v0 =	vimm.f32 $0.0e+00;
	s24 =	simm.s32 $0xB400;
	s13 =	sadd.s32 s7, s1;
	s7 =	simm.s32 $0x6  }
.LBB2_1:
0x1e: {  	s11 =	simm.s32 $0x0;
	s12 =	simm.s32 $0x200  }
.LBB2_2:
0x1f: {  	p0 =	sne.s32 s12, $0xEE00;
	[tilespmem:s11+$0x70] =	vst v0  }
0x20: {  	[tilespmem:s11+$0x0] =	vst v0  }
0x21: {  	[tilespmem:s11+$0x10] =	vst v0  }
.Ltmp0:
0x22: {  	[tilespmem:s11+$0x20] =	vst v0;
	(pc) =	sbr.rel @p0 .LBB2_2-.Ltmp0, $4  }
0x23: {  	[tilespmem:s11+$0x30] =	vst v0  }
0x24: {  	[tilespmem:s11+$0x40] =	vst v0  }
0x25: {  	[tilespmem:s11+$0x50] =	vst v0  }
0x26: {  	[tilespmem:s11+$0x60] =	vst v0;
	s11 =	sshra.s32 s12, $0x2;
	s12 =	sadd.s32 $0x200, s12  }
0x27: {  	[tilespmem:s11+$0x70] =	vst v0  }
0x28: {  	[tilespmem:s11+$0x0] =	vst v0  }
0x29: {  	[tilespmem:s11+$0x10] =	vst v0  }
0x2a: {  	[tilespmem:s11+$0x20] =	vst v0  }
0x2b: {  	[tilespmem:s11+$0x30] =	vst v0  }
0x2c: {  	[tilespmem:s11+$0x40] =	vst v0  }
0x2d: {  	[tilespmem:s11+$0x50] =	vst v0  }
0x2e: {  	[tilespmem:s11+$0x60] =	vst v0;
	s11 =	simm.s32 $0x0  }
0x2f: {  	[spmem:s5] =	stream.linear.scatter [tilespmem:s11], [sflag:$0x7], $0x3C00, $0x38;
	[tilespmem:$0x1F680] =	vst v63  }
0x30: {  	_ =	swait.ge [sflag:s23], $0x3C00  }
0x31: {  	[sflag:s23] =	ssyncset.done $0x0  }
0x32: {  	s12 =	rddreg [dreg:$0xd];
	[sflag:s23] =	ssyncadd.s32 $0xFFFFC400  }
0x33: {  	[spmem:s12] =	stream.linear.scatter [tilespmem:s11], [sflag:$0x7], $0x3C00, $0x38;
	[tilespmem:$0x1F680] =	vst v63  }
0x34: {  	_ =	swait.ge [sflag:s23], $0x3C00  }
0x35: {  	[sflag:s23] =	ssyncset.done $0x0  }
0x36: {  	s20 =	rddreg [dreg:$0xe];
	[sflag:s23] =	ssyncadd.s32 $0xFFFFC400  }
0x37: {  	[spmem:s20] =	stream.linear.scatter [tilespmem:s11], [sflag:$0x7], $0x3C00, $0x38;
	[tilespmem:$0x1F680] =	vst v63  }
0x38: {  	_ =	swait.ge [sflag:s23], $0x3C00  }
0x39: {  	[sflag:s23] =	ssyncset.done $0x0  }
0x3a: {  	[sflag:s23] =	ssyncadd.s32 $0xFFFFC400  }
0x3b: {  	[spmem:s17] =	stream.linear.scatter [tilespmem:s11], [sflag:$0x7], $0x3C00, $0x38;
	[tilespmem:$0x1F680] =	vst v63  }
0x3c: {  	_ =	swait.ge [sflag:s23], $0x3C00  }
0x3d: {  	[sflag:s23] =	ssyncset.done $0x0  }
0x3e: {  	[sflag:s23] =	ssyncadd.s32 $0xFFFFC400  }
0x3f: {  	[spmem:s18] =	stream.linear.scatter [tilespmem:s11], [sflag:$0x7], $0x3C00, $0x38;
	[tilespmem:$0x1F680] =	vst v63  }
0x40: {  	_ =	swait.ge [sflag:s23], $0x3C00  }
0x41: {  	[sflag:s23] =	ssyncset.done $0x0  }
0x42: {  	s21 =	rddreg [dreg:$0x4];
	[sflag:s23] =	ssyncadd.s32 $0xFFFFC400  }
0x43: {  	[spmem:s21] =	stream.linear.scatter [tilespmem:s11], [sflag:$0x7], $0x1400, $0x38;
	[tilespmem:$0x1F680] =	vst v63  }
0x44: {  	_ =	swait.ge [sflag:s23], $0x1400  }
0x45: {  	[sflag:s23] =	ssyncset.done $0x0  }
0x46: {  	[sflag:s23] =	ssyncadd.s32 $0xFFFFEC00  }
0x47: {  	[bflag:$0x0] =	sbarrier.arrive $0xFFFF  }
0x48: {  	s15 =	rddreg [dreg:$0x5]  }
0x49: {  	[tilespmem:s24], [sflag:$0x4] =	stream.linear.gather [hbm4b:s15+s11], $0x78, $0x38;
	[tilespmem:$0x1F680] =	vst v63  }
0x4a: {  	s16 =	rddreg [dreg:$0x6]  }
0x4b: {  	[tilespmem:s11], [sflag:$0x1] =	stream.linear.gather [hbm4b:s16+s11], $0x3C00, $0x38;
	[tilespmem:$0x1F680] =	vst v63  }
0x4c: {  	s20 =	rddreg [dreg:$0x7]  }
0x4d: {  	[tilespmem:s25], [sflag:$0x5] =	stream.linear.gather [hbm4b:s20+s11], $0x78, $0x38;
	[tilespmem:$0x1F680] =	vst v63  }
0x4e: {  	s21 =	rddreg [dreg:$0x8]  }
0x4f: {  	[tilespmem:s26], [sflag:$0x2] =	stream.linear.gather [hbm4b:s21+s11], $0x3C00, $0x38;
	[tilespmem:$0x1F680] =	vst v63  }
0x50: {  	_ =	swait.ge [sflag:s28], $0x78  }
0x51: {  	[sflag:s28] =	ssyncset.done $0x0  }
0x52: {  	[sflag:s28] =	ssyncadd.s32 $0xFFFFFF88  }
0x53: {  	_ =	swait.ge [sflag:s29], $0x3C00  }
0x54: {  	[sflag:s29] =	ssyncset.done $0x0  }
0x55: {  	s15 =	sadd.s32 $0x0, s19;
	[sflag:s29] =	ssyncadd.s32 $0xFFFFC400  }
0x56: {  	[tilespmem:s30], [sflag:$0x6] =	stream.linear.gather [hbm4b:s22+s4], $0x78, $0x38;
	[tilespmem:$0x1F680] =	vst v63  }
0x57: {  	s16 =	sadd.s32 $0xF00, s15  }
0x58: {  	[tilespmem:s31], [sflag:$0x3] =	stream.linear.gather [hbm4b:s16+s4], $0x3C00, $0x38;
	[tilespmem:$0x1F680] =	vst v63  }
0x59: {  	_ = 	snop  }
0x5a: {  	[spmem:s2] =	stream.indirect.scatter.add.f32 [tilespmem:s4], [sflag:$0x7], $0x80, s24, s0, $0xb8;
	[tilespmem:$0x1F680] =	vst v63  }
0x5b: {  	_ =	swait.ge [sflag:s23], $0x3C00  }
0x5c: {  	[sflag:s23] =	ssyncset.done $0x0  }
0x5d: {  	[sflag:s23] =	ssyncadd.s32 $0xFFFFC400  }
0x5e: {  	_ =	swait.ge [sflag:s3], $0x78  }
0x5f: {  	[sflag:s3] =	ssyncset.done $0x0  }
0x60: {  	[sflag:s3] =	ssyncadd.s32 $0xFFFFFF88  }
0x61: {  	_ =	swait.ge [sflag:s6], $0x3C00  }
0x62: {  	s20 =	sshrl.u32 s14, $0x3;
	[sflag:s6] =	ssyncset.done $0x0  }
0x63: {  	s12 =	sadd.s32 s1, s20;
	[sflag:s6] =	ssyncadd.s32 $0xFFFFC400  }
0x64: {  	[tilespmem:s24], [sflag:$0x4] =	stream.linear.gather [hbm4b:s12+s4], $0x78, $0x38;
	[tilespmem:$0x1F680] =	vst v63  }
0x65: {  	s21 =	sadd.s32 $0x1680, s15  }
0x66: {  	[tilespmem:s4], [sflag:$0x1] =	stream.linear.gather [hbm4b:s21+s4], $0x3C00, $0x38;
	[tilespmem:$0x1F680] =	vst v63  }
0x67: {  	_ = 	snop  }
0x68: {  	[spmem:s2] =	stream.indirect.scatter.add.f32 [tilespmem:s26], [sflag:$0x7], $0x80, s25, s0, $0xb8;
	[tilespmem:$0x1F680] =	vst v63  }
0x69: {  	_ =	swait.ge [sflag:s23], $0x3C00  }
0x6a: {  	[sflag:s23] =	ssyncset.done $0x0  }
0x6b: {  	[sflag:s23] =	ssyncadd.s32 $0xFFFFC400  }
0x6c: {  	_ =	swait.ge [sflag:s7], $0x78  }
0x6d: {  	[sflag:s7] =	ssyncset.done $0x0  }
0x6e: {  	[sflag:s7] =	ssyncadd.s32 $0xFFFFFF88  }
0x6f: {  	_ =	swait.ge [sflag:s8], $0x3C00  }
0x70: {  	[sflag:s8] =	ssyncset.done $0x0  }
0x71: {  	[sflag:s8] =	ssyncadd.s32 $0xFFFFC400  }
0x72: {  	[tilespmem:s25], [sflag:$0x5] =	stream.linear.gather [hbm4b:s13+s4], $0x78, $0x38;
	[tilespmem:$0x1F680] =	vst v63  }
0x73: {  	s11 =	sadd.s32 $0x1E00, s15  }
0x74: {  	[tilespmem:s26], [sflag:$0x2] =	stream.linear.gather [hbm4b:s11+s4], $0x3C00, $0x38;
	[tilespmem:$0x1F680] =	vst v63  }
0x75: {  	_ = 	snop  }
0x76: {  	[spmem:s2] =	stream.indirect.scatter.add.f32 [tilespmem:s31], [sflag:$0x7], $0x80, s30, s0, $0xb8;
	[tilespmem:$0x1F680] =	vst v63  }
0x77: {  	s20 =	smov.u32 s13;
	s12 =	sadd.s32 $0x2D, s22;
	_ =	swait.ge [sflag:s23], $0x3C00  }
0x78: {  	s21 =	smov.u32 s14;
	s11 =	simm.s32 $0x1680;
	[sflag:s23] =	ssyncset.done $0x0  }
.LBB2_4:
0x79: {  	[sflag:s23] =	ssyncadd.s32 $0xFFFFC400;
	s20 =	sadd.s32 $0x2D, s20;
	s21 =	sadd.s32 $0x168, s21  }
0x7a: {  	p0 =	sne.s32 s11, $0x10E00;
	s15 =	smov.u32 s11;
	s11 =	sadd.s32 $0x1680, s11  }
0x7b: {  	_ =	swait.ge [sflag:s28], $0x78  }
0x7c: {  	[sflag:s28] =	ssyncset.done $0x0  }
0x7d: {  	[sflag:s28] =	ssyncadd.s32 $0xFFFFFF88  }
0x7e: {  	_ =	swait.ge [sflag:s29], $0x3C00  }
0x7f: {  	[sflag:s29] =	ssyncset.done $0x0  }
0x80: {  	s15 =	sadd.s32 s15, s19;
	[sflag:s29] =	ssyncadd.s32 $0xFFFFC400  }
0x81: {  	[tilespmem:s30], [sflag:$0x6] =	stream.linear.gather [hbm4b:s12+s4], $0x78, $0x38;
	[tilespmem:$0x1F680] =	vst v63  }
0x82: {  	s16 =	sadd.s32 $0xF00, s15  }
0x83: {  	[tilespmem:s31], [sflag:$0x3] =	stream.linear.gather [hbm4b:s16+s4], $0x3C00, $0x38;
	[tilespmem:$0x1F680] =	vst v63  }
0x84: {  	_ = 	snop  }
0x85: {  	[spmem:s2] =	stream.indirect.scatter.add.f32 [tilespmem:s4], [sflag:$0x7], $0x80, s24, s0, $0xb8;
	[tilespmem:$0x1F680] =	vst v63  }
0x86: {  	_ =	swait.ge [sflag:s23], $0x3C00  }
0x87: {  	[sflag:s23] =	ssyncset.done $0x0  }
0x88: {  	[sflag:s23] =	ssyncadd.s32 $0xFFFFC400  }
0x89: {  	_ =	swait.ge [sflag:s3], $0x78  }
0x8a: {  	[sflag:s3] =	ssyncset.done $0x0  }
0x8b: {  	[sflag:s3] =	ssyncadd.s32 $0xFFFFFF88  }
0x8c: {  	_ =	swait.ge [sflag:s6], $0x3C00  }
0x8d: {  	s16 =	sshrl.u32 s21, $0x3;
	[sflag:s6] =	ssyncset.done $0x0  }
0x8e: {  	s16 =	sadd.s32 s1, s16;
	[sflag:s6] =	ssyncadd.s32 $0xFFFFC400  }
0x8f: {  	[tilespmem:s24], [sflag:$0x4] =	stream.linear.gather [hbm4b:s16+s4], $0x78, $0x38;
	[tilespmem:$0x1F680] =	vst v63  }
0x90: {  	s16 =	sadd.s32 $0x1680, s15  }
0x91: {  	[tilespmem:s4], [sflag:$0x1] =	stream.linear.gather [hbm4b:s16+s4], $0x3C00, $0x38;
	[tilespmem:$0x1F680] =	vst v63  }
0x92: {  	_ = 	snop  }
0x93: {  	[spmem:s2] =	stream.indirect.scatter.add.f32 [tilespmem:s26], [sflag:$0x7], $0x80, s25, s0, $0xb8;
	[tilespmem:$0x1F680] =	vst v63  }
0x94: {  	_ =	swait.ge [sflag:s23], $0x3C00  }
0x95: {  	[sflag:s23] =	ssyncset.done $0x0  }
0x96: {  	[sflag:s23] =	ssyncadd.s32 $0xFFFFC400  }
0x97: {  	_ =	swait.ge [sflag:s7], $0x78  }
0x98: {  	[sflag:s7] =	ssyncset.done $0x0  }
0x99: {  	[sflag:s7] =	ssyncadd.s32 $0xFFFFFF88  }
0x9a: {  	_ =	swait.ge [sflag:s8], $0x3C00  }
0x9b: {  	[sflag:s8] =	ssyncset.done $0x0  }
0x9c: {  	[sflag:s8] =	ssyncadd.s32 $0xFFFFC400  }
0x9d: {  	[tilespmem:s25], [sflag:$0x5] =	stream.linear.gather [hbm4b:s20+s4], $0x78, $0x38;
	[tilespmem:$0x1F680] =	vst v63  }
0x9e: {  	s15 =	sadd.s32 $0x1E00, s15  }
0x9f: {  	[tilespmem:s26], [sflag:$0x2] =	stream.linear.gather [hbm4b:s15+s4], $0x3C00, $0x38;
	[tilespmem:$0x1F680] =	vst v63  }
.Ltmp1:
0xa0: {  	_ = 	snop;
	(pc) =	sbr.rel @p0 .LBB2_4-.Ltmp1, $4  }
0xa1: {  	_ = 	snop  }
0xa2: {  	[spmem:s2] =	stream.indirect.scatter.add.f32 [tilespmem:s31], [sflag:$0x7], $0x80, s30, s0, $0xb8;
	[tilespmem:$0x1F680] =	vst v63  }
0xa3: {  	_ =	swait.ge [sflag:s23], $0x3C00  }
0xa4: {  	s12 =	sadd.s32 $0x2D, s12;
	[sflag:s23] =	ssyncset.done $0x0  }
0xa5: {  	[sflag:s23] =	ssyncadd.s32 $0xFFFFC400  }
0xa6: {  	_ =	swait.ge [sflag:s28], $0x78  }
0xa7: {  	[sflag:s28] =	ssyncset.done $0x0  }
0xa8: {  	[sflag:s28] =	ssyncadd.s32 $0xFFFFFF88  }
0xa9: {  	_ =	swait.ge [sflag:s29], $0x3C00  }
0xaa: {  	[sflag:s29] =	ssyncset.done $0x0  }
0xab: {  	[sflag:s29] =	ssyncadd.s32 $0xFFFFC400  }
0xac: {  	[spmem:s2] =	stream.indirect.scatter.add.f32 [tilespmem:s4], [sflag:$0x7], $0x80, s24, s0, $0xb8;
	[tilespmem:$0x1F680] =	vst v63  }
0xad: {  	_ =	swait.ge [sflag:s23], $0x3C00  }
0xae: {  	[sflag:s23] =	ssyncset.done $0x0  }
0xaf: {  	[sflag:s23] =	ssyncadd.s32 $0xFFFFC400  }
0xb0: {  	_ =	swait.ge [sflag:s3], $0x78  }
0xb1: {  	[sflag:s3] =	ssyncset.done $0x0  }
0xb2: {  	[sflag:s3] =	ssyncadd.s32 $0xFFFFFF88  }
0xb3: {  	_ =	swait.ge [sflag:s6], $0x3C00  }
0xb4: {  	[sflag:s6] =	ssyncset.done $0x0  }
0xb5: {  	[sflag:s6] =	ssyncadd.s32 $0xFFFFC400  }
0xb6: {  	[spmem:s2] =	stream.indirect.scatter.add.f32 [tilespmem:s26], [sflag:$0x7], $0x80, s25, s0, $0xb8;
	[tilespmem:$0x1F680] =	vst v63  }
0xb7: {  	_ =	swait.ge [sflag:s23], $0x3C00  }
0xb8: {  	[sflag:s23] =	ssyncset.done $0x0  }
0xb9: {  	s11 =	rddreg [dreg:$0x9];
	[sflag:s23] =	ssyncadd.s32 $0xFFFFC400  }
0xba: {  	[tilespmem:s9], [sflag:$0x7] =	stream.linear.gather [hbm4b:s11+s4], $0x50, $0x38;
	[tilespmem:$0x1F680] =	vst v63  }
0xbb: {  	_ =	swait.ge [sflag:s23], $0x50  }
0xbc: {  	[sflag:s23] =	ssyncset.done $0x0  }
0xbd: {  	s15 =	rddreg [dreg:$0xa];
	[sflag:s23] =	ssyncadd.s32 $0xFFFFFFB0  }
0xbe: {  	[tilespmem:s31], [sflag:$0x7] =	stream.linear.gather [hbm4b:s15+s4], $0x2800, $0x38;
	[tilespmem:$0x1F680] =	vst v63  }
0xbf: {  	_ =	swait.ge [sflag:s23], $0x2800  }
0xc0: {  	[sflag:s23] =	ssyncset.done $0x0  }
0xc1: {  	s16 =	simm.s32 $0x50;
	[sflag:s23] =	ssyncadd.s32 $0xFFFFD800  }
0xc2: {  	[spmem:s2] =	stream.indirect.scatter.add.f32 [tilespmem:s31], [sflag:$0x7], $0x80, s9, s16, $0xb8;
	[tilespmem:$0x1F680] =	vst v63  }
0xc3: {  	_ =	swait.ge [sflag:s23], $0x2800  }
0xc4: {  	[sflag:s23] =	ssyncset.done $0x0  }
0xc5: {  	s20 =	stileid.u32;
	[sflag:s23] =	ssyncadd.s32 $0xFFFFD800  }
0xc6: {  	s11 =	sshll.u32 s20, $0x6;
	[bflag:$0x0] =	sbarrier.arrive $0xFFFF  }
0xc7: {  	s12 =	sshrl.u32 s5, $0x3;
	s11 =	sor.u32 $0x1C07, s11;
	s15 =	rddreg [dreg:$0xb]  }
0xc8: {  	[hbm:s15], [sflag:s11] =	dma.local [spmem:s12], $0x2800  }
0xc9: {  	_ =	swait.ge [sflag:s23], $0x2800  }
0xca: {  	s10 =	sadd.s32 $0x1, s10;
	s21 =	rddreg [dreg:$0xc]  }
0xcb: {  	p0 =	sne.s32 s10, s21  }
.Ltmp2:
0xcc: {  	_ = 	snop;
	(pc) =	sbr.rel @p0 .LBB2_1-.Ltmp2, $3  }
0xcd: {  	_ =	sdelay $0x1  }
0xce: {  	[sflag:s23] =	ssyncset.done $0x0  }
0xcf: {  	[sflag:s23] =	ssyncadd.s32 $0xFFFFD800  }
0xd0: {  	_ =	sfence.sel $0x180000  }
0xd1: {  	[bflag:$0x0] =	sbarrier.arrive $0xFFFF  }
0xd2: {  	_ =	strace $0x9000004A  }
0xd3: {  	s0 =	stileid.u32;
	[bflag:$0x2] =	sbarrier.arrive $0xFFFF  }
0xd4: {  	p0 =	sne.s32 s0, $0x0;
	s0 =	rddreg [dreg:$0x3]  }
0xd5: {  	s0 =	sadd.s32 @!p0 $0x100000, s0  }
0xd6: {  	[sflag:s0] =	ssyncadd.tile.s32 @!p0 $0x1;
	_ =	shalt  }
.Lfunc_end2:
_tile_overlayer_lowered:
.L_overlay_start_2:
0xd7: {  	(tag) =	ssettag $0x2  }
0xd8: {  	s0 =	rddreg [dreg:$0x0];
	s2 =	stileid.u32  }
0xd9: {  	s1 =	rddreg [dreg:$0x1];
	p0 =	sne.s32 s2, $0x0  }
0xda: {  	s3 =	rddreg [dreg:$0x2];
	[bflag:$0x3] =	sbarrier.arrive $0xFFFF;
	s2 =	simm.s32 @!p0 $0x1C07  }
0xdb: {  	[timem:s3], [sflag:s2] =	dma.local @!p0 [hbm:s0], s1  }
0xdc: {  	s0 =	simm.s32 @!p0 $0x7  }
0xdd: {  	_ =	swait.ge @!p0 [sflag:s0], s1  }
0xde: {  	s1 =	ssub.s32 @!p0 $0x0, s1;
	[sflag:s0] =	ssyncset.done @!p0 $0x0  }
0xdf: {  	[sflag:s0] =	ssyncadd.s32 @!p0 s1  }
0xe0: {  	[bflag:$0x3] =	sbarrier.arrive $0xFFFF  }
0xe1: {  	_ =	shalt  }

</sc_bundles>
